<compile_context>
chip_gen: v7x
topology: tpu7x:2x2x1
jax: 0.10.2.dev20260603
libtpu: 0.0.44.dev20260713+nightly
codegen_flags: <defaults>
</compile_context>

<pallas_src>
import jax
import jax.numpy as jnp
from jax import lax
from jax.experimental import pallas as pl
from jax.experimental.pallas import tpu as pltpu
from jax.experimental.pallas import tpu_sc as plsc

NC = 2
NS = 16
NW = NC * NS
L = 16
CH = 80
THR = 1e-3
F32 = jnp.float32

_SC_PARAMS = pltpu.CompilerParams(needs_layout_passes=False)


def _worker_id():
    cid = lax.axis_index("c")
    sid = lax.axis_index("s")
    return cid, sid, sid * NC + cid


def _sc_mesh():
    return plsc.VectorSubcoreMesh(core_axis_name="c", subcore_axis_name="s")


def _scale_rows(rows, s_v, idx_d=None, deg_t=None, mask0=None):
    nj = rows.shape[1] // L

    def body(e, _):
        e16 = jnp.full((L,), e, jnp.int32)
        sb = plsc.load_gather(s_v, [e16])
        for j in range(nj):
            sl = pl.ds(j * L, L)
            rows[e, sl] = rows[e, sl] * sb
        if deg_t is not None:
            db = plsc.load_gather(idx_d, [e16])
            plsc.addupdate_scatter(deg_t, [db], jnp.abs(sb), mask=mask0)
        return 0

    lax.fori_loop(0, rows.shape[0], body, 0)


def _zero_vmem_1d(buf):
    zv = jnp.zeros((L,), F32)

    def body(i, _):
        buf[pl.ds(i * L, L)] = zv
        return 0

    lax.fori_loop(0, buf.shape[0] // L, body, 0)


def _zero_vmem_2d(buf):
    zv = jnp.zeros((L,), F32)
    nr, wdt = buf.shape

    def body(i, _):
        for j in range(wdt // L):
            buf[i, pl.ds(j * L, L)] = zv
        return 0

    lax.fori_loop(0, nr, body, 0)


def _fill_ramp(idxbuf, base):
    iota = lax.iota(jnp.int32, L)

    def b(i, _):
        idxbuf[pl.ds(i * L, L)] = iota + (base + i * L)
        return 0

    lax.fori_loop(0, idxbuf.shape[0] // L, b, 0)


def _spmem_init_zero(idxbuf, sid, zbufs_shs):
    nr = idxbuf.shape[0]
    rps = zbufs_shs[0][1].shape[0] // NS

    def blk(k, _):
        _fill_ramp(idxbuf, sid * rps + k * nr)
        for zbuf, sh in zbufs_shs:
            pltpu.sync_copy(zbuf, sh.at[idxbuf])
        return 0

    lax.fori_loop(0, rps // nr, blk, 0)


def _spmem_readout(idxbuf, cid, sid, bufs_shs_outs):
    nr = idxbuf.shape[0]
    rps = bufs_shs_outs[0][1].shape[0] // NS

    def blk(k, _):
        base = sid * rps + k * nr
        _fill_ramp(idxbuf, base)
        for buf, sh, out in bufs_shs_outs:
            pltpu.sync_copy(sh.at[idxbuf], buf)
            pltpu.sync_copy(buf, out.at[cid, pl.ds(base, nr)])
        return 0

    lax.fori_loop(0, rps // nr, blk, 0)


def _sc_agg_body(table, src, dst, w,
                 agg_out, deg_out,
                 idx_s, idx_d, w_v, rows, deg_t, sh_agg):
    cid, sid, wid = _worker_id()
    ch = idx_s.shape[0]
    epw = src.shape[0] // NW
    nch = epw // ch

    _zero_vmem_2d(rows)
    _zero_vmem_1d(deg_t)
    _spmem_init_zero(idx_s, sid, [(rows, sh_agg)])
    plsc.subcore_barrier()

    iota = lax.iota(jnp.int32, L)
    mask0 = iota == 0
    base0 = wid * epw

    def chunk(c, _):
        b = base0 + c * ch
        pltpu.sync_copy(src.at[pl.ds(b, ch)], idx_s)
        pltpu.sync_copy(dst.at[pl.ds(b, ch)], idx_d)
        pltpu.sync_copy(w.at[pl.ds(b, ch)], w_v)
        pltpu.sync_copy(table.at[idx_s], rows)
        _scale_rows(rows, w_v, idx_d, deg_t, mask0)
        pltpu.sync_copy(rows, sh_agg.at[idx_d], add=True)
        return 0

    lax.fori_loop(0, nch, chunk, 0)
    pltpu.sync_copy(deg_t, deg_out.at[wid])
    plsc.subcore_barrier()
    _spmem_readout(idx_s, cid, sid, [(rows, sh_agg, agg_out)])


def _rw_compute(i_s, i_d, w_vp, ra, rb, c, l1, base0,
                we2_v, be2_v, rw_v, rw_out, iota, zv):
    ch = i_s.shape[0]
    h = we2_v.shape[0]

    def group(g, l1g):
        w16 = w_vp[pl.ds(g * L, L)]
        eids = iota + g * L

        def feat(fq, acc):
            for u in range(4):
                f = fq * 4 + u
                f16 = jnp.full((L,), f, jnp.int32)
                av = plsc.load_gather(ra, [eids, f16])
                bv = plsc.load_gather(rb, [eids, f16])
                t = jnp.maximum(av + bv, 0.0)
                acc = acc + t * we2_v[f, pl.ds(0, L)]
            return acc

        logit = lax.fori_loop(0, h // 4, feat, zv) + be2_v[pl.ds(0, L)]
        pv = 1.0 / (1.0 + jnp.exp(-logit))
        rw = w16 * pv
        rw = jnp.where(jnp.abs(rw) > THR, rw, 0.0)
        rw_v[pl.ds(g * L, L)] = rw
        return l1g + pv

    l1 = lax.fori_loop(0, ch // L, group, l1)
    pltpu.sync_copy(rw_v, rw_out.at[pl.ds(base0 + c * ch, ch)])
    return l1


def _sc_rw_body(a_t, b_t, src, dst, w, we2, be2,
                rw_out, l1_out,
                i_s0, i_d0, w_v0, i_s1, i_d1, w_v1,
                ra0, rb0, ra1, rb1, rw_v, we2_v, be2_v, l1buf,
                sem_i, sem_g0, sem_g1):
    _, _, wid = _worker_id()
    ch = i_s0.shape[0]
    epw = src.shape[0] // NW
    nch = epw // ch

    pltpu.sync_copy(we2, we2_v)
    pltpu.sync_copy(be2, be2_v)

    iota = lax.iota(jnp.int32, L)
    zv = jnp.zeros((L,), F32)
    base0 = wid * epw

    def pair(k, l1):
        b0 = base0 + (2 * k) * ch
        b1 = b0 + ch
        di = [pltpu.async_copy(src.at[pl.ds(b0, ch)], i_s0, sem_i),
              pltpu.async_copy(dst.at[pl.ds(b0, ch)], i_d0, sem_i),
              pltpu.async_copy(w.at[pl.ds(b0, ch)], w_v0, sem_i),
              pltpu.async_copy(src.at[pl.ds(b1, ch)], i_s1, sem_i),
              pltpu.async_copy(dst.at[pl.ds(b1, ch)], i_d1, sem_i),
              pltpu.async_copy(w.at[pl.ds(b1, ch)], w_v1, sem_i)]
        for d in di:
            d.wait()
        g0 = [pltpu.async_copy(a_t.at[i_s0], ra0, sem_g0),
              pltpu.async_copy(b_t.at[i_d0], rb0, sem_g0)]
        g1 = [pltpu.async_copy(a_t.at[i_s1], ra1, sem_g1),
              pltpu.async_copy(b_t.at[i_d1], rb1, sem_g1)]
        for d in g0:
            d.wait()
        l1 = _rw_compute(i_s0, i_d0, w_v0, ra0, rb0, 2 * k, l1, base0,
                         we2_v, be2_v, rw_v, rw_out, iota, zv)
        for d in g1:
            d.wait()
        l1 = _rw_compute(i_s1, i_d1, w_v1, ra1, rb1, 2 * k + 1, l1, base0,
                         we2_v, be2_v, rw_v, rw_out, iota, zv)
        return l1

    l1 = lax.fori_loop(0, nch // 2, pair, zv)
    if nch % 2:
        c = nch - 1
        b = base0 + c * ch
        pltpu.sync_copy(src.at[pl.ds(b, ch)], i_s0)
        pltpu.sync_copy(dst.at[pl.ds(b, ch)], i_d0)
        pltpu.sync_copy(w.at[pl.ds(b, ch)], w_v0)
        pltpu.sync_copy(a_t.at[i_s0], ra0)
        pltpu.sync_copy(b_t.at[i_d0], rb0)
        l1 = _rw_compute(i_s0, i_d0, w_v0, ra0, rb0, c, l1, base0,
                         we2_v, be2_v, rw_v, rw_out, iota, zv)

    l1buf[pl.ds(0, L)] = l1
    pltpu.sync_copy(l1buf, l1_out.at[wid])


def _sc_pred_body(u_t, v_t, ps, pd, w0, w1, bp,
                  o0, o1,
                  idx_s, idx_d, rows_u, rows_v, ob0, ob1, w0_v, w1_v, bp_v):
    _, _, wid = _worker_id()
    ch = idx_s.shape[0]
    d2 = u_t.shape[1]
    epw = ps.shape[0] // NW
    nch = epw // ch

    pltpu.sync_copy(w0, w0_v)
    pltpu.sync_copy(w1, w1_v)
    pltpu.sync_copy(bp, bp_v)

    iota = lax.iota(jnp.int32, L)
    zv = jnp.zeros((L,), F32)
    base0 = wid * epw

    def chunk(c, _):
        b = base0 + c * ch
        pltpu.sync_copy(ps.at[pl.ds(b, ch)], idx_s)
        pltpu.sync_copy(pd.at[pl.ds(b, ch)], idx_d)
        pltpu.sync_copy(u_t.at[idx_s], rows_u)
        pltpu.sync_copy(v_t.at[idx_d], rows_v)

        def group(g, _):
            eids = iota + g * L

            def feat(fq, accs):
                a0, a1 = accs
                for u in range(4):
                    f = fq * 4 + u
                    f16 = jnp.full((L,), f, jnp.int32)
                    uv = plsc.load_gather(rows_u, [eids, f16])
                    vv = plsc.load_gather(rows_v, [eids, f16])
                    t = jnp.maximum(uv + vv, 0.0)
                    a0 = a0 + t * w0_v[f, pl.ds(0, L)]
                    a1 = a1 + t * w1_v[f, pl.ds(0, L)]
                return (a0, a1)

            a0, a1 = lax.fori_loop(0, d2 // 4, feat, (zv, zv))
            ob0[pl.ds(g * L, L)] = a0 + bp_v[0, pl.ds(0, L)]
            ob1[pl.ds(g * L, L)] = a1 + bp_v[1, pl.ds(0, L)]
            return 0

        lax.fori_loop(0, ch // L, group, 0)
        pltpu.sync_copy(ob0, o0.at[pl.ds(b, ch)])
        pltpu.sync_copy(ob1, o1.at[pl.ds(b, ch)])
        return 0

    lax.fori_loop(0, nch, chunk, 0)


def _tc1_body(x, aggp, degp, w1s, w1a, b1, we1a, we1b, be1,
              h1_o, a_o, b_o):
    agg = aggp[0] + aggp[1]
    deg = jnp.sum(degp[...], axis=0)
    aggn = agg / jnp.maximum(deg, 1.0)[:, None]
    h1 = jnp.tanh(jnp.dot(x[...], w1s[...], preferred_element_type=F32)
                  + jnp.dot(aggn, w1a[...], preferred_element_type=F32)
                  + b1[...])
    h1_o[...] = h1
    a_o[...] = jnp.dot(h1, we1a[...], preferred_element_type=F32)
    b_o[...] = jnp.dot(h1, we1b[...], preferred_element_type=F32) + be1[...]


def _tc2_body(h1, aggp, degp, w2s, w2a, b2, wp1a, wp1b, wp1c, wp1d, bp1,
              u_o, v_o):
    agg = aggp[0] + aggp[1]
    deg = jnp.sum(degp[...], axis=0)
    aggn = agg / jnp.maximum(deg, 1.0)[:, None]
    h1v = h1[...]
    h2 = jnp.tanh(jnp.dot(h1v, w2s[...], preferred_element_type=F32)
                  + jnp.dot(aggn, w2a[...], preferred_element_type=F32)
                  + b2[...])
    u_o[...] = (jnp.dot(h1v, wp1a[...], preferred_element_type=F32)
                + jnp.dot(h2, wp1b[...], preferred_element_type=F32)
                + bp1[...])
    v_o[...] = (jnp.dot(h1v, wp1c[...], preferred_element_type=F32)
                + jnp.dot(h2, wp1d[...], preferred_element_type=F32))


def kernel(x, edge_index, edge_weight, pred_edge_index,
           W1s, W1a, b1, We1, be1, We2, be2,
           W2s, W2a, b2, Wp1, bp1, Wp2, bp2):
    n, d_in = x.shape
    h = W1s.shape[1]
    e = edge_index.shape[1]
    p = pred_edge_index.shape[1]
    d2 = 2 * h
    src, dst = edge_index[0], edge_index[1]
    pps, ppd = pred_edge_index[0], pred_edge_index[1]

    npad = ((n + 511) // 512) * 512
    while (npad // NS) % CH:
        npad += 512

    sc_agg = pl.kernel(
        _sc_agg_body,
        out_type=[jax.ShapeDtypeStruct((NC, npad, h), F32),
                  jax.ShapeDtypeStruct((NW, npad), F32)],
        mesh=_sc_mesh(),
        compiler_params=_SC_PARAMS,
        scratch_types=[
            pltpu.VMEM((CH,), jnp.int32), pltpu.VMEM((CH,), jnp.int32),
            pltpu.VMEM((CH,), F32), pltpu.VMEM((CH, h), F32),
            pltpu.VMEM((npad,), F32),
            pltpu.VMEM_SHARED((npad, h), F32),
        ],
    )
    aggp1, degp1 = sc_agg(x, src, dst, edge_weight)

    rb = 512
    gn = pl.cdiv(n, rb)
    wspec = pl.BlockSpec((d_in, h), lambda i: (0, 0))
    bspec = pl.BlockSpec((1, h), lambda i: (0, 0))
    nspec = pl.BlockSpec((rb, h), lambda i: (i, 0))
    aggspec = pl.BlockSpec((NC, rb, h), lambda i: (0, i, 0))
    degspec = pl.BlockSpec((NW, rb), lambda i: (0, i))

    h1, a_t, b_t = pl.pallas_call(
        _tc1_body,
        grid=(gn,),
        in_specs=[nspec, aggspec, degspec, wspec, wspec, bspec,
                  wspec, wspec, bspec],
        out_specs=[nspec, nspec, nspec],
        out_shape=[jax.ShapeDtypeStruct((n, h), F32)] * 3,
    )(x, aggp1, degp1, W1s, W1a, b1.reshape(1, h),
      We1[:h], We1[h:], be1.reshape(1, h))

    we2b = jnp.broadcast_to(We2.reshape(h, 1), (h, L))
    be2b = jnp.broadcast_to(be2.reshape(1), (L,))
    sc_rw = pl.kernel(
        _sc_rw_body,
        out_type=[jax.ShapeDtypeStruct((e,), F32),
                  jax.ShapeDtypeStruct((NW, L), F32)],
        mesh=_sc_mesh(),
        compiler_params=_SC_PARAMS,
        scratch_types=[
            pltpu.VMEM((CH,), jnp.int32), pltpu.VMEM((CH,), jnp.int32),
            pltpu.VMEM((CH,), F32),
            pltpu.VMEM((CH,), jnp.int32), pltpu.VMEM((CH,), jnp.int32),
            pltpu.VMEM((CH,), F32),
            pltpu.VMEM((CH, h), F32), pltpu.VMEM((CH, h), F32),
            pltpu.VMEM((CH, h), F32), pltpu.VMEM((CH, h), F32),
            pltpu.VMEM((CH,), F32), pltpu.VMEM((h, L), F32),
            pltpu.VMEM((L,), F32), pltpu.VMEM((L,), F32),
            pltpu.SemaphoreType.DMA, pltpu.SemaphoreType.DMA,
            pltpu.SemaphoreType.DMA,
        ],
    )
    rw, l1p = sc_rw(a_t, b_t, src, dst, edge_weight, we2b, be2b)

    sc_agg2 = pl.kernel(
        _sc_agg_body,
        out_type=[jax.ShapeDtypeStruct((NC, npad, h), F32),
                  jax.ShapeDtypeStruct((NW, npad), F32)],
        mesh=_sc_mesh(),
        compiler_params=_SC_PARAMS,
        scratch_types=[
            pltpu.VMEM((CH,), jnp.int32), pltpu.VMEM((CH,), jnp.int32),
            pltpu.VMEM((CH,), F32), pltpu.VMEM((CH, h), F32),
            pltpu.VMEM((npad,), F32),
            pltpu.VMEM_SHARED((npad, h), F32),
        ],
    )
    aggp2, degp2 = sc_agg2(h1, src, dst, rw)

    n2spec = pl.BlockSpec((rb, d2), lambda i: (i, 0))
    w2spec = pl.BlockSpec((h, d2), lambda i: (0, 0))
    b2spec = pl.BlockSpec((1, d2), lambda i: (0, 0))
    u_t, v_t = pl.pallas_call(
        _tc2_body,
        grid=(gn,),
        in_specs=[nspec, aggspec, degspec, wspec, wspec, bspec,
                  w2spec, w2spec, w2spec, w2spec, b2spec],
        out_specs=[n2spec, n2spec],
        out_shape=[jax.ShapeDtypeStruct((n, d2), F32)] * 2,
    )(h1, aggp2, degp2, W2s, W2a, b2.reshape(1, h),
      Wp1[:h], Wp1[h:d2], Wp1[d2:d2 + h], Wp1[d2 + h:], bp1.reshape(1, d2))

    w0b = jnp.broadcast_to(Wp2[:, 0:1], (d2, L))
    w1b = jnp.broadcast_to(Wp2[:, 1:2], (d2, L))
    bpb = jnp.broadcast_to(bp2.reshape(2, 1), (2, L))
    sc_pred = pl.kernel(
        _sc_pred_body,
        out_type=[jax.ShapeDtypeStruct((p,), F32),
                  jax.ShapeDtypeStruct((p,), F32)],
        mesh=_sc_mesh(),
        compiler_params=_SC_PARAMS,
        scratch_types=[
            pltpu.VMEM((CH,), jnp.int32), pltpu.VMEM((CH,), jnp.int32),
            pltpu.VMEM((CH, d2), F32), pltpu.VMEM((CH, d2), F32),
            pltpu.VMEM((CH,), F32), pltpu.VMEM((CH,), F32),
            pltpu.VMEM((d2, L), F32), pltpu.VMEM((d2, L), F32),
            pltpu.VMEM((2, L), F32),
        ],
    )
    o0, o1 = sc_pred(u_t, v_t, pps, ppd, w0b, w1b, bpb)

    logits = jnp.stack([o0, o1], axis=1)
    l1_reg = jnp.sum(l1p) / e
    return logits, l1_reg

# --- scband reference (transcript-rebuilt; emitter-appended) ---
"""Pipeline reference for scband-three-stage-sgnn-10462540333357 (READ-ONLY COPY).

The authoritative reference and input builder live on the scoring server;
editing this copy changes nothing except your own understanding.
"""

import jax, jax.numpy as jnp
import numpy as np

N = 10000
E = 320000
P = 64000
D_IN = 128
H = 128
C = 2
THRESH = 1e-3


def _encoder(x, src, dst, w, W_self, W_agg, b):
    # signed-GCN style weighted mean aggregation over incoming edges
    msg = x[src] * w[:, None]
    agg = jax.ops.segment_sum(msg, dst, num_segments=x.shape[0])
    deg = jax.ops.segment_sum(jnp.abs(w), dst, num_segments=x.shape[0])
    agg = agg / jnp.maximum(deg, 1.0)[:, None]
    return jnp.tanh(x @ W_self + agg @ W_agg + b)


def setup_inputs(seed: int = 0):
    key = jax.random.key(seed)
    ks = jax.random.split(key, 20)

    def gl(k, shape, fan_in):
        return jax.random.normal(k, shape, jnp.float32) * (1.0 / np.sqrt(fan_in))

    x = jax.random.normal(ks[0], (N, D_IN), jnp.float32)
    edge_index = jax.random.randint(ks[1], (2, E), 0, N, dtype=jnp.int32)
    edge_weight = jax.random.normal(ks[2], (E,), jnp.float32)
    pred_edge_index = jax.random.randint(ks[3], (2, P), 0, N, dtype=jnp.int32)

    # encoder1 (in -> hidden)
    W1s = gl(ks[4], (D_IN, H), D_IN)
    W1a = gl(ks[5], (D_IN, H), D_IN)
    b1 = jnp.zeros((H,), jnp.float32)
    # learnable edge pruning MLP (gumbel-sigmoid, eval mode: plain sigmoid, temp=1)
    We1 = gl(ks[6], (2 * H, H), 2 * H)
    be1 = jnp.zeros((H,), jnp.float32)
    We2 = gl(ks[7], (H, 1), H)
    be2 = jnp.zeros((1,), jnp.float32)
    # encoder2 (hidden -> hidden)
    W2s = gl(ks[8], (H, H), H)
    W2a = gl(ks[9], (H, H), H)
    b2 = jnp.zeros((H,), jnp.float32)
    # edge predictor on fused (concat) embeddings: final_dim = 2H, edge feat = 4H
    Wp1 = gl(ks[10], (4 * H, 2 * H), 4 * H)
    bp1 = jnp.zeros((2 * H,), jnp.float32)
    Wp2 = gl(ks[11], (2 * H, C), 2 * H)
    bp2 = jnp.zeros((C,), jnp.float32)

    return {
        'x': x, 'edge_index': edge_index, 'edge_weight': edge_weight,
        'pred_edge_index': pred_edge_index,
        'W1s': W1s, 'W1a': W1a, 'b1': b1,
        'We1': We1, 'be1': be1, 'We2': We2, 'be2': be2,
        'W2s': W2s, 'W2a': W2a, 'b2': b2,
        'Wp1': Wp1, 'bp1': bp1, 'Wp2': Wp2, 'bp2': bp2,
    }


def reference(x, edge_index, edge_weight, pred_edge_index,
              W1s, W1a, b1, We1, be1, We2, be2,
              W2s, W2a, b2, Wp1, bp1, Wp2, bp2):
    src, dst = edge_index[0], edge_index[1]
    # Stage 2: encoder1 -> h1
    h1 = _encoder(x, src, dst, edge_weight, W1s, W1a, b1)
    # Stage 3: learnable edge pruning (gumbel-sigmoid, soft / eval)
    ef = jnp.concatenate([h1[src], h1[dst]], axis=1)
    eh = jax.nn.relu(ef @ We1 + be1)
    logit = (eh @ We2 + be2)[:, 0]
    edge_probs = jax.nn.sigmoid(logit)
    l1_reg = jnp.mean(edge_probs)
    refined_weight = edge_weight * edge_probs
    mask = jnp.abs(refined_weight) > THRESH
    refined_weight = jnp.where(mask, refined_weight, 0.0)
    # Stage 4: encoder2 on refined graph (zero-weight edges contribute nothing)
    h2 = _encoder(h1, src, dst, refined_weight, W2s, W2a, b2)
    h_fused = jnp.concatenate([h1, h2], axis=1)
    # edge sign prediction on pred_edge_index
    ps, pd = pred_edge_index[0], pred_edge_index[1]
    feat = jnp.concatenate([h_fused[ps], h_fused[pd]], axis=1)
    logits = jax.nn.relu(feat @ Wp1 + bp1) @ Wp2 + bp2
    return logits, l1_reg

if __name__ == "__main__":
    import jax
    _d = setup_inputs()
    print(jax.jit(kernel)(*tuple(_d.values())))

</pallas_src>

<mosaic_0001>
#map = affine_map<(d0, d1) -> (0, 0)>
#map1 = affine_map<(d0, d1) -> (0)>
module attributes {stable_mosaic.version = 14 : i64} {
  func.func @_sc_pred_body(%arg0: i32, %arg1: i32, %arg2: memref<10000x256xf32, #tpu.memory_space<hbm>>, %arg3: memref<10000x256xf32, #tpu.memory_space<hbm>>, %arg4: memref<64000xi32, #tpu.memory_space<hbm>>, %arg5: memref<64000xi32, #tpu.memory_space<hbm>>, %arg6: memref<256x16xf32, #tpu.memory_space<hbm>>, %arg7: memref<256x16xf32, #tpu.memory_space<hbm>>, %arg8: memref<2x16xf32, #tpu.memory_space<hbm>>, %arg9: memref<64000xf32, #tpu.memory_space<hbm>>, %arg10: memref<64000xf32, #tpu.memory_space<hbm>>, %arg11: memref<80xi32, #tpu.memory_space<vmem>>, %arg12: memref<80xi32, #tpu.memory_space<vmem>>, %arg13: memref<80x256xf32, #tpu.memory_space<vmem>>, %arg14: memref<80x256xf32, #tpu.memory_space<vmem>>, %arg15: memref<80xf32, #tpu.memory_space<vmem>>, %arg16: memref<80xf32, #tpu.memory_space<vmem>>, %arg17: memref<256x16xf32, #tpu.memory_space<vmem>>, %arg18: memref<256x16xf32, #tpu.memory_space<vmem>>, %arg19: memref<2x16xf32, #tpu.memory_space<vmem>>) attributes {dimension_semantics = [#tpu.dimension_semantics<core_parallel>, #tpu.dimension_semantics<subcore_parallel>], iteration_bounds = array<i64: 2, 16>, scalar_prefetch = 0 : i64, scratch_operands = 9 : i64, tpu.core_type = #tpu.core_type<sc_vector_subcore>, window_params = [{transform_indices = #map}, {transform_indices = #map}, {transform_indices = #map1}, {transform_indices = #map1}, {transform_indices = #map}, {transform_indices = #map}, {transform_indices = #map}, {transform_indices = #map1}, {transform_indices = #map1}]} {
    %mul3A = arith.constant 2 : i32
    %mul3A_0 = arith.muli %arg1, %mul3A : i32
    %add3A = arith.addi %mul3A_0, %arg0 : i32
    "tpu.region"() ({
      %run_scoped3A = tpu.sem_alloc : memref<!tpu.dma_semaphore, #tpu.memory_space<semaphore_mem>>
      tpu.enqueue_dma source(%arg6 : memref<256x16xf32, #tpu.memory_space<hbm>>) target(%arg17 : memref<256x16xf32, #tpu.memory_space<vmem>>) target_semaphore(%run_scoped3A : memref<!tpu.dma_semaphore, #tpu.memory_space<semaphore_mem>>)
      tpu.wait_dma2 semaphore(%run_scoped3A : memref<!tpu.dma_semaphore, #tpu.memory_space<semaphore_mem>>) src(%arg6 : memref<256x16xf32, #tpu.memory_space<hbm>>) dst(%arg17 : memref<256x16xf32, #tpu.memory_space<vmem>>)
      tpu.yield
    }) : () -> ()
    "tpu.region"() ({
      %run_scoped3A = tpu.sem_alloc : memref<!tpu.dma_semaphore, #tpu.memory_space<semaphore_mem>>
      tpu.enqueue_dma source(%arg7 : memref<256x16xf32, #tpu.memory_space<hbm>>) target(%arg18 : memref<256x16xf32, #tpu.memory_space<vmem>>) target_semaphore(%run_scoped3A : memref<!tpu.dma_semaphore, #tpu.memory_space<semaphore_mem>>)
      tpu.wait_dma2 semaphore(%run_scoped3A : memref<!tpu.dma_semaphore, #tpu.memory_space<semaphore_mem>>) src(%arg7 : memref<256x16xf32, #tpu.memory_space<hbm>>) dst(%arg18 : memref<256x16xf32, #tpu.memory_space<vmem>>)
      tpu.yield
    }) : () -> ()
    "tpu.region"() ({
      %run_scoped3A = tpu.sem_alloc : memref<!tpu.dma_semaphore, #tpu.memory_space<semaphore_mem>>
      tpu.enqueue_dma source(%arg8 : memref<2x16xf32, #tpu.memory_space<hbm>>) target(%arg19 : memref<2x16xf32, #tpu.memory_space<vmem>>) target_semaphore(%run_scoped3A : memref<!tpu.dma_semaphore, #tpu.memory_space<semaphore_mem>>)
      tpu.wait_dma2 semaphore(%run_scoped3A : memref<!tpu.dma_semaphore, #tpu.memory_space<semaphore_mem>>) src(%arg8 : memref<2x16xf32, #tpu.memory_space<hbm>>) dst(%arg19 : memref<2x16xf32, #tpu.memory_space<vmem>>)
      tpu.yield
    }) : () -> ()
    %iota3A = tpu.iota {dimensions = array<i32: 0>} : vector<16xi32>
    %broadcast_in_dim3A = arith.constant 0.000000e+00 : f32
    %broadcast_in_dim3A_1 = vector.broadcast %broadcast_in_dim3A : f32 to vector<16xf32>
    %mul3A_2 = arith.constant 2000 : i32
    %mul3A_3 = arith.muli %add3A, %mul3A_2 : i32
    %scan3A = arith.constant 0 : i32
    %scan3A_4 = arith.constant 0 : i32
    %scan3A_5 = arith.constant 25 : i32
    %scan3A_6 = arith.addi %scan3A_4, %scan3A_5 : i32
    %scan3A_7 = arith.constant 1 : i32
    %scan3A_8 = scf.for %scan3A_10 = %scan3A_4 to %scan3A_6 step %scan3A_7 iter_args(%scan3A_11 = %scan3A) -> (i32)  : i32 {
      %mul3A_12 = arith.constant 80 : i32
      %mul3A_13 = arith.muli %scan3A_10, %mul3A_12 : i32
      %add3A_14 = arith.addi %mul3A_3, %mul3A_13 : i32
      "tpu.region"() ({
        %run_scoped3A = tpu.sem_alloc : memref<!tpu.dma_semaphore, #tpu.memory_space<semaphore_mem>>
        %dma_start3A = tpu.memref_slice %arg4[%add3A_14] : memref<64000xi32, #tpu.memory_space<hbm>> -> memref<80xi32, #tpu.memory_space<hbm>>
        %dma_start3A_23 = tpu.memref_slice %arg4[%add3A_14] : memref<64000xi32, #tpu.memory_space<hbm>> -> memref<80xi32, #tpu.memory_space<hbm>>
        tpu.enqueue_dma source(%dma_start3A_23 : memref<80xi32, #tpu.memory_space<hbm>>) target(%arg11 : memref<80xi32, #tpu.memory_space<vmem>>) target_semaphore(%run_scoped3A : memref<!tpu.dma_semaphore, #tpu.memory_space<semaphore_mem>>)
        %dma_wait3A = tpu.memref_slice %arg4[%add3A_14] : memref<64000xi32, #tpu.memory_space<hbm>> -> memref<80xi32, #tpu.memory_space<hbm>>
        %dma_wait3A_24 = tpu.memref_slice %arg4[%add3A_14] : memref<64000xi32, #tpu.memory_space<hbm>> -> memref<80xi32, #tpu.memory_space<hbm>>
        tpu.wait_dma2 semaphore(%run_scoped3A : memref<!tpu.dma_semaphore, #tpu.memory_space<semaphore_mem>>) src(%dma_wait3A_24 : memref<80xi32, #tpu.memory_space<hbm>>) dst(%arg11 : memref<80xi32, #tpu.memory_space<vmem>>)
        tpu.yield
      }) : () -> ()
      "tpu.region"() ({
        %run_scoped3A = tpu.sem_alloc : memref<!tpu.dma_semaphore, #tpu.memory_space<semaphore_mem>>
        %dma_start3A = tpu.memref_slice %arg5[%add3A_14] : memref<64000xi32, #tpu.memory_space<hbm>> -> memref<80xi32, #tpu.memory_space<hbm>>
        %dma_start3A_23 = tpu.memref_slice %arg5[%add3A_14] : memref<64000xi32, #tpu.memory_space<hbm>> -> memref<80xi32, #tpu.memory_space<hbm>>
        tpu.enqueue_dma source(%dma_start3A_23 : memref<80xi32, #tpu.memory_space<hbm>>) target(%arg12 : memref<80xi32, #tpu.memory_space<vmem>>) target_semaphore(%run_scoped3A : memref<!tpu.dma_semaphore, #tpu.memory_space<semaphore_mem>>)
        %dma_wait3A = tpu.memref_slice %arg5[%add3A_14] : memref<64000xi32, #tpu.memory_space<hbm>> -> memref<80xi32, #tpu.memory_space<hbm>>
        %dma_wait3A_24 = tpu.memref_slice %arg5[%add3A_14] : memref<64000xi32, #tpu.memory_space<hbm>> -> memref<80xi32, #tpu.memory_space<hbm>>
        tpu.wait_dma2 semaphore(%run_scoped3A : memref<!tpu.dma_semaphore, #tpu.memory_space<semaphore_mem>>) src(%dma_wait3A_24 : memref<80xi32, #tpu.memory_space<hbm>>) dst(%arg12 : memref<80xi32, #tpu.memory_space<vmem>>)
        tpu.yield
      }) : () -> ()
      "tpu.region"() ({
        %run_scoped3A = tpu.sem_alloc : memref<!tpu.dma_semaphore, #tpu.memory_space<semaphore_mem>>
        %dma_start3A = arith.constant 0 : i32
        %dma_start3A_23 = arith.constant 0 : i32
        %dma_start3A_24 = tpu.memref_slice %arg2[%dma_start3A, %dma_start3A_23] : memref<10000x256xf32, #tpu.memory_space<hbm>> -> memref<10000x256xf32, #tpu.memory_space<hbm>>
        tpu.enqueue_indirect_dma source(%dma_start3A_24 : memref<10000x256xf32, #tpu.memory_space<hbm>>) target(%arg13 : memref<80x256xf32, #tpu.memory_space<vmem>>) offsets(%arg11 : memref<80xi32, #tpu.memory_space<vmem>>) semaphore(%run_scoped3A : memref<!tpu.dma_semaphore, #tpu.memory_space<semaphore_mem>>)
        %dma_wait3A = arith.constant 0 : i32
        %dma_wait3A_25 = arith.constant 0 : i32
        %dma_wait3A_26 = tpu.memref_slice %arg2[%dma_wait3A, %dma_wait3A_25] : memref<10000x256xf32, #tpu.memory_space<hbm>> -> memref<10000x256xf32, #tpu.memory_space<hbm>>
        tpu.wait_indirect_dma semaphore(%run_scoped3A : memref<!tpu.dma_semaphore, #tpu.memory_space<semaphore_mem>>) src(%dma_wait3A_26 : memref<10000x256xf32, #tpu.memory_space<hbm>>) dst(%arg13 : memref<80x256xf32, #tpu.memory_space<vmem>>)
        tpu.yield
      }) : () -> ()
      "tpu.region"() ({
        %run_scoped3A = tpu.sem_alloc : memref<!tpu.dma_semaphore, #tpu.memory_space<semaphore_mem>>
        %dma_start3A = arith.constant 0 : i32
        %dma_start3A_23 = arith.constant 0 : i32
        %dma_start3A_24 = tpu.memref_slice %arg3[%dma_start3A, %dma_start3A_23] : memref<10000x256xf32, #tpu.memory_space<hbm>> -> memref<10000x256xf32, #tpu.memory_space<hbm>>
        tpu.enqueue_indirect_dma source(%dma_start3A_24 : memref<10000x256xf32, #tpu.memory_space<hbm>>) target(%arg14 : memref<80x256xf32, #tpu.memory_space<vmem>>) offsets(%arg12 : memref<80xi32, #tpu.memory_space<vmem>>) semaphore(%run_scoped3A : memref<!tpu.dma_semaphore, #tpu.memory_space<semaphore_mem>>)
        %dma_wait3A = arith.constant 0 : i32
        %dma_wait3A_25 = arith.constant 0 : i32
        %dma_wait3A_26 = tpu.memref_slice %arg3[%dma_wait3A, %dma_wait3A_25] : memref<10000x256xf32, #tpu.memory_space<hbm>> -> memref<10000x256xf32, #tpu.memory_space<hbm>>
        tpu.wait_indirect_dma semaphore(%run_scoped3A : memref<!tpu.dma_semaphore, #tpu.memory_space<semaphore_mem>>) src(%dma_wait3A_26 : memref<10000x256xf32, #tpu.memory_space<hbm>>) dst(%arg14 : memref<80x256xf32, #tpu.memory_space<vmem>>)
        tpu.yield
      }) : () -> ()
      %scan3A_15 = arith.constant 0 : i32
      %scan3A_16 = arith.constant 0 : i32
      %scan3A_17 = arith.constant 5 : i32
      %scan3A_18 = arith.addi %scan3A_16, %scan3A_17 : i32
      %scan3A_19 = arith.constant 1 : i32
      %scan3A_20 = scf.for %scan3A_23 = %scan3A_16 to %scan3A_18 step %scan3A_19 iter_args(%scan3A_24 = %scan3A_15) -> (i32)  : i32 {
        %mul3A_25 = arith.constant 16 : i32
        %mul3A_26 = arith.muli %scan3A_23, %mul3A_25 : i32
        %add3A_27 = vector.broadcast %mul3A_26 : i32 to vector<16xi32>
        %add3A_28 = arith.addi %iota3A, %add3A_27 : vector<16xi32>
        %scan3A_29 = arith.constant 0 : i32
        %scan3A_30 = arith.constant 64 : i32
        %scan3A_31 = arith.addi %scan3A_29, %scan3A_30 : i32
        %scan3A_32 = arith.constant 1 : i32
        %scan3A_33:2 = scf.for %scan3A_52 = %scan3A_29 to %scan3A_31 step %scan3A_32 iter_args(%scan3A_53 = %broadcast_in_dim3A_1, %scan3A_54 = %broadcast_in_dim3A_1) -> (vector<16xf32>, vector<16xf32>)  : i32 {
          %mul3A_55 = arith.constant 4 : i32
          %mul3A_56 = arith.muli %scan3A_52, %mul3A_55 : i32
          %add3A_57 = arith.constant 0 : i32
          %add3A_58 = arith.addi %mul3A_56, %add3A_57 : i32
          %broadcast_in_dim3A_59 = vector.broadcast %add3A_58 : i32 to vector<16xi32>
          %gather3A = tpu.vector_load_idx %arg13[%add3A_28, %broadcast_in_dim3A_59] : memref<80x256xf32, #tpu.memory_space<vmem>>[vector<16xi32>, vector<16xi32>], vector<16xf32>,
          %gather3A_60 = tpu.vector_load_idx %arg14[%add3A_28, %broadcast_in_dim3A_59] : memref<80x256xf32, #tpu.memory_space<vmem>>[vector<16xi32>, vector<16xi32>], vector<16xf32>,
          %add3A_61 = arith.addf %gather3A, %gather3A_60 : vector<16xf32>
          %max3A = arith.constant 0.000000e+00 : f32
          %max3A_62 = vector.broadcast %max3A : f32 to vector<16xf32>
          %max3A_63 = arith.maximumf %add3A_61, %max3A_62 : vector<16xf32>
          %get3A_64 = arith.index_cast %add3A_58 : i32 to index
          %get3A_65 = arith.constant 0 : index
          %get3A_66 = tpu.vector_load %arg17[%get3A_64, %get3A_65] {strides = array<i32>} : memref<256x16xf32, #tpu.memory_space<vmem>>, vector<16xf32>,
          %mul3A_67 = arith.mulf %max3A_63, %get3A_66 : vector<16xf32>
          %add3A_68 = arith.addf %scan3A_53, %mul3A_67 : vector<16xf32>
          %get3A_69 = arith.index_cast %add3A_58 : i32 to index
          %get3A_70 = arith.constant 0 : index
          %get3A_71 = tpu.vector_load %arg18[%get3A_69, %get3A_70] {strides = array<i32>} : memref<256x16xf32, #tpu.memory_space<vmem>>, vector<16xf32>,
          %mul3A_72 = arith.mulf %max3A_63, %get3A_71 : vector<16xf32>
          %add3A_73 = arith.addf %scan3A_54, %mul3A_72 : vector<16xf32>
          %mul3A_74 = arith.constant 4 : i32
          %mul3A_75 = arith.muli %scan3A_52, %mul3A_74 : i32
          %add3A_76 = arith.constant 1 : i32
          %add3A_77 = arith.addi %mul3A_75, %add3A_76 : i32
          %broadcast_in_dim3A_78 = vector.broadcast %add3A_77 : i32 to vector<16xi32>
          %gather3A_79 = tpu.vector_load_idx %arg13[%add3A_28, %broadcast_in_dim3A_78] : memref<80x256xf32, #tpu.memory_space<vmem>>[vector<16xi32>, vector<16xi32>], vector<16xf32>,
          %gather3A_80 = tpu.vector_load_idx %arg14[%add3A_28, %broadcast_in_dim3A_78] : memref<80x256xf32, #tpu.memory_space<vmem>>[vector<16xi32>, vector<16xi32>], vector<16xf32>,
          %add3A_81 = arith.addf %gather3A_79, %gather3A_80 : vector<16xf32>
          %max3A_82 = arith.constant 0.000000e+00 : f32
          %max3A_83 = vector.broadcast %max3A_82 : f32 to vector<16xf32>
          %max3A_84 = arith.maximumf %add3A_81, %max3A_83 : vector<16xf32>
          %get3A_85 = arith.index_cast %add3A_77 : i32 to index
          %get3A_86 = arith.constant 0 : index
          %get3A_87 = tpu.vector_load %arg17[%get3A_85, %get3A_86] {strides = array<i32>} : memref<256x16xf32, #tpu.memory_space<vmem>>, vector<16xf32>,
          %mul3A_88 = arith.mulf %max3A_84, %get3A_87 : vector<16xf32>
          %add3A_89 = arith.addf %add3A_68, %mul3A_88 : vector<16xf32>
          %get3A_90 = arith.index_cast %add3A_77 : i32 to index
          %get3A_91 = arith.constant 0 : index
          %get3A_92 = tpu.vector_load %arg18[%get3A_90, %get3A_91] {strides = array<i32>} : memref<256x16xf32, #tpu.memory_space<vmem>>, vector<16xf32>,
          %mul3A_93 = arith.mulf %max3A_84, %get3A_92 : vector<16xf32>
          %add3A_94 = arith.addf %add3A_73, %mul3A_93 : vector<16xf32>
          %mul3A_95 = arith.constant 4 : i32
          %mul3A_96 = arith.muli %scan3A_52, %mul3A_95 : i32
          %add3A_97 = arith.constant 2 : i32
          %add3A_98 = arith.addi %mul3A_96, %add3A_97 : i32
          %broadcast_in_dim3A_99 = vector.broadcast %add3A_98 : i32 to vector<16xi32>
          %gather3A_100 = tpu.vector_load_idx %arg13[%add3A_28, %broadcast_in_dim3A_99] : memref<80x256xf32, #tpu.memory_space<vmem>>[vector<16xi32>, vector<16xi32>], vector<16xf32>,
          %gather3A_101 = tpu.vector_load_idx %arg14[%add3A_28, %broadcast_in_dim3A_99] : memref<80x256xf32, #tpu.memory_space<vmem>>[vector<16xi32>, vector<16xi32>], vector<16xf32>,
          %add3A_102 = arith.addf %gather3A_100, %gather3A_101 : vector<16xf32>
          %max3A_103 = arith.constant 0.000000e+00 : f32
          %max3A_104 = vector.broadcast %max3A_103 : f32 to vector<16xf32>
          %max3A_105 = arith.maximumf %add3A_102, %max3A_104 : vector<16xf32>
          %get3A_106 = arith.index_cast %add3A_98 : i32 to index
          %get3A_107 = arith.constant 0 : index
          %get3A_108 = tpu.vector_load %arg17[%get3A_106, %get3A_107] {strides = array<i32>} : memref<256x16xf32, #tpu.memory_space<vmem>>, vector<16xf32>,
          %mul3A_109 = arith.mulf %max3A_105, %get3A_108 : vector<16xf32>
          %add3A_110 = arith.addf %add3A_89, %mul3A_109 : vector<16xf32>
          %get3A_111 = arith.index_cast %add3A_98 : i32 to index
          %get3A_112 = arith.constant 0 : index
          %get3A_113 = tpu.vector_load %arg18[%get3A_111, %get3A_112] {strides = array<i32>} : memref<256x16xf32, #tpu.memory_space<vmem>>, vector<16xf32>,
          %mul3A_114 = arith.mulf %max3A_105, %get3A_113 : vector<16xf32>
          %add3A_115 = arith.addf %add3A_94, %mul3A_114 : vector<16xf32>
          %mul3A_116 = arith.constant 4 : i32
          %mul3A_117 = arith.muli %scan3A_52, %mul3A_116 : i32
          %add3A_118 = arith.constant 3 : i32
          %add3A_119 = arith.addi %mul3A_117, %add3A_118 : i32
          %broadcast_in_dim3A_120 = vector.broadcast %add3A_119 : i32 to vector<16xi32>
          %gather3A_121 = tpu.vector_load_idx %arg13[%add3A_28, %broadcast_in_dim3A_120] : memref<80x256xf32, #tpu.memory_space<vmem>>[vector<16xi32>, vector<16xi32>], vector<16xf32>,
          %gather3A_122 = tpu.vector_load_idx %arg14[%add3A_28, %broadcast_in_dim3A_120] : memref<80x256xf32, #tpu.memory_space<vmem>>[vector<16xi32>, vector<16xi32>], vector<16xf32>,
          %add3A_123 = arith.addf %gather3A_121, %gather3A_122 : vector<16xf32>
          %max3A_124 = arith.constant 0.000000e+00 : f32
          %max3A_125 = vector.broadcast %max3A_124 : f32 to vector<16xf32>
          %max3A_126 = arith.maximumf %add3A_123, %max3A_125 : vector<16xf32>
          %get3A_127 = arith.index_cast %add3A_119 : i32 to index
          %get3A_128 = arith.constant 0 : index
          %get3A_129 = tpu.vector_load %arg17[%get3A_127, %get3A_128] {strides = array<i32>} : memref<256x16xf32, #tpu.memory_space<vmem>>, vector<16xf32>,
          %mul3A_130 = arith.mulf %max3A_126, %get3A_129 : vector<16xf32>
          %add3A_131 = arith.addf %add3A_110, %mul3A_130 : vector<16xf32>
          %get3A_132 = arith.index_cast %add3A_119 : i32 to index
          %get3A_133 = arith.constant 0 : index
          %get3A_134 = tpu.vector_load %arg18[%get3A_132, %get3A_133] {strides = array<i32>} : memref<256x16xf32, #tpu.memory_space<vmem>>, vector<16xf32>,
          %mul3A_135 = arith.mulf %max3A_126, %get3A_134 : vector<16xf32>
          %add3A_136 = arith.addf %add3A_115, %mul3A_135 : vector<16xf32>
          scf.yield %add3A_131, %add3A_136 : vector<16xf32>, vector<16xf32>
        }
        %scan3A_34 = arith.constant 64 : i32
        %get3A = arith.constant 0 : i32
        %get3A_35 = arith.index_cast %get3A : i32 to index
        %get3A_36 = arith.constant 0 : index
        %get3A_37 = tpu.vector_load %arg19[%get3A_35, %get3A_36] {strides = array<i32>} : memref<2x16xf32, #tpu.memory_space<vmem>>, vector<16xf32>,
        %add3A_38 = arith.addf %scan3A_33#0, %get3A_37 : vector<16xf32>
        %mul3A_39 = arith.constant 16 : i32
        %mul3A_40 = arith.muli %scan3A_23, %mul3A_39 : i32
        %swap3A = arith.index_cast %mul3A_40 : i32 to index
        %swap3A_41 = tpu.vector_load %arg15[%swap3A] {strides = array<i32>} : memref<80xf32, #tpu.memory_space<vmem>>, vector<16xf32>,
        tpu.vector_store %arg15[%swap3A], %add3A_38 {strides = array<i32>} : memref<80xf32, #tpu.memory_space<vmem>>, vector<16xf32>,
        %get3A_42 = arith.constant 1 : i32
        %get3A_43 = arith.index_cast %get3A_42 : i32 to index
        %get3A_44 = arith.constant 0 : index
        %get3A_45 = tpu.vector_load %arg19[%get3A_43, %get3A_44] {strides = array<i32>} : memref<2x16xf32, #tpu.memory_space<vmem>>, vector<16xf32>,
        %add3A_46 = arith.addf %scan3A_33#1, %get3A_45 : vector<16xf32>
        %mul3A_47 = arith.constant 16 : i32
        %mul3A_48 = arith.muli %scan3A_23, %mul3A_47 : i32
        %swap3A_49 = arith.index_cast %mul3A_48 : i32 to index
        %swap3A_50 = tpu.vector_load %arg16[%swap3A_49] {strides = array<i32>} : memref<80xf32, #tpu.memory_space<vmem>>, vector<16xf32>,
        tpu.vector_store %arg16[%swap3A_49], %add3A_46 {strides = array<i32>} : memref<80xf32, #tpu.memory_space<vmem>>, vector<16xf32>,
        %scan3A_51 = arith.constant 0 : i32
        scf.yield %scan3A_51 : i32
      }
      %scan3A_21 = arith.constant 5 : i32
      "tpu.region"() ({
        %run_scoped3A = tpu.sem_alloc : memref<!tpu.dma_semaphore, #tpu.memory_space<semaphore_mem>>
        %dma_start3A = tpu.memref_slice %arg9[%add3A_14] : memref<64000xf32, #tpu.memory_space<hbm>> -> memref<80xf32, #tpu.memory_space<hbm>>
        %dma_start3A_23 = tpu.memref_slice %arg9[%add3A_14] : memref<64000xf32, #tpu.memory_space<hbm>> -> memref<80xf32, #tpu.memory_space<hbm>>
        tpu.enqueue_dma source(%arg15 : memref<80xf32, #tpu.memory_space<vmem>>) target(%dma_start3A_23 : memref<80xf32, #tpu.memory_space<hbm>>) target_semaphore(%run_scoped3A : memref<!tpu.dma_semaphore, #tpu.memory_space<semaphore_mem>>)
        %dma_wait3A = tpu.memref_slice %arg9[%add3A_14] : memref<64000xf32, #tpu.memory_space<hbm>> -> memref<80xf32, #tpu.memory_space<hbm>>
        %dma_wait3A_24 = tpu.memref_slice %arg9[%add3A_14] : memref<64000xf32, #tpu.memory_space<hbm>> -> memref<80xf32, #tpu.memory_space<hbm>>
        tpu.wait_dma2 semaphore(%run_scoped3A : memref<!tpu.dma_semaphore, #tpu.memory_space<semaphore_mem>>) src(%arg15 : memref<80xf32, #tpu.memory_space<vmem>>) dst(%dma_wait3A_24 : memref<80xf32, #tpu.memory_space<hbm>>)
        tpu.yield
      }) : () -> ()
      "tpu.region"() ({
        %run_scoped3A = tpu.sem_alloc : memref<!tpu.dma_semaphore, #tpu.memory_space<semaphore_mem>>
        %dma_start3A = tpu.memref_slice %arg10[%add3A_14] : memref<64000xf32, #tpu.memory_space<hbm>> -> memref<80xf32, #tpu.memory_space<hbm>>
        %dma_start3A_23 = tpu.memref_slice %arg10[%add3A_14] : memref<64000xf32, #tpu.memory_space<hbm>> -> memref<80xf32, #tpu.memory_space<hbm>>
        tpu.enqueue_dma source(%arg16 : memref<80xf32, #tpu.memory_space<vmem>>) target(%dma_start3A_23 : memref<80xf32, #tpu.memory_space<hbm>>) target_semaphore(%run_scoped3A : memref<!tpu.dma_semaphore, #tpu.memory_space<semaphore_mem>>)
        %dma_wait3A = tpu.memref_slice %arg10[%add3A_14] : memref<64000xf32, #tpu.memory_space<hbm>> -> memref<80xf32, #tpu.memory_space<hbm>>
        %dma_wait3A_24 = tpu.memref_slice %arg10[%add3A_14] : memref<64000xf32, #tpu.memory_space<hbm>> -> memref<80xf32, #tpu.memory_space<hbm>>
        tpu.wait_dma2 semaphore(%run_scoped3A : memref<!tpu.dma_semaphore, #tpu.memory_space<semaphore_mem>>) src(%arg16 : memref<80xf32, #tpu.memory_space<vmem>>) dst(%dma_wait3A_24 : memref<80xf32, #tpu.memory_space<hbm>>)
        tpu.yield
      }) : () -> ()
      %scan3A_22 = arith.constant 0 : i32
      scf.yield %scan3A_22 : i32
    }
    %scan3A_9 = arith.constant 25 : i32
    return
  }
}

#map = affine_map<(d0, d1) -> (0, 0)>
#map1 = affine_map<(d0, d1) -> (0)>
#map2 = affine_map<(d0, d1) -> (0, 0, 0)>
module attributes {stable_mosaic.version = 14 : i64} {
  func.func @_sc_agg_body(%arg0: i32, %arg1: i32, %arg2: memref<10000x128xf32, #tpu.memory_space<hbm>>, %arg3: memref<320000xi32, #tpu.memory_space<hbm>>, %arg4: memref<320000xi32, #tpu.memory_space<hbm>>, %arg5: memref<320000xf32, #tpu.memory_space<hbm>>, %arg6: memref<2x10240x128xf32, #tpu.memory_space<hbm>>, %arg7: memref<32x10240xf32, #tpu.memory_space<hbm>>, %arg8: memref<80xi32, #tpu.memory_space<vmem>>, %arg9: memref<80xi32, #tpu.memory_space<vmem>>, %arg10: memref<80xf32, #tpu.memory_space<vmem>>, %arg11: memref<80x128xf32, #tpu.memory_space<vmem>>, %arg12: memref<10240xf32, #tpu.memory_space<vmem>>, %arg13: memref<10240x128xf32, #tpu.memory_space<vmem_shared>>) attributes {dimension_semantics = [#tpu.dimension_semantics<core_parallel>, #tpu.dimension_semantics<subcore_parallel>], iteration_bounds = array<i64: 2, 16>, scalar_prefetch = 0 : i64, scratch_operands = 6 : i64, tpu.core_type = #tpu.core_type<sc_vector_subcore>, window_params = [{transform_indices = #map}, {transform_indices = #map1}, {transform_indices = #map1}, {transform_indices = #map1}, {transform_indices = #map2}, {transform_indices = #map}]} {
    %mul3A = arith.constant 2 : i32
    %mul3A_0 = arith.muli %arg1, %mul3A : i32
    %add3A = arith.addi %mul3A_0, %arg0 : i32
    %broadcast_in_dim3A = arith.constant 0.000000e+00 : f32
    %broadcast_in_dim3A_1 = vector.broadcast %broadcast_in_dim3A : f32 to vector<16xf32>
    %scan3A = arith.constant 0 : i32
    %scan3A_2 = arith.constant 0 : i32
    %scan3A_3 = arith.constant 80 : i32
    %scan3A_4 = arith.addi %scan3A_2, %scan3A_3 : i32
    %scan3A_5 = arith.constant 1 : i32
    %scan3A_6 = scf.for %scan3A_43 = %scan3A_2 to %scan3A_4 step %scan3A_5 iter_args(%scan3A_44 = %scan3A) -> (i32)  : i32 {
      %swap3A = arith.index_cast %scan3A_43 : i32 to index
      %swap3A_45 = arith.constant 0 : index
      %swap3A_46 = tpu.vector_load %arg11[%swap3A, %swap3A_45] {strides = array<i32>} : memref<80x128xf32, #tpu.memory_space<vmem>>, vector<16xf32>,
      tpu.vector_store %arg11[%swap3A, %swap3A_45], %broadcast_in_dim3A_1 {strides = array<i32>} : memref<80x128xf32, #tpu.memory_space<vmem>>, vector<16xf32>,
      %swap3A_47 = arith.index_cast %scan3A_43 : i32 to index
      %swap3A_48 = arith.constant 16 : index
      %swap3A_49 = tpu.vector_load %arg11[%swap3A_47, %swap3A_48] {strides = array<i32>} : memref<80x128xf32, #tpu.memory_space<vmem>>, vector<16xf32>,
      tpu.vector_store %arg11[%swap3A_47, %swap3A_48], %broadcast_in_dim3A_1 {strides = array<i32>} : memref<80x128xf32, #tpu.memory_space<vmem>>, vector<16xf32>,
      %swap3A_50 = arith.index_cast %scan3A_43 : i32 to index
      %swap3A_51 = arith.constant 32 : index
      %swap3A_52 = tpu.vector_load %arg11[%swap3A_50, %swap3A_51] {strides = array<i32>} : memref<80x128xf32, #tpu.memory_space<vmem>>, vector<16xf32>,
      tpu.vector_store %arg11[%swap3A_50, %swap3A_51], %broadcast_in_dim3A_1 {strides = array<i32>} : memref<80x128xf32, #tpu.memory_space<vmem>>, vector<16xf32>,
      %swap3A_53 = arith.index_cast %scan3A_43 : i32 to index
      %swap3A_54 = arith.constant 48 : index
      %swap3A_55 = tpu.vector_load %arg11[%swap3A_53, %swap3A_54] {strides = array<i32>} : memref<80x128xf32, #tpu.memory_space<vmem>>, vector<16xf32>,
      tpu.vector_store %arg11[%swap3A_53, %swap3A_54], %broadcast_in_dim3A_1 {strides = array<i32>} : memref<80x128xf32, #tpu.memory_space<vmem>>, vector<16xf32>,
      %swap3A_56 = arith.index_cast %scan3A_43 : i32 to index
      %swap3A_57 = arith.constant 64 : index
      %swap3A_58 = tpu.vector_load %arg11[%swap3A_56, %swap3A_57] {strides = array<i32>} : memref<80x128xf32, #tpu.memory_space<vmem>>, vector<16xf32>,
      tpu.vector_store %arg11[%swap3A_56, %swap3A_57], %broadcast_in_dim3A_1 {strides = array<i32>} : memref<80x128xf32, #tpu.memory_space<vmem>>, vector<16xf32>,
      %swap3A_59 = arith.index_cast %scan3A_43 : i32 to index
      %swap3A_60 = arith.constant 80 : index
      %swap3A_61 = tpu.vector_load %arg11[%swap3A_59, %swap3A_60] {strides = array<i32>} : memref<80x128xf32, #tpu.memory_space<vmem>>, vector<16xf32>,
      tpu.vector_store %arg11[%swap3A_59, %swap3A_60], %broadcast_in_dim3A_1 {strides = array<i32>} : memref<80x128xf32, #tpu.memory_space<vmem>>, vector<16xf32>,
      %swap3A_62 = arith.index_cast %scan3A_43 : i32 to index
      %swap3A_63 = arith.constant 96 : index
      %swap3A_64 = tpu.vector_load %arg11[%swap3A_62, %swap3A_63] {strides = array<i32>} : memref<80x128xf32, #tpu.memory_space<vmem>>, vector<16xf32>,
      tpu.vector_store %arg11[%swap3A_62, %swap3A_63], %broadcast_in_dim3A_1 {strides = array<i32>} : memref<80x128xf32, #tpu.memory_space<vmem>>, vector<16xf32>,
      %swap3A_65 = arith.index_cast %scan3A_43 : i32 to index
      %swap3A_66 = arith.constant 112 : index
      %swap3A_67 = tpu.vector_load %arg11[%swap3A_65, %swap3A_66] {strides = array<i32>} : memref<80x128xf32, #tpu.memory_space<vmem>>, vector<16xf32>,
      tpu.vector_store %arg11[%swap3A_65, %swap3A_66], %broadcast_in_dim3A_1 {strides = array<i32>} : memref<80x128xf32, #tpu.memory_space<vmem>>, vector<16xf32>,
      %scan3A_68 = arith.constant 0 : i32
      scf.yield %scan3A_68 : i32
    }
    %scan3A_7 = arith.constant 80 : i32
    %broadcast_in_dim3A_8 = arith.constant 0.000000e+00 : f32
    %broadcast_in_dim3A_9 = vector.broadcast %broadcast_in_dim3A_8 : f32 to vector<16xf32>
    %scan3A_10 = arith.constant 0 : i32
    %scan3A_11 = arith.constant 0 : i32
    %scan3A_12 = arith.constant 640 : i32
    %scan3A_13 = arith.addi %scan3A_11, %scan3A_12 : i32
    %scan3A_14 = arith.constant 1 : i32
    %scan3A_15 = scf.for %scan3A_43 = %scan3A_11 to %scan3A_13 step %scan3A_14 iter_args(%scan3A_44 = %scan3A_10) -> (i32)  : i32 {
      %mul3A_45 = arith.constant 16 : i32
      %mul3A_46 = arith.muli %scan3A_43, %mul3A_45 : i32
      %swap3A = arith.index_cast %mul3A_46 : i32 to index
      %swap3A_47 = tpu.vector_load %arg12[%swap3A] {strides = array<i32>} : memref<10240xf32, #tpu.memory_space<vmem>>, vector<16xf32>,
      tpu.vector_store %arg12[%swap3A], %broadcast_in_dim3A_9 {strides = array<i32>} : memref<10240xf32, #tpu.memory_space<vmem>>, vector<16xf32>,
      %scan3A_48 = arith.constant 0 : i32
      scf.yield %scan3A_48 : i32
    }
    %scan3A_16 = arith.constant 640 : i32
    %scan3A_17 = arith.constant 0 : i32
    %scan3A_18 = arith.constant 0 : i32
    %scan3A_19 = arith.constant 8 : i32
    %scan3A_20 = arith.addi %scan3A_18, %scan3A_19 : i32
    %scan3A_21 = arith.constant 1 : i32
    %scan3A_22 = scf.for %scan3A_43 = %scan3A_18 to %scan3A_20 step %scan3A_21 iter_args(%scan3A_44 = %scan3A_17) -> (i32)  : i32 {
      %mul3A_45 = arith.constant 640 : i32
      %mul3A_46 = arith.muli %arg1, %mul3A_45 : i32
      %mul3A_47 = arith.constant 80 : i32
      %mul3A_48 = arith.muli %scan3A_43, %mul3A_47 : i32
      %add3A_49 = arith.addi %mul3A_46, %mul3A_48 : i32
      %iota3A_50 = tpu.iota {dimensions = array<i32: 0>} : vector<16xi32>
      %scan3A_51 = arith.constant 0 : i32
      %scan3A_52 = arith.constant 0 : i32
      %scan3A_53 = arith.constant 5 : i32
      %scan3A_54 = arith.addi %scan3A_52, %scan3A_53 : i32
      %scan3A_55 = arith.constant 1 : i32
      %scan3A_56 = scf.for %scan3A_59 = %scan3A_52 to %scan3A_54 step %scan3A_55 iter_args(%scan3A_60 = %scan3A_51) -> (i32)  : i32 {
        %mul3A_61 = arith.constant 16 : i32
        %mul3A_62 = arith.muli %scan3A_59, %mul3A_61 : i32
        %add3A_63 = arith.addi %add3A_49, %mul3A_62 : i32
        %add3A_64 = vector.broadcast %add3A_63 : i32 to vector<16xi32>
        %add3A_65 = arith.addi %iota3A_50, %add3A_64 : vector<16xi32>
        %mul3A_66 = arith.constant 16 : i32
        %mul3A_67 = arith.muli %scan3A_59, %mul3A_66 : i32
        %swap3A = arith.index_cast %mul3A_67 : i32 to index
        %swap3A_68 = tpu.vector_load %arg8[%swap3A] {strides = array<i32>} : memref<80xi32, #tpu.memory_space<vmem>>, vector<16xi32>,
        tpu.vector_store %arg8[%swap3A], %add3A_65 {strides = array<i32>} : memref<80xi32, #tpu.memory_space<vmem>>, vector<16xi32>,
        %scan3A_69 = arith.constant 0 : i32
        scf.yield %scan3A_69 : i32
      }
      %scan3A_57 = arith.constant 5 : i32
      "tpu.region"() ({
        %run_scoped3A = tpu.sem_alloc : memref<!tpu.dma_semaphore, #tpu.memory_space<semaphore_mem>>
        %dma_start3A = arith.constant 0 : i32
        %dma_start3A_59 = arith.constant 0 : i32
        %dma_start3A_60 = tpu.memref_slice %arg13[%dma_start3A, %dma_start3A_59] : memref<10240x128xf32, #tpu.memory_space<vmem_shared>> -> memref<10240x128xf32, #tpu.memory_space<vmem_shared>>
        tpu.enqueue_indirect_dma source(%arg11 : memref<80x128xf32, #tpu.memory_space<vmem>>) target(%dma_start3A_60 : memref<10240x128xf32, #tpu.memory_space<vmem_shared>>) offsets(%arg8 : memref<80xi32, #tpu.memory_space<vmem>>) semaphore(%run_scoped3A : memref<!tpu.dma_semaphore, #tpu.memory_space<semaphore_mem>>)
        %dma_wait3A = arith.constant 0 : i32
        %dma_wait3A_61 = arith.constant 0 : i32
        %dma_wait3A_62 = tpu.memref_slice %arg13[%dma_wait3A, %dma_wait3A_61] : memref<10240x128xf32, #tpu.memory_space<vmem_shared>> -> memref<10240x128xf32, #tpu.memory_space<vmem_shared>>
        tpu.wait_indirect_dma semaphore(%run_scoped3A : memref<!tpu.dma_semaphore, #tpu.memory_space<semaphore_mem>>) src(%arg11 : memref<80x128xf32, #tpu.memory_space<vmem>>) dst(%dma_wait3A_62 : memref<10240x128xf32, #tpu.memory_space<vmem_shared>>)
        tpu.yield
      }) : () -> ()
      %scan3A_58 = arith.constant 0 : i32
      scf.yield %scan3A_58 : i32
    }
    %scan3A_23 = arith.constant 8 : i32
    %barrier3A = arith.constant 0 : index
    tpu.barrier barrier_id(%barrier3A)
    %iota3A = tpu.iota {dimensions = array<i32: 0>} : vector<16xi32>
    %eq3A = arith.constant 0 : i32
    %eq3A_24 = vector.broadcast %eq3A : i32 to vector<16xi32>
    %eq3A_25 = arith.cmpi eq, %iota3A, %eq3A_24 : vector<16xi32>
    %mul3A_26 = arith.constant 10000 : i32
    %mul3A_27 = arith.muli %add3A, %mul3A_26 : i32
    %scan3A_28 = arith.constant 0 : i32
    %scan3A_29 = arith.constant 0 : i32
    %scan3A_30 = arith.constant 125 : i32
    %scan3A_31 = arith.addi %scan3A_29, %scan3A_30 : i32
    %scan3A_32 = arith.constant 1 : i32
    %scan3A_33 = scf.for %scan3A_43 = %scan3A_29 to %scan3A_31 step %scan3A_32 iter_args(%scan3A_44 = %scan3A_28) -> (i32)  : i32 {
      %mul3A_45 = arith.constant 80 : i32
      %mul3A_46 = arith.muli %scan3A_43, %mul3A_45 : i32
      %add3A_47 = arith.addi %mul3A_27, %mul3A_46 : i32
      "tpu.region"() ({
        %run_scoped3A = tpu.sem_alloc : memref<!tpu.dma_semaphore, #tpu.memory_space<semaphore_mem>>
        %dma_start3A = tpu.memref_slice %arg3[%add3A_47] : memref<320000xi32, #tpu.memory_space<hbm>> -> memref<80xi32, #tpu.memory_space<hbm>>
        %dma_start3A_56 = tpu.memref_slice %arg3[%add3A_47] : memref<320000xi32, #tpu.memory_space<hbm>> -> memref<80xi32, #tpu.memory_space<hbm>>
        tpu.enqueue_dma source(%dma_start3A_56 : memref<80xi32, #tpu.memory_space<hbm>>) target(%arg8 : memref<80xi32, #tpu.memory_space<vmem>>) target_semaphore(%run_scoped3A : memref<!tpu.dma_semaphore, #tpu.memory_space<semaphore_mem>>)
        %dma_wait3A = tpu.memref_slice %arg3[%add3A_47] : memref<320000xi32, #tpu.memory_space<hbm>> -> memref<80xi32, #tpu.memory_space<hbm>>
        %dma_wait3A_57 = tpu.memref_slice %arg3[%add3A_47] : memref<320000xi32, #tpu.memory_space<hbm>> -> memref<80xi32, #tpu.memory_space<hbm>>
        tpu.wait_dma2 semaphore(%run_scoped3A : memref<!tpu.dma_semaphore, #tpu.memory_space<semaphore_mem>>) src(%dma_wait3A_57 : memref<80xi32, #tpu.memory_space<hbm>>) dst(%arg8 : memref<80xi32, #tpu.memory_space<vmem>>)
        tpu.yield
      }) : () -> ()
      "tpu.region"() ({
        %run_scoped3A = tpu.sem_alloc : memref<!tpu.dma_semaphore, #tpu.memory_space<semaphore_mem>>
        %dma_start3A = tpu.memref_slice %arg4[%add3A_47] : memref<320000xi32, #tpu.memory_space<hbm>> -> memref<80xi32, #tpu.memory_space<hbm>>
        %dma_start3A_56 = tpu.memref_slice %arg4[%add3A_47] : memref<320000xi32, #tpu.memory_space<hbm>> -> memref<80xi32, #tpu.memory_space<hbm>>
        tpu.enqueue_dma source(%dma_start3A_56 : memref<80xi32, #tpu.memory_space<hbm>>) target(%arg9 : memref<80xi32, #tpu.memory_space<vmem>>) target_semaphore(%run_scoped3A : memref<!tpu.dma_semaphore, #tpu.memory_space<semaphore_mem>>)
        %dma_wait3A = tpu.memref_slice %arg4[%add3A_47] : memref<320000xi32, #tpu.memory_space<hbm>> -> memref<80xi32, #tpu.memory_space<hbm>>
        %dma_wait3A_57 = tpu.memref_slice %arg4[%add3A_47] : memref<320000xi32, #tpu.memory_space<hbm>> -> memref<80xi32, #tpu.memory_space<hbm>>
        tpu.wait_dma2 semaphore(%run_scoped3A : memref<!tpu.dma_semaphore, #tpu.memory_space<semaphore_mem>>) src(%dma_wait3A_57 : memref<80xi32, #tpu.memory_space<hbm>>) dst(%arg9 : memref<80xi32, #tpu.memory_space<vmem>>)
        tpu.yield
      }) : () -> ()
      "tpu.region"() ({
        %run_scoped3A = tpu.sem_alloc : memref<!tpu.dma_semaphore, #tpu.memory_space<semaphore_mem>>
        %dma_start3A = tpu.memref_slice %arg5[%add3A_47] : memref<320000xf32, #tpu.memory_space<hbm>> -> memref<80xf32, #tpu.memory_space<hbm>>
        %dma_start3A_56 = tpu.memref_slice %arg5[%add3A_47] : memref<320000xf32, #tpu.memory_space<hbm>> -> memref<80xf32, #tpu.memory_space<hbm>>
        tpu.enqueue_dma source(%dma_start3A_56 : memref<80xf32, #tpu.memory_space<hbm>>) target(%arg10 : memref<80xf32, #tpu.memory_space<vmem>>) target_semaphore(%run_scoped3A : memref<!tpu.dma_semaphore, #tpu.memory_space<semaphore_mem>>)
        %dma_wait3A = tpu.memref_slice %arg5[%add3A_47] : memref<320000xf32, #tpu.memory_space<hbm>> -> memref<80xf32, #tpu.memory_space<hbm>>
        %dma_wait3A_57 = tpu.memref_slice %arg5[%add3A_47] : memref<320000xf32, #tpu.memory_space<hbm>> -> memref<80xf32, #tpu.memory_space<hbm>>
        tpu.wait_dma2 semaphore(%run_scoped3A : memref<!tpu.dma_semaphore, #tpu.memory_space<semaphore_mem>>) src(%dma_wait3A_57 : memref<80xf32, #tpu.memory_space<hbm>>) dst(%arg10 : memref<80xf32, #tpu.memory_space<vmem>>)
        tpu.yield
      }) : () -> ()
      "tpu.region"() ({
        %run_scoped3A = tpu.sem_alloc : memref<!tpu.dma_semaphore, #tpu.memory_space<semaphore_mem>>
        %dma_start3A = arith.constant 0 : i32
        %dma_start3A_56 = arith.constant 0 : i32
        %dma_start3A_57 = tpu.memref_slice %arg2[%dma_start3A, %dma_start3A_56] : memref<10000x128xf32, #tpu.memory_space<hbm>> -> memref<10000x128xf32, #tpu.memory_space<hbm>>
        tpu.enqueue_indirect_dma source(%dma_start3A_57 : memref<10000x128xf32, #tpu.memory_space<hbm>>) target(%arg11 : memref<80x128xf32, #tpu.memory_space<vmem>>) offsets(%arg8 : memref<80xi32, #tpu.memory_space<vmem>>) semaphore(%run_scoped3A : memref<!tpu.dma_semaphore, #tpu.memory_space<semaphore_mem>>)
        %dma_wait3A = arith.constant 0 : i32
        %dma_wait3A_58 = arith.constant 0 : i32
        %dma_wait3A_59 = tpu.memref_slice %arg2[%dma_wait3A, %dma_wait3A_58] : memref<10000x128xf32, #tpu.memory_space<hbm>> -> memref<10000x128xf32, #tpu.memory_space<hbm>>
        tpu.wait_indirect_dma semaphore(%run_scoped3A : memref<!tpu.dma_semaphore, #tpu.memory_space<semaphore_mem>>) src(%dma_wait3A_59 : memref<10000x128xf32, #tpu.memory_space<hbm>>) dst(%arg11 : memref<80x128xf32, #tpu.memory_space<vmem>>)
        tpu.yield
      }) : () -> ()
      %scan3A_48 = arith.constant 0 : i32
      %scan3A_49 = arith.constant 0 : i32
      %scan3A_50 = arith.constant 80 : i32
      %scan3A_51 = arith.addi %scan3A_49, %scan3A_50 : i32
      %scan3A_52 = arith.constant 1 : i32
      %scan3A_53 = scf.for %scan3A_56 = %scan3A_49 to %scan3A_51 step %scan3A_52 iter_args(%scan3A_57 = %scan3A_48) -> (i32)  : i32 {
        %broadcast_in_dim3A_58 = vector.broadcast %scan3A_56 : i32 to vector<16xi32>
        %gather3A = tpu.vector_load_idx %arg10[%broadcast_in_dim3A_58] : memref<80xf32, #tpu.memory_space<vmem>>[vector<16xi32>], vector<16xf32>,
        %get3A = arith.index_cast %scan3A_56 : i32 to index
        %get3A_59 = arith.constant 0 : index
        %get3A_60 = tpu.vector_load %arg11[%get3A, %get3A_59] {strides = array<i32>} : memref<80x128xf32, #tpu.memory_space<vmem>>, vector<16xf32>,
        %mul3A_61 = arith.mulf %get3A_60, %gather3A : vector<16xf32>
        %swap3A = arith.index_cast %scan3A_56 : i32 to index
        %swap3A_62 = arith.constant 0 : index
        %swap3A_63 = tpu.vector_load %arg11[%swap3A, %swap3A_62] {strides = array<i32>} : memref<80x128xf32, #tpu.memory_space<vmem>>, vector<16xf32>,
        tpu.vector_store %arg11[%swap3A, %swap3A_62], %mul3A_61 {strides = array<i32>} : memref<80x128xf32, #tpu.memory_space<vmem>>, vector<16xf32>,
        %get3A_64 = arith.index_cast %scan3A_56 : i32 to index
        %get3A_65 = arith.constant 16 : index
        %get3A_66 = tpu.vector_load %arg11[%get3A_64, %get3A_65] {strides = array<i32>} : memref<80x128xf32, #tpu.memory_space<vmem>>, vector<16xf32>,
        %mul3A_67 = arith.mulf %get3A_66, %gather3A : vector<16xf32>
        %swap3A_68 = arith.index_cast %scan3A_56 : i32 to index
        %swap3A_69 = arith.constant 16 : index
        %swap3A_70 = tpu.vector_load %arg11[%swap3A_68, %swap3A_69] {strides = array<i32>} : memref<80x128xf32, #tpu.memory_space<vmem>>, vector<16xf32>,
        tpu.vector_store %arg11[%swap3A_68, %swap3A_69], %mul3A_67 {strides = array<i32>} : memref<80x128xf32, #tpu.memory_space<vmem>>, vector<16xf32>,
        %get3A_71 = arith.index_cast %scan3A_56 : i32 to index
        %get3A_72 = arith.constant 32 : index
        %get3A_73 = tpu.vector_load %arg11[%get3A_71, %get3A_72] {strides = array<i32>} : memref<80x128xf32, #tpu.memory_space<vmem>>, vector<16xf32>,
        %mul3A_74 = arith.mulf %get3A_73, %gather3A : vector<16xf32>
        %swap3A_75 = arith.index_cast %scan3A_56 : i32 to index
        %swap3A_76 = arith.constant 32 : index
        %swap3A_77 = tpu.vector_load %arg11[%swap3A_75, %swap3A_76] {strides = array<i32>} : memref<80x128xf32, #tpu.memory_space<vmem>>, vector<16xf32>,
        tpu.vector_store %arg11[%swap3A_75, %swap3A_76], %mul3A_74 {strides = array<i32>} : memref<80x128xf32, #tpu.memory_space<vmem>>, vector<16xf32>,
        %get3A_78 = arith.index_cast %scan3A_56 : i32 to index
        %get3A_79 = arith.constant 48 : index
        %get3A_80 = tpu.vector_load %arg11[%get3A_78, %get3A_79] {strides = array<i32>} : memref<80x128xf32, #tpu.memory_space<vmem>>, vector<16xf32>,
        %mul3A_81 = arith.mulf %get3A_80, %gather3A : vector<16xf32>
        %swap3A_82 = arith.index_cast %scan3A_56 : i32 to index
        %swap3A_83 = arith.constant 48 : index
        %swap3A_84 = tpu.vector_load %arg11[%swap3A_82, %swap3A_83] {strides = array<i32>} : memref<80x128xf32, #tpu.memory_space<vmem>>, vector<16xf32>,
        tpu.vector_store %arg11[%swap3A_82, %swap3A_83], %mul3A_81 {strides = array<i32>} : memref<80x128xf32, #tpu.memory_space<vmem>>, vector<16xf32>,
        %get3A_85 = arith.index_cast %scan3A_56 : i32 to index
        %get3A_86 = arith.constant 64 : index
        %get3A_87 = tpu.vector_load %arg11[%get3A_85, %get3A_86] {strides = array<i32>} : memref<80x128xf32, #tpu.memory_space<vmem>>, vector<16xf32>,
        %mul3A_88 = arith.mulf %get3A_87, %gather3A : vector<16xf32>
        %swap3A_89 = arith.index_cast %scan3A_56 : i32 to index
        %swap3A_90 = arith.constant 64 : index
        %swap3A_91 = tpu.vector_load %arg11[%swap3A_89, %swap3A_90] {strides = array<i32>} : memref<80x128xf32, #tpu.memory_space<vmem>>, vector<16xf32>,
        tpu.vector_store %arg11[%swap3A_89, %swap3A_90], %mul3A_88 {strides = array<i32>} : memref<80x128xf32, #tpu.memory_space<vmem>>, vector<16xf32>,
        %get3A_92 = arith.index_cast %scan3A_56 : i32 to index
        %get3A_93 = arith.constant 80 : index
        %get3A_94 = tpu.vector_load %arg11[%get3A_92, %get3A_93] {strides = array<i32>} : memref<80x128xf32, #tpu.memory_space<vmem>>, vector<16xf32>,
        %mul3A_95 = arith.mulf %get3A_94, %gather3A : vector<16xf32>
        %swap3A_96 = arith.index_cast %scan3A_56 : i32 to index
        %swap3A_97 = arith.constant 80 : index
        %swap3A_98 = tpu.vector_load %arg11[%swap3A_96, %swap3A_97] {strides = array<i32>} : memref<80x128xf32, #tpu.memory_space<vmem>>, vector<16xf32>,
        tpu.vector_store %arg11[%swap3A_96, %swap3A_97], %mul3A_95 {strides = array<i32>} : memref<80x128xf32, #tpu.memory_space<vmem>>, vector<16xf32>,
        %get3A_99 = arith.index_cast %scan3A_56 : i32 to index
        %get3A_100 = arith.constant 96 : index
        %get3A_101 = tpu.vector_load %arg11[%get3A_99, %get3A_100] {strides = array<i32>} : memref<80x128xf32, #tpu.memory_space<vmem>>, vector<16xf32>,
        %mul3A_102 = arith.mulf %get3A_101, %gather3A : vector<16xf32>
        %swap3A_103 = arith.index_cast %scan3A_56 : i32 to index
        %swap3A_104 = arith.constant 96 : index
        %swap3A_105 = tpu.vector_load %arg11[%swap3A_103, %swap3A_104] {strides = array<i32>} : memref<80x128xf32, #tpu.memory_space<vmem>>, vector<16xf32>,
        tpu.vector_store %arg11[%swap3A_103, %swap3A_104], %mul3A_102 {strides = array<i32>} : memref<80x128xf32, #tpu.memory_space<vmem>>, vector<16xf32>,
        %get3A_106 = arith.index_cast %scan3A_56 : i32 to index
        %get3A_107 = arith.constant 112 : index
        %get3A_108 = tpu.vector_load %arg11[%get3A_106, %get3A_107] {strides = array<i32>} : memref<80x128xf32, #tpu.memory_space<vmem>>, vector<16xf32>,
        %mul3A_109 = arith.mulf %get3A_108, %gather3A : vector<16xf32>
        %swap3A_110 = arith.index_cast %scan3A_56 : i32 to index
        %swap3A_111 = arith.constant 112 : index
        %swap3A_112 = tpu.vector_load %arg11[%swap3A_110, %swap3A_111] {strides = array<i32>} : memref<80x128xf32, #tpu.memory_space<vmem>>, vector<16xf32>,
        tpu.vector_store %arg11[%swap3A_110, %swap3A_111], %mul3A_109 {strides = array<i32>} : memref<80x128xf32, #tpu.memory_space<vmem>>, vector<16xf32>,
        %gather3A_113 = tpu.vector_load_idx %arg9[%broadcast_in_dim3A_58] : memref<80xi32, #tpu.memory_space<vmem>>[vector<16xi32>], vector<16xi32>,
        %abs3A = math.absf %gather3A : vector<16xf32>
        tpu.vector_store_idx %arg12[%gather3A_113], %abs3A masked %eq3A_25 {add = true} : memref<10240xf32, #tpu.memory_space<vmem>>[vector<16xi32>], vector<16xf32>, vector<16xi1>
        %scan3A_114 = arith.constant 0 : i32
        scf.yield %scan3A_114 : i32
      }
      %scan3A_54 = arith.constant 80 : i32
      "tpu.region"() ({
        %run_scoped3A = tpu.sem_alloc : memref<!tpu.dma_semaphore, #tpu.memory_space<semaphore_mem>>
        %dma_start3A = arith.constant 0 : i32
        %dma_start3A_56 = arith.constant 0 : i32
        %dma_start3A_57 = tpu.memref_slice %arg13[%dma_start3A, %dma_start3A_56] : memref<10240x128xf32, #tpu.memory_space<vmem_shared>> -> memref<10240x128xf32, #tpu.memory_space<vmem_shared>>
        tpu.enqueue_indirect_dma source(%arg11 : memref<80x128xf32, #tpu.memory_space<vmem>>) target(%dma_start3A_57 : memref<10240x128xf32, #tpu.memory_space<vmem_shared>>) offsets(%arg9 : memref<80xi32, #tpu.memory_space<vmem>>) semaphore(%run_scoped3A : memref<!tpu.dma_semaphore, #tpu.memory_space<semaphore_mem>>) {add = true}
        %dma_wait3A = arith.constant 0 : i32
        %dma_wait3A_58 = arith.constant 0 : i32
        %dma_wait3A_59 = tpu.memref_slice %arg13[%dma_wait3A, %dma_wait3A_58] : memref<10240x128xf32, #tpu.memory_space<vmem_shared>> -> memref<10240x128xf32, #tpu.memory_space<vmem_shared>>
        tpu.wait_indirect_dma semaphore(%run_scoped3A : memref<!tpu.dma_semaphore, #tpu.memory_space<semaphore_mem>>) src(%arg11 : memref<80x128xf32, #tpu.memory_space<vmem>>) dst(%dma_wait3A_59 : memref<10240x128xf32, #tpu.memory_space<vmem_shared>>)
        tpu.yield
      }) : () -> ()
      %scan3A_55 = arith.constant 0 : i32
      scf.yield %scan3A_55 : i32
    }
    %scan3A_34 = arith.constant 125 : i32
    "tpu.region"() ({
      %run_scoped3A = tpu.sem_alloc : memref<!tpu.dma_semaphore, #tpu.memory_space<semaphore_mem>>
      %dma_start3A = arith.constant 0 : i32
      %dma_start3A_43 = tpu.memref_slice %arg7[%add3A, %dma_start3A] : memref<32x10240xf32, #tpu.memory_space<hbm>> -> memref<1x10240xf32, #tpu.memory_space<hbm>>
      %dma_start3A_44 = tpu.memref_squeeze %dma_start3A_43 : memref<1x10240xf32, #tpu.memory_space<hbm>> -> memref<10240xf32, #tpu.memory_space<hbm>>
      %dma_start3A_45 = arith.constant 0 : i32
      %dma_start3A_46 = tpu.memref_slice %arg7[%add3A, %dma_start3A_45] : memref<32x10240xf32, #tpu.memory_space<hbm>> -> memref<1x10240xf32, #tpu.memory_space<hbm>>
      %dma_start3A_47 = tpu.memref_squeeze %dma_start3A_46 : memref<1x10240xf32, #tpu.memory_space<hbm>> -> memref<10240xf32, #tpu.memory_space<hbm>>
      tpu.enqueue_dma source(%arg12 : memref<10240xf32, #tpu.memory_space<vmem>>) target(%dma_start3A_47 : memref<10240xf32, #tpu.memory_space<hbm>>) target_semaphore(%run_scoped3A : memref<!tpu.dma_semaphore, #tpu.memory_space<semaphore_mem>>)
      %dma_wait3A = arith.constant 0 : i32
      %dma_wait3A_48 = tpu.memref_slice %arg7[%add3A, %dma_wait3A] : memref<32x10240xf32, #tpu.memory_space<hbm>> -> memref<1x10240xf32, #tpu.memory_space<hbm>>
      %dma_wait3A_49 = tpu.memref_squeeze %dma_wait3A_48 : memref<1x10240xf32, #tpu.memory_space<hbm>> -> memref<10240xf32, #tpu.memory_space<hbm>>
      %dma_wait3A_50 = arith.constant 0 : i32
      %dma_wait3A_51 = tpu.memref_slice %arg7[%add3A, %dma_wait3A_50] : memref<32x10240xf32, #tpu.memory_space<hbm>> -> memref<1x10240xf32, #tpu.memory_space<hbm>>
      %dma_wait3A_52 = tpu.memref_squeeze %dma_wait3A_51 : memref<1x10240xf32, #tpu.memory_space<hbm>> -> memref<10240xf32, #tpu.memory_space<hbm>>
      tpu.wait_dma2 semaphore(%run_scoped3A : memref<!tpu.dma_semaphore, #tpu.memory_space<semaphore_mem>>) src(%arg12 : memref<10240xf32, #tpu.memory_space<vmem>>) dst(%dma_wait3A_52 : memref<10240xf32, #tpu.memory_space<hbm>>)
      tpu.yield
    }) : () -> ()
    %barrier3A_35 = arith.constant 0 : index
    tpu.barrier barrier_id(%barrier3A_35)
    %scan3A_36 = arith.constant 0 : i32
    %scan3A_37 = arith.constant 0 : i32
    %scan3A_38 = arith.constant 8 : i32
    %scan3A_39 = arith.addi %scan3A_37, %scan3A_38 : i32
    %scan3A_40 = arith.constant 1 : i32
    %scan3A_41 = scf.for %scan3A_43 = %scan3A_37 to %scan3A_39 step %scan3A_40 iter_args(%scan3A_44 = %scan3A_36) -> (i32)  : i32 {
      %mul3A_45 = arith.constant 640 : i32
      %mul3A_46 = arith.muli %arg1, %mul3A_45 : i32
      %mul3A_47 = arith.constant 80 : i32
      %mul3A_48 = arith.muli %scan3A_43, %mul3A_47 : i32
      %add3A_49 = arith.addi %mul3A_46, %mul3A_48 : i32
      %iota3A_50 = tpu.iota {dimensions = array<i32: 0>} : vector<16xi32>
      %scan3A_51 = arith.constant 0 : i32
      %scan3A_52 = arith.constant 0 : i32
      %scan3A_53 = arith.constant 5 : i32
      %scan3A_54 = arith.addi %scan3A_52, %scan3A_53 : i32
      %scan3A_55 = arith.constant 1 : i32
      %scan3A_56 = scf.for %scan3A_59 = %scan3A_52 to %scan3A_54 step %scan3A_55 iter_args(%scan3A_60 = %scan3A_51) -> (i32)  : i32 {
        %mul3A_61 = arith.constant 16 : i32
        %mul3A_62 = arith.muli %scan3A_59, %mul3A_61 : i32
        %add3A_63 = arith.addi %add3A_49, %mul3A_62 : i32
        %add3A_64 = vector.broadcast %add3A_63 : i32 to vector<16xi32>
        %add3A_65 = arith.addi %iota3A_50, %add3A_64 : vector<16xi32>
        %mul3A_66 = arith.constant 16 : i32
        %mul3A_67 = arith.muli %scan3A_59, %mul3A_66 : i32
        %swap3A = arith.index_cast %mul3A_67 : i32 to index
        %swap3A_68 = tpu.vector_load %arg8[%swap3A] {strides = array<i32>} : memref<80xi32, #tpu.memory_space<vmem>>, vector<16xi32>,
        tpu.vector_store %arg8[%swap3A], %add3A_65 {strides = array<i32>} : memref<80xi32, #tpu.memory_space<vmem>>, vector<16xi32>,
        %scan3A_69 = arith.constant 0 : i32
        scf.yield %scan3A_69 : i32
      }
      %scan3A_57 = arith.constant 5 : i32
      "tpu.region"() ({
        %run_scoped3A = tpu.sem_alloc : memref<!tpu.dma_semaphore, #tpu.memory_space<semaphore_mem>>
        %dma_start3A = arith.constant 0 : i32
        %dma_start3A_59 = arith.constant 0 : i32
        %dma_start3A_60 = tpu.memref_slice %arg13[%dma_start3A, %dma_start3A_59] : memref<10240x128xf32, #tpu.memory_space<vmem_shared>> -> memref<10240x128xf32, #tpu.memory_space<vmem_shared>>
        tpu.enqueue_indirect_dma source(%dma_start3A_60 : memref<10240x128xf32, #tpu.memory_space<vmem_shared>>) target(%arg11 : memref<80x128xf32, #tpu.memory_space<vmem>>) offsets(%arg8 : memref<80xi32, #tpu.memory_space<vmem>>) semaphore(%run_scoped3A : memref<!tpu.dma_semaphore, #tpu.memory_space<semaphore_mem>>)
        %dma_wait3A = arith.constant 0 : i32
        %dma_wait3A_61 = arith.constant 0 : i32
        %dma_wait3A_62 = tpu.memref_slice %arg13[%dma_wait3A, %dma_wait3A_61] : memref<10240x128xf32, #tpu.memory_space<vmem_shared>> -> memref<10240x128xf32, #tpu.memory_space<vmem_shared>>
        tpu.wait_indirect_dma semaphore(%run_scoped3A : memref<!tpu.dma_semaphore, #tpu.memory_space<semaphore_mem>>) src(%dma_wait3A_62 : memref<10240x128xf32, #tpu.memory_space<vmem_shared>>) dst(%arg11 : memref<80x128xf32, #tpu.memory_space<vmem>>)
        tpu.yield
      }) : () -> ()
      "tpu.region"() ({
        %run_scoped3A = tpu.sem_alloc : memref<!tpu.dma_semaphore, #tpu.memory_space<semaphore_mem>>
        %dma_start3A = arith.constant 0 : i32
        %dma_start3A_59 = tpu.memref_slice %arg6[%arg0, %add3A_49, %dma_start3A] : memref<2x10240x128xf32, #tpu.memory_space<hbm>> -> memref<1x80x128xf32, #tpu.memory_space<hbm>>
        %dma_start3A_60 = tpu.memref_squeeze %dma_start3A_59 : memref<1x80x128xf32, #tpu.memory_space<hbm>> -> memref<80x128xf32, #tpu.memory_space<hbm>>
        %dma_start3A_61 = arith.constant 0 : i32
        %dma_start3A_62 = tpu.memref_slice %arg6[%arg0, %add3A_49, %dma_start3A_61] : memref<2x10240x128xf32, #tpu.memory_space<hbm>> -> memref<1x80x128xf32, #tpu.memory_space<hbm>>
        %dma_start3A_63 = tpu.memref_squeeze %dma_start3A_62 : memref<1x80x128xf32, #tpu.memory_space<hbm>> -> memref<80x128xf32, #tpu.memory_space<hbm>>
        tpu.enqueue_dma source(%arg11 : memref<80x128xf32, #tpu.memory_space<vmem>>) target(%dma_start3A_63 : memref<80x128xf32, #tpu.memory_space<hbm>>) target_semaphore(%run_scoped3A : memref<!tpu.dma_semaphore, #tpu.memory_space<semaphore_mem>>)
        %dma_wait3A = arith.constant 0 : i32
        %dma_wait3A_64 = tpu.memref_slice %arg6[%arg0, %add3A_49, %dma_wait3A] : memref<2x10240x128xf32, #tpu.memory_space<hbm>> -> memref<1x80x128xf32, #tpu.memory_space<hbm>>
        %dma_wait3A_65 = tpu.memref_squeeze %dma_wait3A_64 : memref<1x80x128xf32, #tpu.memory_space<hbm>> -> memref<80x128xf32, #tpu.memory_space<hbm>>
        %dma_wait3A_66 = arith.constant 0 : i32
        %dma_wait3A_67 = tpu.memref_slice %arg6[%arg0, %add3A_49, %dma_wait3A_66] : memref<2x10240x128xf32, #tpu.memory_space<hbm>> -> memref<1x80x128xf32, #tpu.memory_space<hbm>>
        %dma_wait3A_68 = tpu.memref_squeeze %dma_wait3A_67 : memref<1x80x128xf32, #tpu.memory_space<hbm>> -> memref<80x128xf32, #tpu.memory_space<hbm>>
        tpu.wait_dma2 semaphore(%run_scoped3A : memref<!tpu.dma_semaphore, #tpu.memory_space<semaphore_mem>>) src(%arg11 : memref<80x128xf32, #tpu.memory_space<vmem>>) dst(%dma_wait3A_68 : memref<80x128xf32, #tpu.memory_space<hbm>>)
        tpu.yield
      }) : () -> ()
      %scan3A_58 = arith.constant 0 : i32
      scf.yield %scan3A_58 : i32
    }
    %scan3A_42 = arith.constant 8 : i32
    return
  }
}

#map = affine_map<(d0, d1) -> (0, 0)>
#map1 = affine_map<(d0, d1) -> (0)>
module attributes {stable_mosaic.version = 14 : i64} {
  func.func @_sc_rw_body(%arg0: i32, %arg1: i32, %arg2: memref<10000x128xf32, #tpu.memory_space<hbm>>, %arg3: memref<10000x128xf32, #tpu.memory_space<hbm>>, %arg4: memref<320000xi32, #tpu.memory_space<hbm>>, %arg5: memref<320000xi32, #tpu.memory_space<hbm>>, %arg6: memref<320000xf32, #tpu.memory_space<hbm>>, %arg7: memref<128x16xf32, #tpu.memory_space<hbm>>, %arg8: memref<16xf32, #tpu.memory_space<hbm>>, %arg9: memref<320000xf32, #tpu.memory_space<hbm>>, %arg10: memref<32x16xf32, #tpu.memory_space<hbm>>, %arg11: memref<80xi32, #tpu.memory_space<vmem>>, %arg12: memref<80xi32, #tpu.memory_space<vmem>>, %arg13: memref<80xf32, #tpu.memory_space<vmem>>, %arg14: memref<80xi32, #tpu.memory_space<vmem>>, %arg15: memref<80xi32, #tpu.memory_space<vmem>>, %arg16: memref<80xf32, #tpu.memory_space<vmem>>, %arg17: memref<80x128xf32, #tpu.memory_space<vmem>>, %arg18: memref<80x128xf32, #tpu.memory_space<vmem>>, %arg19: memref<80x128xf32, #tpu.memory_space<vmem>>, %arg20: memref<80x128xf32, #tpu.memory_space<vmem>>, %arg21: memref<80xf32, #tpu.memory_space<vmem>>, %arg22: memref<128x16xf32, #tpu.memory_space<vmem>>, %arg23: memref<16xf32, #tpu.memory_space<vmem>>, %arg24: memref<16xf32, #tpu.memory_space<vmem>>, %arg25: memref<!tpu.dma_semaphore, #tpu.memory_space<semaphore_mem>>, %arg26: memref<!tpu.dma_semaphore, #tpu.memory_space<semaphore_mem>>, %arg27: memref<!tpu.dma_semaphore, #tpu.memory_space<semaphore_mem>>) attributes {dimension_semantics = [#tpu.dimension_semantics<core_parallel>, #tpu.dimension_semantics<subcore_parallel>], iteration_bounds = array<i64: 2, 16>, scalar_prefetch = 0 : i64, scratch_operands = 17 : i64, tpu.core_type = #tpu.core_type<sc_vector_subcore>, window_params = [{transform_indices = #map}, {transform_indices = #map}, {transform_indices = #map1}, {transform_indices = #map1}, {transform_indices = #map1}, {transform_indices = #map}, {transform_indices = #map1}, {transform_indices = #map1}, {transform_indices = #map}]} {
    %mul3A = arith.constant 2 : i32
    %mul3A_0 = arith.muli %arg1, %mul3A : i32
    %add3A = arith.addi %mul3A_0, %arg0 : i32
    "tpu.region"() ({
      %run_scoped3A = tpu.sem_alloc : memref<!tpu.dma_semaphore, #tpu.memory_space<semaphore_mem>>
      tpu.enqueue_dma source(%arg7 : memref<128x16xf32, #tpu.memory_space<hbm>>) target(%arg22 : memref<128x16xf32, #tpu.memory_space<vmem>>) target_semaphore(%run_scoped3A : memref<!tpu.dma_semaphore, #tpu.memory_space<semaphore_mem>>)
      tpu.wait_dma2 semaphore(%run_scoped3A : memref<!tpu.dma_semaphore, #tpu.memory_space<semaphore_mem>>) src(%arg7 : memref<128x16xf32, #tpu.memory_space<hbm>>) dst(%arg22 : memref<128x16xf32, #tpu.memory_space<vmem>>)
      tpu.yield
    }) : () -> ()
    "tpu.region"() ({
      %run_scoped3A = tpu.sem_alloc : memref<!tpu.dma_semaphore, #tpu.memory_space<semaphore_mem>>
      tpu.enqueue_dma source(%arg8 : memref<16xf32, #tpu.memory_space<hbm>>) target(%arg23 : memref<16xf32, #tpu.memory_space<vmem>>) target_semaphore(%run_scoped3A : memref<!tpu.dma_semaphore, #tpu.memory_space<semaphore_mem>>)
      tpu.wait_dma2 semaphore(%run_scoped3A : memref<!tpu.dma_semaphore, #tpu.memory_space<semaphore_mem>>) src(%arg8 : memref<16xf32, #tpu.memory_space<hbm>>) dst(%arg23 : memref<16xf32, #tpu.memory_space<vmem>>)
      tpu.yield
    }) : () -> ()
    %iota3A = tpu.iota {dimensions = array<i32: 0>} : vector<16xi32>
    %broadcast_in_dim3A = arith.constant 0.000000e+00 : f32
    %broadcast_in_dim3A_1 = vector.broadcast %broadcast_in_dim3A : f32 to vector<16xf32>
    %mul3A_2 = arith.constant 10000 : i32
    %mul3A_3 = arith.muli %add3A, %mul3A_2 : i32
    %scan3A = arith.constant 0 : i32
    %scan3A_4 = arith.constant 62 : i32
    %scan3A_5 = arith.addi %scan3A, %scan3A_4 : i32
    %scan3A_6 = arith.constant 1 : i32
    %scan3A_7 = scf.for %scan3A_20 = %scan3A to %scan3A_5 step %scan3A_6 iter_args(%scan3A_21 = %broadcast_in_dim3A_1) -> (vector<16xf32>)  : i32 {
      %mul3A_22 = arith.constant 2 : i32
      %mul3A_23 = arith.muli %mul3A_22, %scan3A_20 : i32
      %mul3A_24 = arith.constant 80 : i32
      %mul3A_25 = arith.muli %mul3A_23, %mul3A_24 : i32
      %add3A_26 = arith.addi %mul3A_3, %mul3A_25 : i32
      %add3A_27 = arith.constant 80 : i32
      %add3A_28 = arith.addi %add3A_26, %add3A_27 : i32
      %dma_start3A = tpu.memref_slice %arg4[%add3A_26] : memref<320000xi32, #tpu.memory_space<hbm>> -> memref<80xi32, #tpu.memory_space<hbm>>
      %dma_start3A_29 = tpu.memref_slice %arg4[%add3A_26] : memref<320000xi32, #tpu.memory_space<hbm>> -> memref<80xi32, #tpu.memory_space<hbm>>
      tpu.enqueue_dma source(%dma_start3A_29 : memref<80xi32, #tpu.memory_space<hbm>>) target(%arg11 : memref<80xi32, #tpu.memory_space<vmem>>) target_semaphore(%arg25 : memref<!tpu.dma_semaphore, #tpu.memory_space<semaphore_mem>>)
      %dma_start3A_30 = tpu.memref_slice %arg5[%add3A_26] : memref<320000xi32, #tpu.memory_space<hbm>> -> memref<80xi32, #tpu.memory_space<hbm>>
      %dma_start3A_31 = tpu.memref_slice %arg5[%add3A_26] : memref<320000xi32, #tpu.memory_space<hbm>> -> memref<80xi32, #tpu.memory_space<hbm>>
      tpu.enqueue_dma source(%dma_start3A_31 : memref<80xi32, #tpu.memory_space<hbm>>) target(%arg12 : memref<80xi32, #tpu.memory_space<vmem>>) target_semaphore(%arg25 : memref<!tpu.dma_semaphore, #tpu.memory_space<semaphore_mem>>)
      %dma_start3A_32 = tpu.memref_slice %arg6[%add3A_26] : memref<320000xf32, #tpu.memory_space<hbm>> -> memref<80xf32, #tpu.memory_space<hbm>>
      %dma_start3A_33 = tpu.memref_slice %arg6[%add3A_26] : memref<320000xf32, #tpu.memory_space<hbm>> -> memref<80xf32, #tpu.memory_space<hbm>>
      tpu.enqueue_dma source(%dma_start3A_33 : memref<80xf32, #tpu.memory_space<hbm>>) target(%arg13 : memref<80xf32, #tpu.memory_space<vmem>>) target_semaphore(%arg25 : memref<!tpu.dma_semaphore, #tpu.memory_space<semaphore_mem>>)
      %dma_start3A_34 = tpu.memref_slice %arg4[%add3A_28] : memref<320000xi32, #tpu.memory_space<hbm>> -> memref<80xi32, #tpu.memory_space<hbm>>
      %dma_start3A_35 = tpu.memref_slice %arg4[%add3A_28] : memref<320000xi32, #tpu.memory_space<hbm>> -> memref<80xi32, #tpu.memory_space<hbm>>
      tpu.enqueue_dma source(%dma_start3A_35 : memref<80xi32, #tpu.memory_space<hbm>>) target(%arg14 : memref<80xi32, #tpu.memory_space<vmem>>) target_semaphore(%arg25 : memref<!tpu.dma_semaphore, #tpu.memory_space<semaphore_mem>>)
      %dma_start3A_36 = tpu.memref_slice %arg5[%add3A_28] : memref<320000xi32, #tpu.memory_space<hbm>> -> memref<80xi32, #tpu.memory_space<hbm>>
      %dma_start3A_37 = tpu.memref_slice %arg5[%add3A_28] : memref<320000xi32, #tpu.memory_space<hbm>> -> memref<80xi32, #tpu.memory_space<hbm>>
      tpu.enqueue_dma source(%dma_start3A_37 : memref<80xi32, #tpu.memory_space<hbm>>) target(%arg15 : memref<80xi32, #tpu.memory_space<vmem>>) target_semaphore(%arg25 : memref<!tpu.dma_semaphore, #tpu.memory_space<semaphore_mem>>)
      %dma_start3A_38 = tpu.memref_slice %arg6[%add3A_28] : memref<320000xf32, #tpu.memory_space<hbm>> -> memref<80xf32, #tpu.memory_space<hbm>>
      %dma_start3A_39 = tpu.memref_slice %arg6[%add3A_28] : memref<320000xf32, #tpu.memory_space<hbm>> -> memref<80xf32, #tpu.memory_space<hbm>>
      tpu.enqueue_dma source(%dma_start3A_39 : memref<80xf32, #tpu.memory_space<hbm>>) target(%arg16 : memref<80xf32, #tpu.memory_space<vmem>>) target_semaphore(%arg25 : memref<!tpu.dma_semaphore, #tpu.memory_space<semaphore_mem>>)
      %dma_wait3A = tpu.memref_slice %arg4[%add3A_26] : memref<320000xi32, #tpu.memory_space<hbm>> -> memref<80xi32, #tpu.memory_space<hbm>>
      %dma_wait3A_40 = tpu.memref_slice %arg4[%add3A_26] : memref<320000xi32, #tpu.memory_space<hbm>> -> memref<80xi32, #tpu.memory_space<hbm>>
      tpu.wait_dma2 semaphore(%arg25 : memref<!tpu.dma_semaphore, #tpu.memory_space<semaphore_mem>>) src(%dma_wait3A_40 : memref<80xi32, #tpu.memory_space<hbm>>) dst(%arg11 : memref<80xi32, #tpu.memory_space<vmem>>)
      %dma_wait3A_41 = tpu.memref_slice %arg5[%add3A_26] : memref<320000xi32, #tpu.memory_space<hbm>> -> memref<80xi32, #tpu.memory_space<hbm>>
      %dma_wait3A_42 = tpu.memref_slice %arg5[%add3A_26] : memref<320000xi32, #tpu.memory_space<hbm>> -> memref<80xi32, #tpu.memory_space<hbm>>
      tpu.wait_dma2 semaphore(%arg25 : memref<!tpu.dma_semaphore, #tpu.memory_space<semaphore_mem>>) src(%dma_wait3A_42 : memref<80xi32, #tpu.memory_space<hbm>>) dst(%arg12 : memref<80xi32, #tpu.memory_space<vmem>>)
      %dma_wait3A_43 = tpu.memref_slice %arg6[%add3A_26] : memref<320000xf32, #tpu.memory_space<hbm>> -> memref<80xf32, #tpu.memory_space<hbm>>
      %dma_wait3A_44 = tpu.memref_slice %arg6[%add3A_26] : memref<320000xf32, #tpu.memory_space<hbm>> -> memref<80xf32, #tpu.memory_space<hbm>>
      tpu.wait_dma2 semaphore(%arg25 : memref<!tpu.dma_semaphore, #tpu.memory_space<semaphore_mem>>) src(%dma_wait3A_44 : memref<80xf32, #tpu.memory_space<hbm>>) dst(%arg13 : memref<80xf32, #tpu.memory_space<vmem>>)
      %dma_wait3A_45 = tpu.memref_slice %arg4[%add3A_28] : memref<320000xi32, #tpu.memory_space<hbm>> -> memref<80xi32, #tpu.memory_space<hbm>>
      %dma_wait3A_46 = tpu.memref_slice %arg4[%add3A_28] : memref<320000xi32, #tpu.memory_space<hbm>> -> memref<80xi32, #tpu.memory_space<hbm>>
      tpu.wait_dma2 semaphore(%arg25 : memref<!tpu.dma_semaphore, #tpu.memory_space<semaphore_mem>>) src(%dma_wait3A_46 : memref<80xi32, #tpu.memory_space<hbm>>) dst(%arg14 : memref<80xi32, #tpu.memory_space<vmem>>)
      %dma_wait3A_47 = tpu.memref_slice %arg5[%add3A_28] : memref<320000xi32, #tpu.memory_space<hbm>> -> memref<80xi32, #tpu.memory_space<hbm>>
      %dma_wait3A_48 = tpu.memref_slice %arg5[%add3A_28] : memref<320000xi32, #tpu.memory_space<hbm>> -> memref<80xi32, #tpu.memory_space<hbm>>
      tpu.wait_dma2 semaphore(%arg25 : memref<!tpu.dma_semaphore, #tpu.memory_space<semaphore_mem>>) src(%dma_wait3A_48 : memref<80xi32, #tpu.memory_space<hbm>>) dst(%arg15 : memref<80xi32, #tpu.memory_space<vmem>>)
      %dma_wait3A_49 = tpu.memref_slice %arg6[%add3A_28] : memref<320000xf32, #tpu.memory_space<hbm>> -> memref<80xf32, #tpu.memory_space<hbm>>
      %dma_wait3A_50 = tpu.memref_slice %arg6[%add3A_28] : memref<320000xf32, #tpu.memory_space<hbm>> -> memref<80xf32, #tpu.memory_space<hbm>>
      tpu.wait_dma2 semaphore(%arg25 : memref<!tpu.dma_semaphore, #tpu.memory_space<semaphore_mem>>) src(%dma_wait3A_50 : memref<80xf32, #tpu.memory_space<hbm>>) dst(%arg16 : memref<80xf32, #tpu.memory_space<vmem>>)
      %dma_start3A_51 = arith.constant 0 : i32
      %dma_start3A_52 = arith.constant 0 : i32
      %dma_start3A_53 = tpu.memref_slice %arg2[%dma_start3A_51, %dma_start3A_52] : memref<10000x128xf32, #tpu.memory_space<hbm>> -> memref<10000x128xf32, #tpu.memory_space<hbm>>
      tpu.enqueue_indirect_dma source(%dma_start3A_53 : memref<10000x128xf32, #tpu.memory_space<hbm>>) target(%arg17 : memref<80x128xf32, #tpu.memory_space<vmem>>) offsets(%arg11 : memref<80xi32, #tpu.memory_space<vmem>>) semaphore(%arg26 : memref<!tpu.dma_semaphore, #tpu.memory_space<semaphore_mem>>)
      %dma_start3A_54 = arith.constant 0 : i32
      %dma_start3A_55 = arith.constant 0 : i32
      %dma_start3A_56 = tpu.memref_slice %arg3[%dma_start3A_54, %dma_start3A_55] : memref<10000x128xf32, #tpu.memory_space<hbm>> -> memref<10000x128xf32, #tpu.memory_space<hbm>>
      tpu.enqueue_indirect_dma source(%dma_start3A_56 : memref<10000x128xf32, #tpu.memory_space<hbm>>) target(%arg18 : memref<80x128xf32, #tpu.memory_space<vmem>>) offsets(%arg12 : memref<80xi32, #tpu.memory_space<vmem>>) semaphore(%arg26 : memref<!tpu.dma_semaphore, #tpu.memory_space<semaphore_mem>>)
      %dma_start3A_57 = arith.constant 0 : i32
      %dma_start3A_58 = arith.constant 0 : i32
      %dma_start3A_59 = tpu.memref_slice %arg2[%dma_start3A_57, %dma_start3A_58] : memref<10000x128xf32, #tpu.memory_space<hbm>> -> memref<10000x128xf32, #tpu.memory_space<hbm>>
      tpu.enqueue_indirect_dma source(%dma_start3A_59 : memref<10000x128xf32, #tpu.memory_space<hbm>>) target(%arg19 : memref<80x128xf32, #tpu.memory_space<vmem>>) offsets(%arg14 : memref<80xi32, #tpu.memory_space<vmem>>) semaphore(%arg27 : memref<!tpu.dma_semaphore, #tpu.memory_space<semaphore_mem>>)
      %dma_start3A_60 = arith.constant 0 : i32
      %dma_start3A_61 = arith.constant 0 : i32
      %dma_start3A_62 = tpu.memref_slice %arg3[%dma_start3A_60, %dma_start3A_61] : memref<10000x128xf32, #tpu.memory_space<hbm>> -> memref<10000x128xf32, #tpu.memory_space<hbm>>
      tpu.enqueue_indirect_dma source(%dma_start3A_62 : memref<10000x128xf32, #tpu.memory_space<hbm>>) target(%arg20 : memref<80x128xf32, #tpu.memory_space<vmem>>) offsets(%arg15 : memref<80xi32, #tpu.memory_space<vmem>>) semaphore(%arg27 : memref<!tpu.dma_semaphore, #tpu.memory_space<semaphore_mem>>)
      %dma_wait3A_63 = arith.constant 0 : i32
      %dma_wait3A_64 = arith.constant 0 : i32
      %dma_wait3A_65 = tpu.memref_slice %arg2[%dma_wait3A_63, %dma_wait3A_64] : memref<10000x128xf32, #tpu.memory_space<hbm>> -> memref<10000x128xf32, #tpu.memory_space<hbm>>
      tpu.wait_indirect_dma semaphore(%arg26 : memref<!tpu.dma_semaphore, #tpu.memory_space<semaphore_mem>>) src(%dma_wait3A_65 : memref<10000x128xf32, #tpu.memory_space<hbm>>) dst(%arg17 : memref<80x128xf32, #tpu.memory_space<vmem>>)
      %dma_wait3A_66 = arith.constant 0 : i32
      %dma_wait3A_67 = arith.constant 0 : i32
      %dma_wait3A_68 = tpu.memref_slice %arg3[%dma_wait3A_66, %dma_wait3A_67] : memref<10000x128xf32, #tpu.memory_space<hbm>> -> memref<10000x128xf32, #tpu.memory_space<hbm>>
      tpu.wait_indirect_dma semaphore(%arg26 : memref<!tpu.dma_semaphore, #tpu.memory_space<semaphore_mem>>) src(%dma_wait3A_68 : memref<10000x128xf32, #tpu.memory_space<hbm>>) dst(%arg18 : memref<80x128xf32, #tpu.memory_space<vmem>>)
      %mul3A_69 = arith.constant 2 : i32
      %mul3A_70 = arith.muli %mul3A_69, %scan3A_20 : i32
      %scan3A_71 = arith.constant 0 : i32
      %scan3A_72 = arith.constant 5 : i32
      %scan3A_73 = arith.addi %scan3A_71, %scan3A_72 : i32
      %scan3A_74 = arith.constant 1 : i32
      %scan3A_75 = scf.for %scan3A_99 = %scan3A_71 to %scan3A_73 step %scan3A_74 iter_args(%scan3A_100 = %scan3A_21) -> (vector<16xf32>)  : i32 {
        %mul3A_101 = arith.constant 16 : i32
        %mul3A_102 = arith.muli %scan3A_99, %mul3A_101 : i32
        %get3A = arith.index_cast %mul3A_102 : i32 to index
        %get3A_103 = tpu.vector_load %arg13[%get3A] {strides = array<i32>} : memref<80xf32, #tpu.memory_space<vmem>>, vector<16xf32>,
        %mul3A_104 = arith.constant 16 : i32
        %mul3A_105 = arith.muli %scan3A_99, %mul3A_104 : i32
        %add3A_106 = vector.broadcast %mul3A_105 : i32 to vector<16xi32>
        %add3A_107 = arith.addi %iota3A, %add3A_106 : vector<16xi32>
        %scan3A_108 = arith.constant 0 : i32
        %scan3A_109 = arith.constant 32 : i32
        %scan3A_110 = arith.addi %scan3A_108, %scan3A_109 : i32
        %scan3A_111 = arith.constant 1 : i32
        %scan3A_112 = scf.for %scan3A_133 = %scan3A_108 to %scan3A_110 step %scan3A_111 iter_args(%scan3A_134 = %broadcast_in_dim3A_1) -> (vector<16xf32>)  : i32 {
          %mul3A_135 = arith.constant 4 : i32
          %mul3A_136 = arith.muli %scan3A_133, %mul3A_135 : i32
          %add3A_137 = arith.constant 0 : i32
          %add3A_138 = arith.addi %mul3A_136, %add3A_137 : i32
          %broadcast_in_dim3A_139 = vector.broadcast %add3A_138 : i32 to vector<16xi32>
          %gather3A = tpu.vector_load_idx %arg17[%add3A_107, %broadcast_in_dim3A_139] : memref<80x128xf32, #tpu.memory_space<vmem>>[vector<16xi32>, vector<16xi32>], vector<16xf32>,
          %gather3A_140 = tpu.vector_load_idx %arg18[%add3A_107, %broadcast_in_dim3A_139] : memref<80x128xf32, #tpu.memory_space<vmem>>[vector<16xi32>, vector<16xi32>], vector<16xf32>,
          %add3A_141 = arith.addf %gather3A, %gather3A_140 : vector<16xf32>
          %max3A = arith.constant 0.000000e+00 : f32
          %max3A_142 = vector.broadcast %max3A : f32 to vector<16xf32>
          %max3A_143 = arith.maximumf %add3A_141, %max3A_142 : vector<16xf32>
          %get3A_144 = arith.index_cast %add3A_138 : i32 to index
          %get3A_145 = arith.constant 0 : index
          %get3A_146 = tpu.vector_load %arg22[%get3A_144, %get3A_145] {strides = array<i32>} : memref<128x16xf32, #tpu.memory_space<vmem>>, vector<16xf32>,
          %mul3A_147 = arith.mulf %max3A_143, %get3A_146 : vector<16xf32>
          %add3A_148 = arith.addf %scan3A_134, %mul3A_147 : vector<16xf32>
          %mul3A_149 = arith.constant 4 : i32
          %mul3A_150 = arith.muli %scan3A_133, %mul3A_149 : i32
          %add3A_151 = arith.constant 1 : i32
          %add3A_152 = arith.addi %mul3A_150, %add3A_151 : i32
          %broadcast_in_dim3A_153 = vector.broadcast %add3A_152 : i32 to vector<16xi32>
          %gather3A_154 = tpu.vector_load_idx %arg17[%add3A_107, %broadcast_in_dim3A_153] : memref<80x128xf32, #tpu.memory_space<vmem>>[vector<16xi32>, vector<16xi32>], vector<16xf32>,
          %gather3A_155 = tpu.vector_load_idx %arg18[%add3A_107, %broadcast_in_dim3A_153] : memref<80x128xf32, #tpu.memory_space<vmem>>[vector<16xi32>, vector<16xi32>], vector<16xf32>,
          %add3A_156 = arith.addf %gather3A_154, %gather3A_155 : vector<16xf32>
          %max3A_157 = arith.constant 0.000000e+00 : f32
          %max3A_158 = vector.broadcast %max3A_157 : f32 to vector<16xf32>
          %max3A_159 = arith.maximumf %add3A_156, %max3A_158 : vector<16xf32>
          %get3A_160 = arith.index_cast %add3A_152 : i32 to index
          %get3A_161 = arith.constant 0 : index
          %get3A_162 = tpu.vector_load %arg22[%get3A_160, %get3A_161] {strides = array<i32>} : memref<128x16xf32, #tpu.memory_space<vmem>>, vector<16xf32>,
          %mul3A_163 = arith.mulf %max3A_159, %get3A_162 : vector<16xf32>
          %add3A_164 = arith.addf %add3A_148, %mul3A_163 : vector<16xf32>
          %mul3A_165 = arith.constant 4 : i32
          %mul3A_166 = arith.muli %scan3A_133, %mul3A_165 : i32
          %add3A_167 = arith.constant 2 : i32
          %add3A_168 = arith.addi %mul3A_166, %add3A_167 : i32
          %broadcast_in_dim3A_169 = vector.broadcast %add3A_168 : i32 to vector<16xi32>
          %gather3A_170 = tpu.vector_load_idx %arg17[%add3A_107, %broadcast_in_dim3A_169] : memref<80x128xf32, #tpu.memory_space<vmem>>[vector<16xi32>, vector<16xi32>], vector<16xf32>,
          %gather3A_171 = tpu.vector_load_idx %arg18[%add3A_107, %broadcast_in_dim3A_169] : memref<80x128xf32, #tpu.memory_space<vmem>>[vector<16xi32>, vector<16xi32>], vector<16xf32>,
          %add3A_172 = arith.addf %gather3A_170, %gather3A_171 : vector<16xf32>
          %max3A_173 = arith.constant 0.000000e+00 : f32
          %max3A_174 = vector.broadcast %max3A_173 : f32 to vector<16xf32>
          %max3A_175 = arith.maximumf %add3A_172, %max3A_174 : vector<16xf32>
          %get3A_176 = arith.index_cast %add3A_168 : i32 to index
          %get3A_177 = arith.constant 0 : index
          %get3A_178 = tpu.vector_load %arg22[%get3A_176, %get3A_177] {strides = array<i32>} : memref<128x16xf32, #tpu.memory_space<vmem>>, vector<16xf32>,
          %mul3A_179 = arith.mulf %max3A_175, %get3A_178 : vector<16xf32>
          %add3A_180 = arith.addf %add3A_164, %mul3A_179 : vector<16xf32>
          %mul3A_181 = arith.constant 4 : i32
          %mul3A_182 = arith.muli %scan3A_133, %mul3A_181 : i32
          %add3A_183 = arith.constant 3 : i32
          %add3A_184 = arith.addi %mul3A_182, %add3A_183 : i32
          %broadcast_in_dim3A_185 = vector.broadcast %add3A_184 : i32 to vector<16xi32>
          %gather3A_186 = tpu.vector_load_idx %arg17[%add3A_107, %broadcast_in_dim3A_185] : memref<80x128xf32, #tpu.memory_space<vmem>>[vector<16xi32>, vector<16xi32>], vector<16xf32>,
          %gather3A_187 = tpu.vector_load_idx %arg18[%add3A_107, %broadcast_in_dim3A_185] : memref<80x128xf32, #tpu.memory_space<vmem>>[vector<16xi32>, vector<16xi32>], vector<16xf32>,
          %add3A_188 = arith.addf %gather3A_186, %gather3A_187 : vector<16xf32>
          %max3A_189 = arith.constant 0.000000e+00 : f32
          %max3A_190 = vector.broadcast %max3A_189 : f32 to vector<16xf32>
          %max3A_191 = arith.maximumf %add3A_188, %max3A_190 : vector<16xf32>
          %get3A_192 = arith.index_cast %add3A_184 : i32 to index
          %get3A_193 = arith.constant 0 : index
          %get3A_194 = tpu.vector_load %arg22[%get3A_192, %get3A_193] {strides = array<i32>} : memref<128x16xf32, #tpu.memory_space<vmem>>, vector<16xf32>,
          %mul3A_195 = arith.mulf %max3A_191, %get3A_194 : vector<16xf32>
          %add3A_196 = arith.addf %add3A_180, %mul3A_195 : vector<16xf32>
          scf.yield %add3A_196 : vector<16xf32>
        }
        %scan3A_113 = arith.constant 32 : i32
        %get3A_114 = arith.constant 0 : index
        %get3A_115 = tpu.vector_load %arg23[%get3A_114] {strides = array<i32>} : memref<16xf32, #tpu.memory_space<vmem>>, vector<16xf32>,
        %add3A_116 = arith.addf %scan3A_112, %get3A_115 : vector<16xf32>
        %neg3A = arith.constant 0.000000e+00 : f32
        %neg3A_117 = vector.broadcast %neg3A : f32 to vector<16xf32>
        %neg3A_118 = arith.subf %neg3A_117, %add3A_116 : vector<16xf32>
        %exp3A = math.exp %neg3A_118 : vector<16xf32>
        %add3A_119 = arith.constant 1.000000e+00 : f32
        %add3A_120 = vector.broadcast %add3A_119 : f32 to vector<16xf32>
        %add3A_121 = arith.addf %add3A_120, %exp3A : vector<16xf32>
        %div3A = arith.constant 1.000000e+00 : f32
        %div3A_122 = vector.broadcast %div3A : f32 to vector<16xf32>
        %div3A_123 = arith.divf %div3A_122, %add3A_121 : vector<16xf32>
        %mul3A_124 = arith.mulf %get3A_103, %div3A_123 : vector<16xf32>
        %abs3A = math.absf %mul3A_124 : vector<16xf32>
        %gt3A = arith.constant 1.000000e-03 : f32
        %gt3A_125 = vector.broadcast %gt3A : f32 to vector<16xf32>
        %gt3A_126 = arith.cmpf ogt, %abs3A, %gt3A_125 : vector<16xf32>
        %jit3A = arith.constant 0.000000e+00 : f32
        %broadcast_in_dim3A_127 = vector.broadcast %jit3A : f32 to vector<16xf32>
        %select_n3A = arith.select %gt3A_126, %mul3A_124, %broadcast_in_dim3A_127 : vector<16xi1>, vector<16xf32>
        %mul3A_128 = arith.constant 16 : i32
        %mul3A_129 = arith.muli %scan3A_99, %mul3A_128 : i32
        %swap3A_130 = arith.index_cast %mul3A_129 : i32 to index
        %swap3A_131 = tpu.vector_load %arg21[%swap3A_130] {strides = array<i32>} : memref<80xf32, #tpu.memory_space<vmem>>, vector<16xf32>,
        tpu.vector_store %arg21[%swap3A_130], %select_n3A {strides = array<i32>} : memref<80xf32, #tpu.memory_space<vmem>>, vector<16xf32>,
        %add3A_132 = arith.addf %scan3A_100, %div3A_123 : vector<16xf32>
        scf.yield %add3A_132 : vector<16xf32>
      }
      %scan3A_76 = arith.constant 5 : i32
      %mul3A_77 = arith.constant 80 : i32
      %mul3A_78 = arith.muli %mul3A_70, %mul3A_77 : i32
      %add3A_79 = arith.addi %mul3A_3, %mul3A_78 : i32
      "tpu.region"() ({
        %run_scoped3A = tpu.sem_alloc : memref<!tpu.dma_semaphore, #tpu.memory_space<semaphore_mem>>
        %dma_start3A_99 = tpu.memref_slice %arg9[%add3A_79] : memref<320000xf32, #tpu.memory_space<hbm>> -> memref<80xf32, #tpu.memory_space<hbm>>
        %dma_start3A_100 = tpu.memref_slice %arg9[%add3A_79] : memref<320000xf32, #tpu.memory_space<hbm>> -> memref<80xf32, #tpu.memory_space<hbm>>
        tpu.enqueue_dma source(%arg21 : memref<80xf32, #tpu.memory_space<vmem>>) target(%dma_start3A_100 : memref<80xf32, #tpu.memory_space<hbm>>) target_semaphore(%run_scoped3A : memref<!tpu.dma_semaphore, #tpu.memory_space<semaphore_mem>>)
        %dma_wait3A_101 = tpu.memref_slice %arg9[%add3A_79] : memref<320000xf32, #tpu.memory_space<hbm>> -> memref<80xf32, #tpu.memory_space<hbm>>
        %dma_wait3A_102 = tpu.memref_slice %arg9[%add3A_79] : memref<320000xf32, #tpu.memory_space<hbm>> -> memref<80xf32, #tpu.memory_space<hbm>>
        tpu.wait_dma2 semaphore(%run_scoped3A : memref<!tpu.dma_semaphore, #tpu.memory_space<semaphore_mem>>) src(%arg21 : memref<80xf32, #tpu.memory_space<vmem>>) dst(%dma_wait3A_102 : memref<80xf32, #tpu.memory_space<hbm>>)
        tpu.yield
      }) : () -> ()
      %dma_wait3A_80 = arith.constant 0 : i32
      %dma_wait3A_81 = arith.constant 0 : i32
      %dma_wait3A_82 = tpu.memref_slice %arg2[%dma_wait3A_80, %dma_wait3A_81] : memref<10000x128xf32, #tpu.memory_space<hbm>> -> memref<10000x128xf32, #tpu.memory_space<hbm>>
      tpu.wait_indirect_dma semaphore(%arg27 : memref<!tpu.dma_semaphore, #tpu.memory_space<semaphore_mem>>) src(%dma_wait3A_82 : memref<10000x128xf32, #tpu.memory_space<hbm>>) dst(%arg19 : memref<80x128xf32, #tpu.memory_space<vmem>>)
      %dma_wait3A_83 = arith.constant 0 : i32
      %dma_wait3A_84 = arith.constant 0 : i32
      %dma_wait3A_85 = tpu.memref_slice %arg3[%dma_wait3A_83, %dma_wait3A_84] : memref<10000x128xf32, #tpu.memory_space<hbm>> -> memref<10000x128xf32, #tpu.memory_space<hbm>>
      tpu.wait_indirect_dma semaphore(%arg27 : memref<!tpu.dma_semaphore, #tpu.memory_space<semaphore_mem>>) src(%dma_wait3A_85 : memref<10000x128xf32, #tpu.memory_space<hbm>>) dst(%arg20 : memref<80x128xf32, #tpu.memory_space<vmem>>)
      %mul3A_86 = arith.constant 2 : i32
      %mul3A_87 = arith.muli %mul3A_86, %scan3A_20 : i32
      %add3A_88 = arith.constant 1 : i32
      %add3A_89 = arith.addi %mul3A_87, %add3A_88 : i32
      %scan3A_90 = arith.constant 0 : i32
      %scan3A_91 = arith.constant 5 : i32
      %scan3A_92 = arith.addi %scan3A_90, %scan3A_91 : i32
      %scan3A_93 = arith.constant 1 : i32
      %scan3A_94 = scf.for %scan3A_99 = %scan3A_90 to %scan3A_92 step %scan3A_93 iter_args(%scan3A_100 = %scan3A_75) -> (vector<16xf32>)  : i32 {
        %mul3A_101 = arith.constant 16 : i32
        %mul3A_102 = arith.muli %scan3A_99, %mul3A_101 : i32
        %get3A = arith.index_cast %mul3A_102 : i32 to index
        %get3A_103 = tpu.vector_load %arg16[%get3A] {strides = array<i32>} : memref<80xf32, #tpu.memory_space<vmem>>, vector<16xf32>,
        %mul3A_104 = arith.constant 16 : i32
        %mul3A_105 = arith.muli %scan3A_99, %mul3A_104 : i32
        %add3A_106 = vector.broadcast %mul3A_105 : i32 to vector<16xi32>
        %add3A_107 = arith.addi %iota3A, %add3A_106 : vector<16xi32>
        %scan3A_108 = arith.constant 0 : i32
        %scan3A_109 = arith.constant 32 : i32
        %scan3A_110 = arith.addi %scan3A_108, %scan3A_109 : i32
        %scan3A_111 = arith.constant 1 : i32
        %scan3A_112 = scf.for %scan3A_133 = %scan3A_108 to %scan3A_110 step %scan3A_111 iter_args(%scan3A_134 = %broadcast_in_dim3A_1) -> (vector<16xf32>)  : i32 {
          %mul3A_135 = arith.constant 4 : i32
          %mul3A_136 = arith.muli %scan3A_133, %mul3A_135 : i32
          %add3A_137 = arith.constant 0 : i32
          %add3A_138 = arith.addi %mul3A_136, %add3A_137 : i32
          %broadcast_in_dim3A_139 = vector.broadcast %add3A_138 : i32 to vector<16xi32>
          %gather3A = tpu.vector_load_idx %arg19[%add3A_107, %broadcast_in_dim3A_139] : memref<80x128xf32, #tpu.memory_space<vmem>>[vector<16xi32>, vector<16xi32>], vector<16xf32>,
          %gather3A_140 = tpu.vector_load_idx %arg20[%add3A_107, %broadcast_in_dim3A_139] : memref<80x128xf32, #tpu.memory_space<vmem>>[vector<16xi32>, vector<16xi32>], vector<16xf32>,
          %add3A_141 = arith.addf %gather3A, %gather3A_140 : vector<16xf32>
          %max3A = arith.constant 0.000000e+00 : f32
          %max3A_142 = vector.broadcast %max3A : f32 to vector<16xf32>
          %max3A_143 = arith.maximumf %add3A_141, %max3A_142 : vector<16xf32>
          %get3A_144 = arith.index_cast %add3A_138 : i32 to index
          %get3A_145 = arith.constant 0 : index
          %get3A_146 = tpu.vector_load %arg22[%get3A_144, %get3A_145] {strides = array<i32>} : memref<128x16xf32, #tpu.memory_space<vmem>>, vector<16xf32>,
          %mul3A_147 = arith.mulf %max3A_143, %get3A_146 : vector<16xf32>
          %add3A_148 = arith.addf %scan3A_134, %mul3A_147 : vector<16xf32>
          %mul3A_149 = arith.constant 4 : i32
          %mul3A_150 = arith.muli %scan3A_133, %mul3A_149 : i32
          %add3A_151 = arith.constant 1 : i32
          %add3A_152 = arith.addi %mul3A_150, %add3A_151 : i32
          %broadcast_in_dim3A_153 = vector.broadcast %add3A_152 : i32 to vector<16xi32>
          %gather3A_154 = tpu.vector_load_idx %arg19[%add3A_107, %broadcast_in_dim3A_153] : memref<80x128xf32, #tpu.memory_space<vmem>>[vector<16xi32>, vector<16xi32>], vector<16xf32>,
          %gather3A_155 = tpu.vector_load_idx %arg20[%add3A_107, %broadcast_in_dim3A_153] : memref<80x128xf32, #tpu.memory_space<vmem>>[vector<16xi32>, vector<16xi32>], vector<16xf32>,
          %add3A_156 = arith.addf %gather3A_154, %gather3A_155 : vector<16xf32>
          %max3A_157 = arith.constant 0.000000e+00 : f32
          %max3A_158 = vector.broadcast %max3A_157 : f32 to vector<16xf32>
          %max3A_159 = arith.maximumf %add3A_156, %max3A_158 : vector<16xf32>
          %get3A_160 = arith.index_cast %add3A_152 : i32 to index
          %get3A_161 = arith.constant 0 : index
          %get3A_162 = tpu.vector_load %arg22[%get3A_160, %get3A_161] {strides = array<i32>} : memref<128x16xf32, #tpu.memory_space<vmem>>, vector<16xf32>,
          %mul3A_163 = arith.mulf %max3A_159, %get3A_162 : vector<16xf32>
          %add3A_164 = arith.addf %add3A_148, %mul3A_163 : vector<16xf32>
          %mul3A_165 = arith.constant 4 : i32
          %mul3A_166 = arith.muli %scan3A_133, %mul3A_165 : i32
          %add3A_167 = arith.constant 2 : i32
          %add3A_168 = arith.addi %mul3A_166, %add3A_167 : i32
          %broadcast_in_dim3A_169 = vector.broadcast %add3A_168 : i32 to vector<16xi32>
          %gather3A_170 = tpu.vector_load_idx %arg19[%add3A_107, %broadcast_in_dim3A_169] : memref<80x128xf32, #tpu.memory_space<vmem>>[vector<16xi32>, vector<16xi32>], vector<16xf32>,
          %gather3A_171 = tpu.vector_load_idx %arg20[%add3A_107, %broadcast_in_dim3A_169] : memref<80x128xf32, #tpu.memory_space<vmem>>[vector<16xi32>, vector<16xi32>], vector<16xf32>,
          %add3A_172 = arith.addf %gather3A_170, %gather3A_171 : vector<16xf32>
          %max3A_173 = arith.constant 0.000000e+00 : f32
          %max3A_174 = vector.broadcast %max3A_173 : f32 to vector<16xf32>
          %max3A_175 = arith.maximumf %add3A_172, %max3A_174 : vector<16xf32>
          %get3A_176 = arith.index_cast %add3A_168 : i32 to index
          %get3A_177 = arith.constant 0 : index
          %get3A_178 = tpu.vector_load %arg22[%get3A_176, %get3A_177] {strides = array<i32>} : memref<128x16xf32, #tpu.memory_space<vmem>>, vector<16xf32>,
          %mul3A_179 = arith.mulf %max3A_175, %get3A_178 : vector<16xf32>
          %add3A_180 = arith.addf %add3A_164, %mul3A_179 : vector<16xf32>
          %mul3A_181 = arith.constant 4 : i32
          %mul3A_182 = arith.muli %scan3A_133, %mul3A_181 : i32
          %add3A_183 = arith.constant 3 : i32
          %add3A_184 = arith.addi %mul3A_182, %add3A_183 : i32
          %broadcast_in_dim3A_185 = vector.broadcast %add3A_184 : i32 to vector<16xi32>
          %gather3A_186 = tpu.vector_load_idx %arg19[%add3A_107, %broadcast_in_dim3A_185] : memref<80x128xf32, #tpu.memory_space<vmem>>[vector<16xi32>, vector<16xi32>], vector<16xf32>,
          %gather3A_187 = tpu.vector_load_idx %arg20[%add3A_107, %broadcast_in_dim3A_185] : memref<80x128xf32, #tpu.memory_space<vmem>>[vector<16xi32>, vector<16xi32>], vector<16xf32>,
          %add3A_188 = arith.addf %gather3A_186, %gather3A_187 : vector<16xf32>
          %max3A_189 = arith.constant 0.000000e+00 : f32
          %max3A_190 = vector.broadcast %max3A_189 : f32 to vector<16xf32>
          %max3A_191 = arith.maximumf %add3A_188, %max3A_190 : vector<16xf32>
          %get3A_192 = arith.index_cast %add3A_184 : i32 to index
          %get3A_193 = arith.constant 0 : index
          %get3A_194 = tpu.vector_load %arg22[%get3A_192, %get3A_193] {strides = array<i32>} : memref<128x16xf32, #tpu.memory_space<vmem>>, vector<16xf32>,
          %mul3A_195 = arith.mulf %max3A_191, %get3A_194 : vector<16xf32>
          %add3A_196 = arith.addf %add3A_180, %mul3A_195 : vector<16xf32>
          scf.yield %add3A_196 : vector<16xf32>
        }
        %scan3A_113 = arith.constant 32 : i32
        %get3A_114 = arith.constant 0 : index
        %get3A_115 = tpu.vector_load %arg23[%get3A_114] {strides = array<i32>} : memref<16xf32, #tpu.memory_space<vmem>>, vector<16xf32>,
        %add3A_116 = arith.addf %scan3A_112, %get3A_115 : vector<16xf32>
        %neg3A = arith.constant 0.000000e+00 : f32
        %neg3A_117 = vector.broadcast %neg3A : f32 to vector<16xf32>
        %neg3A_118 = arith.subf %neg3A_117, %add3A_116 : vector<16xf32>
        %exp3A = math.exp %neg3A_118 : vector<16xf32>
        %add3A_119 = arith.constant 1.000000e+00 : f32
        %add3A_120 = vector.broadcast %add3A_119 : f32 to vector<16xf32>
        %add3A_121 = arith.addf %add3A_120, %exp3A : vector<16xf32>
        %div3A = arith.constant 1.000000e+00 : f32
        %div3A_122 = vector.broadcast %div3A : f32 to vector<16xf32>
        %div3A_123 = arith.divf %div3A_122, %add3A_121 : vector<16xf32>
        %mul3A_124 = arith.mulf %get3A_103, %div3A_123 : vector<16xf32>
        %abs3A = math.absf %mul3A_124 : vector<16xf32>
        %gt3A = arith.constant 1.000000e-03 : f32
        %gt3A_125 = vector.broadcast %gt3A : f32 to vector<16xf32>
        %gt3A_126 = arith.cmpf ogt, %abs3A, %gt3A_125 : vector<16xf32>
        %jit3A = arith.constant 0.000000e+00 : f32
        %broadcast_in_dim3A_127 = vector.broadcast %jit3A : f32 to vector<16xf32>
        %select_n3A = arith.select %gt3A_126, %mul3A_124, %broadcast_in_dim3A_127 : vector<16xi1>, vector<16xf32>
        %mul3A_128 = arith.constant 16 : i32
        %mul3A_129 = arith.muli %scan3A_99, %mul3A_128 : i32
        %swap3A_130 = arith.index_cast %mul3A_129 : i32 to index
        %swap3A_131 = tpu.vector_load %arg21[%swap3A_130] {strides = array<i32>} : memref<80xf32, #tpu.memory_space<vmem>>, vector<16xf32>,
        tpu.vector_store %arg21[%swap3A_130], %select_n3A {strides = array<i32>} : memref<80xf32, #tpu.memory_space<vmem>>, vector<16xf32>,
        %add3A_132 = arith.addf %scan3A_100, %div3A_123 : vector<16xf32>
        scf.yield %add3A_132 : vector<16xf32>
      }
      %scan3A_95 = arith.constant 5 : i32
      %mul3A_96 = arith.constant 80 : i32
      %mul3A_97 = arith.muli %add3A_89, %mul3A_96 : i32
      %add3A_98 = arith.addi %mul3A_3, %mul3A_97 : i32
      "tpu.region"() ({
        %run_scoped3A = tpu.sem_alloc : memref<!tpu.dma_semaphore, #tpu.memory_space<semaphore_mem>>
        %dma_start3A_99 = tpu.memref_slice %arg9[%add3A_98] : memref<320000xf32, #tpu.memory_space<hbm>> -> memref<80xf32, #tpu.memory_space<hbm>>
        %dma_start3A_100 = tpu.memref_slice %arg9[%add3A_98] : memref<320000xf32, #tpu.memory_space<hbm>> -> memref<80xf32, #tpu.memory_space<hbm>>
        tpu.enqueue_dma source(%arg21 : memref<80xf32, #tpu.memory_space<vmem>>) target(%dma_start3A_100 : memref<80xf32, #tpu.memory_space<hbm>>) target_semaphore(%run_scoped3A : memref<!tpu.dma_semaphore, #tpu.memory_space<semaphore_mem>>)
        %dma_wait3A_101 = tpu.memref_slice %arg9[%add3A_98] : memref<320000xf32, #tpu.memory_space<hbm>> -> memref<80xf32, #tpu.memory_space<hbm>>
        %dma_wait3A_102 = tpu.memref_slice %arg9[%add3A_98] : memref<320000xf32, #tpu.memory_space<hbm>> -> memref<80xf32, #tpu.memory_space<hbm>>
        tpu.wait_dma2 semaphore(%run_scoped3A : memref<!tpu.dma_semaphore, #tpu.memory_space<semaphore_mem>>) src(%arg21 : memref<80xf32, #tpu.memory_space<vmem>>) dst(%dma_wait3A_102 : memref<80xf32, #tpu.memory_space<hbm>>)
        tpu.yield
      }) : () -> ()
      scf.yield %scan3A_94 : vector<16xf32>
    }
    %scan3A_8 = arith.constant 62 : i32
    %add3A_9 = arith.constant 9920 : i32
    %add3A_10 = arith.addi %mul3A_3, %add3A_9 : i32
    "tpu.region"() ({
      %run_scoped3A = tpu.sem_alloc : memref<!tpu.dma_semaphore, #tpu.memory_space<semaphore_mem>>
      %dma_start3A = tpu.memref_slice %arg4[%add3A_10] : memref<320000xi32, #tpu.memory_space<hbm>> -> memref<80xi32, #tpu.memory_space<hbm>>
      %dma_start3A_20 = tpu.memref_slice %arg4[%add3A_10] : memref<320000xi32, #tpu.memory_space<hbm>> -> memref<80xi32, #tpu.memory_space<hbm>>
      tpu.enqueue_dma source(%dma_start3A_20 : memref<80xi32, #tpu.memory_space<hbm>>) target(%arg11 : memref<80xi32, #tpu.memory_space<vmem>>) target_semaphore(%run_scoped3A : memref<!tpu.dma_semaphore, #tpu.memory_space<semaphore_mem>>)
      %dma_wait3A = tpu.memref_slice %arg4[%add3A_10] : memref<320000xi32, #tpu.memory_space<hbm>> -> memref<80xi32, #tpu.memory_space<hbm>>
      %dma_wait3A_21 = tpu.memref_slice %arg4[%add3A_10] : memref<320000xi32, #tpu.memory_space<hbm>> -> memref<80xi32, #tpu.memory_space<hbm>>
      tpu.wait_dma2 semaphore(%run_scoped3A : memref<!tpu.dma_semaphore, #tpu.memory_space<semaphore_mem>>) src(%dma_wait3A_21 : memref<80xi32, #tpu.memory_space<hbm>>) dst(%arg11 : memref<80xi32, #tpu.memory_space<vmem>>)
      tpu.yield
    }) : () -> ()
    "tpu.region"() ({
      %run_scoped3A = tpu.sem_alloc : memref<!tpu.dma_semaphore, #tpu.memory_space<semaphore_mem>>
      %dma_start3A = tpu.memref_slice %arg5[%add3A_10] : memref<320000xi32, #tpu.memory_space<hbm>> -> memref<80xi32, #tpu.memory_space<hbm>>
      %dma_start3A_20 = tpu.memref_slice %arg5[%add3A_10] : memref<320000xi32, #tpu.memory_space<hbm>> -> memref<80xi32, #tpu.memory_space<hbm>>
      tpu.enqueue_dma source(%dma_start3A_20 : memref<80xi32, #tpu.memory_space<hbm>>) target(%arg12 : memref<80xi32, #tpu.memory_space<vmem>>) target_semaphore(%run_scoped3A : memref<!tpu.dma_semaphore, #tpu.memory_space<semaphore_mem>>)
      %dma_wait3A = tpu.memref_slice %arg5[%add3A_10] : memref<320000xi32, #tpu.memory_space<hbm>> -> memref<80xi32, #tpu.memory_space<hbm>>
      %dma_wait3A_21 = tpu.memref_slice %arg5[%add3A_10] : memref<320000xi32, #tpu.memory_space<hbm>> -> memref<80xi32, #tpu.memory_space<hbm>>
      tpu.wait_dma2 semaphore(%run_scoped3A : memref<!tpu.dma_semaphore, #tpu.memory_space<semaphore_mem>>) src(%dma_wait3A_21 : memref<80xi32, #tpu.memory_space<hbm>>) dst(%arg12 : memref<80xi32, #tpu.memory_space<vmem>>)
      tpu.yield
    }) : () -> ()
    "tpu.region"() ({
      %run_scoped3A = tpu.sem_alloc : memref<!tpu.dma_semaphore, #tpu.memory_space<semaphore_mem>>
      %dma_start3A = tpu.memref_slice %arg6[%add3A_10] : memref<320000xf32, #tpu.memory_space<hbm>> -> memref<80xf32, #tpu.memory_space<hbm>>
      %dma_start3A_20 = tpu.memref_slice %arg6[%add3A_10] : memref<320000xf32, #tpu.memory_space<hbm>> -> memref<80xf32, #tpu.memory_space<hbm>>
      tpu.enqueue_dma source(%dma_start3A_20 : memref<80xf32, #tpu.memory_space<hbm>>) target(%arg13 : memref<80xf32, #tpu.memory_space<vmem>>) target_semaphore(%run_scoped3A : memref<!tpu.dma_semaphore, #tpu.memory_space<semaphore_mem>>)
      %dma_wait3A = tpu.memref_slice %arg6[%add3A_10] : memref<320000xf32, #tpu.memory_space<hbm>> -> memref<80xf32, #tpu.memory_space<hbm>>
      %dma_wait3A_21 = tpu.memref_slice %arg6[%add3A_10] : memref<320000xf32, #tpu.memory_space<hbm>> -> memref<80xf32, #tpu.memory_space<hbm>>
      tpu.wait_dma2 semaphore(%run_scoped3A : memref<!tpu.dma_semaphore, #tpu.memory_space<semaphore_mem>>) src(%dma_wait3A_21 : memref<80xf32, #tpu.memory_space<hbm>>) dst(%arg13 : memref<80xf32, #tpu.memory_space<vmem>>)
      tpu.yield
    }) : () -> ()
    "tpu.region"() ({
      %run_scoped3A = tpu.sem_alloc : memref<!tpu.dma_semaphore, #tpu.memory_space<semaphore_mem>>
      %dma_start3A = arith.constant 0 : i32
      %dma_start3A_20 = arith.constant 0 : i32
      %dma_start3A_21 = tpu.memref_slice %arg2[%dma_start3A, %dma_start3A_20] : memref<10000x128xf32, #tpu.memory_space<hbm>> -> memref<10000x128xf32, #tpu.memory_space<hbm>>
      tpu.enqueue_indirect_dma source(%dma_start3A_21 : memref<10000x128xf32, #tpu.memory_space<hbm>>) target(%arg17 : memref<80x128xf32, #tpu.memory_space<vmem>>) offsets(%arg11 : memref<80xi32, #tpu.memory_space<vmem>>) semaphore(%run_scoped3A : memref<!tpu.dma_semaphore, #tpu.memory_space<semaphore_mem>>)
      %dma_wait3A = arith.constant 0 : i32
      %dma_wait3A_22 = arith.constant 0 : i32
      %dma_wait3A_23 = tpu.memref_slice %arg2[%dma_wait3A, %dma_wait3A_22] : memref<10000x128xf32, #tpu.memory_space<hbm>> -> memref<10000x128xf32, #tpu.memory_space<hbm>>
      tpu.wait_indirect_dma semaphore(%run_scoped3A : memref<!tpu.dma_semaphore, #tpu.memory_space<semaphore_mem>>) src(%dma_wait3A_23 : memref<10000x128xf32, #tpu.memory_space<hbm>>) dst(%arg17 : memref<80x128xf32, #tpu.memory_space<vmem>>)
      tpu.yield
    }) : () -> ()
    "tpu.region"() ({
      %run_scoped3A = tpu.sem_alloc : memref<!tpu.dma_semaphore, #tpu.memory_space<semaphore_mem>>
      %dma_start3A = arith.constant 0 : i32
      %dma_start3A_20 = arith.constant 0 : i32
      %dma_start3A_21 = tpu.memref_slice %arg3[%dma_start3A, %dma_start3A_20] : memref<10000x128xf32, #tpu.memory_space<hbm>> -> memref<10000x128xf32, #tpu.memory_space<hbm>>
      tpu.enqueue_indirect_dma source(%dma_start3A_21 : memref<10000x128xf32, #tpu.memory_space<hbm>>) target(%arg18 : memref<80x128xf32, #tpu.memory_space<vmem>>) offsets(%arg12 : memref<80xi32, #tpu.memory_space<vmem>>) semaphore(%run_scoped3A : memref<!tpu.dma_semaphore, #tpu.memory_space<semaphore_mem>>)
      %dma_wait3A = arith.constant 0 : i32
      %dma_wait3A_22 = arith.constant 0 : i32
      %dma_wait3A_23 = tpu.memref_slice %arg3[%dma_wait3A, %dma_wait3A_22] : memref<10000x128xf32, #tpu.memory_space<hbm>> -> memref<10000x128xf32, #tpu.memory_space<hbm>>
      tpu.wait_indirect_dma semaphore(%run_scoped3A : memref<!tpu.dma_semaphore, #tpu.memory_space<semaphore_mem>>) src(%dma_wait3A_23 : memref<10000x128xf32, #tpu.memory_space<hbm>>) dst(%arg18 : memref<80x128xf32, #tpu.memory_space<vmem>>)
      tpu.yield
    }) : () -> ()
    %scan3A_11 = arith.constant 0 : i32
    %scan3A_12 = arith.constant 5 : i32
    %scan3A_13 = arith.addi %scan3A_11, %scan3A_12 : i32
    %scan3A_14 = arith.constant 1 : i32
    %scan3A_15 = scf.for %scan3A_20 = %scan3A_11 to %scan3A_13 step %scan3A_14 iter_args(%scan3A_21 = %scan3A_7) -> (vector<16xf32>)  : i32 {
      %mul3A_22 = arith.constant 16 : i32
      %mul3A_23 = arith.muli %scan3A_20, %mul3A_22 : i32
      %get3A = arith.index_cast %mul3A_23 : i32 to index
      %get3A_24 = tpu.vector_load %arg13[%get3A] {strides = array<i32>} : memref<80xf32, #tpu.memory_space<vmem>>, vector<16xf32>,
      %mul3A_25 = arith.constant 16 : i32
      %mul3A_26 = arith.muli %scan3A_20, %mul3A_25 : i32
      %add3A_27 = vector.broadcast %mul3A_26 : i32 to vector<16xi32>
      %add3A_28 = arith.addi %iota3A, %add3A_27 : vector<16xi32>
      %scan3A_29 = arith.constant 0 : i32
      %scan3A_30 = arith.constant 32 : i32
      %scan3A_31 = arith.addi %scan3A_29, %scan3A_30 : i32
      %scan3A_32 = arith.constant 1 : i32
      %scan3A_33 = scf.for %scan3A_54 = %scan3A_29 to %scan3A_31 step %scan3A_32 iter_args(%scan3A_55 = %broadcast_in_dim3A_1) -> (vector<16xf32>)  : i32 {
        %mul3A_56 = arith.constant 4 : i32
        %mul3A_57 = arith.muli %scan3A_54, %mul3A_56 : i32
        %add3A_58 = arith.constant 0 : i32
        %add3A_59 = arith.addi %mul3A_57, %add3A_58 : i32
        %broadcast_in_dim3A_60 = vector.broadcast %add3A_59 : i32 to vector<16xi32>
        %gather3A = tpu.vector_load_idx %arg17[%add3A_28, %broadcast_in_dim3A_60] : memref<80x128xf32, #tpu.memory_space<vmem>>[vector<16xi32>, vector<16xi32>], vector<16xf32>,
        %gather3A_61 = tpu.vector_load_idx %arg18[%add3A_28, %broadcast_in_dim3A_60] : memref<80x128xf32, #tpu.memory_space<vmem>>[vector<16xi32>, vector<16xi32>], vector<16xf32>,
        %add3A_62 = arith.addf %gather3A, %gather3A_61 : vector<16xf32>
        %max3A = arith.constant 0.000000e+00 : f32
        %max3A_63 = vector.broadcast %max3A : f32 to vector<16xf32>
        %max3A_64 = arith.maximumf %add3A_62, %max3A_63 : vector<16xf32>
        %get3A_65 = arith.index_cast %add3A_59 : i32 to index
        %get3A_66 = arith.constant 0 : index
        %get3A_67 = tpu.vector_load %arg22[%get3A_65, %get3A_66] {strides = array<i32>} : memref<128x16xf32, #tpu.memory_space<vmem>>, vector<16xf32>,
        %mul3A_68 = arith.mulf %max3A_64, %get3A_67 : vector<16xf32>
        %add3A_69 = arith.addf %scan3A_55, %mul3A_68 : vector<16xf32>
        %mul3A_70 = arith.constant 4 : i32
        %mul3A_71 = arith.muli %scan3A_54, %mul3A_70 : i32
        %add3A_72 = arith.constant 1 : i32
        %add3A_73 = arith.addi %mul3A_71, %add3A_72 : i32
        %broadcast_in_dim3A_74 = vector.broadcast %add3A_73 : i32 to vector<16xi32>
        %gather3A_75 = tpu.vector_load_idx %arg17[%add3A_28, %broadcast_in_dim3A_74] : memref<80x128xf32, #tpu.memory_space<vmem>>[vector<16xi32>, vector<16xi32>], vector<16xf32>,
        %gather3A_76 = tpu.vector_load_idx %arg18[%add3A_28, %broadcast_in_dim3A_74] : memref<80x128xf32, #tpu.memory_space<vmem>>[vector<16xi32>, vector<16xi32>], vector<16xf32>,
        %add3A_77 = arith.addf %gather3A_75, %gather3A_76 : vector<16xf32>
        %max3A_78 = arith.constant 0.000000e+00 : f32
        %max3A_79 = vector.broadcast %max3A_78 : f32 to vector<16xf32>
        %max3A_80 = arith.maximumf %add3A_77, %max3A_79 : vector<16xf32>
        %get3A_81 = arith.index_cast %add3A_73 : i32 to index
        %get3A_82 = arith.constant 0 : index
        %get3A_83 = tpu.vector_load %arg22[%get3A_81, %get3A_82] {strides = array<i32>} : memref<128x16xf32, #tpu.memory_space<vmem>>, vector<16xf32>,
        %mul3A_84 = arith.mulf %max3A_80, %get3A_83 : vector<16xf32>
        %add3A_85 = arith.addf %add3A_69, %mul3A_84 : vector<16xf32>
        %mul3A_86 = arith.constant 4 : i32
        %mul3A_87 = arith.muli %scan3A_54, %mul3A_86 : i32
        %add3A_88 = arith.constant 2 : i32
        %add3A_89 = arith.addi %mul3A_87, %add3A_88 : i32
        %broadcast_in_dim3A_90 = vector.broadcast %add3A_89 : i32 to vector<16xi32>
        %gather3A_91 = tpu.vector_load_idx %arg17[%add3A_28, %broadcast_in_dim3A_90] : memref<80x128xf32, #tpu.memory_space<vmem>>[vector<16xi32>, vector<16xi32>], vector<16xf32>,
        %gather3A_92 = tpu.vector_load_idx %arg18[%add3A_28, %broadcast_in_dim3A_90] : memref<80x128xf32, #tpu.memory_space<vmem>>[vector<16xi32>, vector<16xi32>], vector<16xf32>,
        %add3A_93 = arith.addf %gather3A_91, %gather3A_92 : vector<16xf32>
        %max3A_94 = arith.constant 0.000000e+00 : f32
        %max3A_95 = vector.broadcast %max3A_94 : f32 to vector<16xf32>
        %max3A_96 = arith.maximumf %add3A_93, %max3A_95 : vector<16xf32>
        %get3A_97 = arith.index_cast %add3A_89 : i32 to index
        %get3A_98 = arith.constant 0 : index
        %get3A_99 = tpu.vector_load %arg22[%get3A_97, %get3A_98] {strides = array<i32>} : memref<128x16xf32, #tpu.memory_space<vmem>>, vector<16xf32>,
        %mul3A_100 = arith.mulf %max3A_96, %get3A_99 : vector<16xf32>
        %add3A_101 = arith.addf %add3A_85, %mul3A_100 : vector<16xf32>
        %mul3A_102 = arith.constant 4 : i32
        %mul3A_103 = arith.muli %scan3A_54, %mul3A_102 : i32
        %add3A_104 = arith.constant 3 : i32
        %add3A_105 = arith.addi %mul3A_103, %add3A_104 : i32
        %broadcast_in_dim3A_106 = vector.broadcast %add3A_105 : i32 to vector<16xi32>
        %gather3A_107 = tpu.vector_load_idx %arg17[%add3A_28, %broadcast_in_dim3A_106] : memref<80x128xf32, #tpu.memory_space<vmem>>[vector<16xi32>, vector<16xi32>], vector<16xf32>,
        %gather3A_108 = tpu.vector_load_idx %arg18[%add3A_28, %broadcast_in_dim3A_106] : memref<80x128xf32, #tpu.memory_space<vmem>>[vector<16xi32>, vector<16xi32>], vector<16xf32>,
        %add3A_109 = arith.addf %gather3A_107, %gather3A_108 : vector<16xf32>
        %max3A_110 = arith.constant 0.000000e+00 : f32
        %max3A_111 = vector.broadcast %max3A_110 : f32 to vector<16xf32>
        %max3A_112 = arith.maximumf %add3A_109, %max3A_111 : vector<16xf32>
        %get3A_113 = arith.index_cast %add3A_105 : i32 to index
        %get3A_114 = arith.constant 0 : index
        %get3A_115 = tpu.vector_load %arg22[%get3A_113, %get3A_114] {strides = array<i32>} : memref<128x16xf32, #tpu.memory_space<vmem>>, vector<16xf32>,
        %mul3A_116 = arith.mulf %max3A_112, %get3A_115 : vector<16xf32>
        %add3A_117 = arith.addf %add3A_101, %mul3A_116 : vector<16xf32>
        scf.yield %add3A_117 : vector<16xf32>
      }
      %scan3A_34 = arith.constant 32 : i32
      %get3A_35 = arith.constant 0 : index
      %get3A_36 = tpu.vector_load %arg23[%get3A_35] {strides = array<i32>} : memref<16xf32, #tpu.memory_space<vmem>>, vector<16xf32>,
      %add3A_37 = arith.addf %scan3A_33, %get3A_36 : vector<16xf32>
      %neg3A = arith.constant 0.000000e+00 : f32
      %neg3A_38 = vector.broadcast %neg3A : f32 to vector<16xf32>
      %neg3A_39 = arith.subf %neg3A_38, %add3A_37 : vector<16xf32>
      %exp3A = math.exp %neg3A_39 : vector<16xf32>
      %add3A_40 = arith.constant 1.000000e+00 : f32
      %add3A_41 = vector.broadcast %add3A_40 : f32 to vector<16xf32>
      %add3A_42 = arith.addf %add3A_41, %exp3A : vector<16xf32>
      %div3A = arith.constant 1.000000e+00 : f32
      %div3A_43 = vector.broadcast %div3A : f32 to vector<16xf32>
      %div3A_44 = arith.divf %div3A_43, %add3A_42 : vector<16xf32>
      %mul3A_45 = arith.mulf %get3A_24, %div3A_44 : vector<16xf32>
      %abs3A = math.absf %mul3A_45 : vector<16xf32>
      %gt3A = arith.constant 1.000000e-03 : f32
      %gt3A_46 = vector.broadcast %gt3A : f32 to vector<16xf32>
      %gt3A_47 = arith.cmpf ogt, %abs3A, %gt3A_46 : vector<16xf32>
      %jit3A = arith.constant 0.000000e+00 : f32
      %broadcast_in_dim3A_48 = vector.broadcast %jit3A : f32 to vector<16xf32>
      %select_n3A = arith.select %gt3A_47, %mul3A_45, %broadcast_in_dim3A_48 : vector<16xi1>, vector<16xf32>
      %mul3A_49 = arith.constant 16 : i32
      %mul3A_50 = arith.muli %scan3A_20, %mul3A_49 : i32
      %swap3A_51 = arith.index_cast %mul3A_50 : i32 to index
      %swap3A_52 = tpu.vector_load %arg21[%swap3A_51] {strides = array<i32>} : memref<80xf32, #tpu.memory_space<vmem>>, vector<16xf32>,
      tpu.vector_store %arg21[%swap3A_51], %select_n3A {strides = array<i32>} : memref<80xf32, #tpu.memory_space<vmem>>, vector<16xf32>,
      %add3A_53 = arith.addf %scan3A_21, %div3A_44 : vector<16xf32>
      scf.yield %add3A_53 : vector<16xf32>
    }
    %scan3A_16 = arith.constant 5 : i32
    %add3A_17 = arith.constant 9920 : i32
    %add3A_18 = arith.addi %mul3A_3, %add3A_17 : i32
    "tpu.region"() ({
      %run_scoped3A = tpu.sem_alloc : memref<!tpu.dma_semaphore, #tpu.memory_space<semaphore_mem>>
      %dma_start3A = tpu.memref_slice %arg9[%add3A_18] : memref<320000xf32, #tpu.memory_space<hbm>> -> memref<80xf32, #tpu.memory_space<hbm>>
      %dma_start3A_20 = tpu.memref_slice %arg9[%add3A_18] : memref<320000xf32, #tpu.memory_space<hbm>> -> memref<80xf32, #tpu.memory_space<hbm>>
      tpu.enqueue_dma source(%arg21 : memref<80xf32, #tpu.memory_space<vmem>>) target(%dma_start3A_20 : memref<80xf32, #tpu.memory_space<hbm>>) target_semaphore(%run_scoped3A : memref<!tpu.dma_semaphore, #tpu.memory_space<semaphore_mem>>)
      %dma_wait3A = tpu.memref_slice %arg9[%add3A_18] : memref<320000xf32, #tpu.memory_space<hbm>> -> memref<80xf32, #tpu.memory_space<hbm>>
      %dma_wait3A_21 = tpu.memref_slice %arg9[%add3A_18] : memref<320000xf32, #tpu.memory_space<hbm>> -> memref<80xf32, #tpu.memory_space<hbm>>
      tpu.wait_dma2 semaphore(%run_scoped3A : memref<!tpu.dma_semaphore, #tpu.memory_space<semaphore_mem>>) src(%arg21 : memref<80xf32, #tpu.memory_space<vmem>>) dst(%dma_wait3A_21 : memref<80xf32, #tpu.memory_space<hbm>>)
      tpu.yield
    }) : () -> ()
    %swap3A = arith.constant 0 : index
    %swap3A_19 = tpu.vector_load %arg24[%swap3A] {strides = array<i32>} : memref<16xf32, #tpu.memory_space<vmem>>, vector<16xf32>,
    tpu.vector_store %arg24[%swap3A], %scan3A_15 {strides = array<i32>} : memref<16xf32, #tpu.memory_space<vmem>>, vector<16xf32>,
    "tpu.region"() ({
      %run_scoped3A = tpu.sem_alloc : memref<!tpu.dma_semaphore, #tpu.memory_space<semaphore_mem>>
      %dma_start3A = arith.constant 0 : i32
      %dma_start3A_20 = tpu.memref_slice %arg10[%add3A, %dma_start3A] : memref<32x16xf32, #tpu.memory_space<hbm>> -> memref<1x16xf32, #tpu.memory_space<hbm>>
      %dma_start3A_21 = tpu.memref_squeeze %dma_start3A_20 : memref<1x16xf32, #tpu.memory_space<hbm>> -> memref<16xf32, #tpu.memory_space<hbm>>
      %dma_start3A_22 = arith.constant 0 : i32
      %dma_start3A_23 = tpu.memref_slice %arg10[%add3A, %dma_start3A_22] : memref<32x16xf32, #tpu.memory_space<hbm>> -> memref<1x16xf32, #tpu.memory_space<hbm>>
      %dma_start3A_24 = tpu.memref_squeeze %dma_start3A_23 : memref<1x16xf32, #tpu.memory_space<hbm>> -> memref<16xf32, #tpu.memory_space<hbm>>
      tpu.enqueue_dma source(%arg24 : memref<16xf32, #tpu.memory_space<vmem>>) target(%dma_start3A_24 : memref<16xf32, #tpu.memory_space<hbm>>) target_semaphore(%run_scoped3A : memref<!tpu.dma_semaphore, #tpu.memory_space<semaphore_mem>>)
      %dma_wait3A = arith.constant 0 : i32
      %dma_wait3A_25 = tpu.memref_slice %arg10[%add3A, %dma_wait3A] : memref<32x16xf32, #tpu.memory_space<hbm>> -> memref<1x16xf32, #tpu.memory_space<hbm>>
      %dma_wait3A_26 = tpu.memref_squeeze %dma_wait3A_25 : memref<1x16xf32, #tpu.memory_space<hbm>> -> memref<16xf32, #tpu.memory_space<hbm>>
      %dma_wait3A_27 = arith.constant 0 : i32
      %dma_wait3A_28 = tpu.memref_slice %arg10[%add3A, %dma_wait3A_27] : memref<32x16xf32, #tpu.memory_space<hbm>> -> memref<1x16xf32, #tpu.memory_space<hbm>>
      %dma_wait3A_29 = tpu.memref_squeeze %dma_wait3A_28 : memref<1x16xf32, #tpu.memory_space<hbm>> -> memref<16xf32, #tpu.memory_space<hbm>>
      tpu.wait_dma2 semaphore(%run_scoped3A : memref<!tpu.dma_semaphore, #tpu.memory_space<semaphore_mem>>) src(%arg24 : memref<16xf32, #tpu.memory_space<vmem>>) dst(%dma_wait3A_29 : memref<16xf32, #tpu.memory_space<hbm>>)
      tpu.yield
    }) : () -> ()
    return
  }
}

#map = affine_map<(d0, d1) -> (0, 0)>
#map1 = affine_map<(d0, d1) -> (0)>
#map2 = affine_map<(d0, d1) -> (0, 0, 0)>
module attributes {stable_mosaic.version = 14 : i64} {
  func.func @_sc_agg_body(%arg0: i32, %arg1: i32, %arg2: memref<10000x128xf32, #tpu.memory_space<hbm>>, %arg3: memref<320000xi32, #tpu.memory_space<hbm>>, %arg4: memref<320000xi32, #tpu.memory_space<hbm>>, %arg5: memref<320000xf32, #tpu.memory_space<hbm>>, %arg6: memref<2x10240x128xf32, #tpu.memory_space<hbm>>, %arg7: memref<32x10240xf32, #tpu.memory_space<hbm>>, %arg8: memref<80xi32, #tpu.memory_space<vmem>>, %arg9: memref<80xi32, #tpu.memory_space<vmem>>, %arg10: memref<80xf32, #tpu.memory_space<vmem>>, %arg11: memref<80x128xf32, #tpu.memory_space<vmem>>, %arg12: memref<10240xf32, #tpu.memory_space<vmem>>, %arg13: memref<10240x128xf32, #tpu.memory_space<vmem_shared>>) attributes {dimension_semantics = [#tpu.dimension_semantics<core_parallel>, #tpu.dimension_semantics<subcore_parallel>], iteration_bounds = array<i64: 2, 16>, scalar_prefetch = 0 : i64, scratch_operands = 6 : i64, tpu.core_type = #tpu.core_type<sc_vector_subcore>, window_params = [{transform_indices = #map}, {transform_indices = #map1}, {transform_indices = #map1}, {transform_indices = #map1}, {transform_indices = #map2}, {transform_indices = #map}]} {
    %mul3A = arith.constant 2 : i32
    %mul3A_0 = arith.muli %arg1, %mul3A : i32
    %add3A = arith.addi %mul3A_0, %arg0 : i32
    %broadcast_in_dim3A = arith.constant 0.000000e+00 : f32
    %broadcast_in_dim3A_1 = vector.broadcast %broadcast_in_dim3A : f32 to vector<16xf32>
    %scan3A = arith.constant 0 : i32
    %scan3A_2 = arith.constant 0 : i32
    %scan3A_3 = arith.constant 80 : i32
    %scan3A_4 = arith.addi %scan3A_2, %scan3A_3 : i32
    %scan3A_5 = arith.constant 1 : i32
    %scan3A_6 = scf.for %scan3A_43 = %scan3A_2 to %scan3A_4 step %scan3A_5 iter_args(%scan3A_44 = %scan3A) -> (i32)  : i32 {
      %swap3A = arith.index_cast %scan3A_43 : i32 to index
      %swap3A_45 = arith.constant 0 : index
      %swap3A_46 = tpu.vector_load %arg11[%swap3A, %swap3A_45] {strides = array<i32>} : memref<80x128xf32, #tpu.memory_space<vmem>>, vector<16xf32>,
      tpu.vector_store %arg11[%swap3A, %swap3A_45], %broadcast_in_dim3A_1 {strides = array<i32>} : memref<80x128xf32, #tpu.memory_space<vmem>>, vector<16xf32>,
      %swap3A_47 = arith.index_cast %scan3A_43 : i32 to index
      %swap3A_48 = arith.constant 16 : index
      %swap3A_49 = tpu.vector_load %arg11[%swap3A_47, %swap3A_48] {strides = array<i32>} : memref<80x128xf32, #tpu.memory_space<vmem>>, vector<16xf32>,
      tpu.vector_store %arg11[%swap3A_47, %swap3A_48], %broadcast_in_dim3A_1 {strides = array<i32>} : memref<80x128xf32, #tpu.memory_space<vmem>>, vector<16xf32>,
      %swap3A_50 = arith.index_cast %scan3A_43 : i32 to index
      %swap3A_51 = arith.constant 32 : index
      %swap3A_52 = tpu.vector_load %arg11[%swap3A_50, %swap3A_51] {strides = array<i32>} : memref<80x128xf32, #tpu.memory_space<vmem>>, vector<16xf32>,
      tpu.vector_store %arg11[%swap3A_50, %swap3A_51], %broadcast_in_dim3A_1 {strides = array<i32>} : memref<80x128xf32, #tpu.memory_space<vmem>>, vector<16xf32>,
      %swap3A_53 = arith.index_cast %scan3A_43 : i32 to index
      %swap3A_54 = arith.constant 48 : index
      %swap3A_55 = tpu.vector_load %arg11[%swap3A_53, %swap3A_54] {strides = array<i32>} : memref<80x128xf32, #tpu.memory_space<vmem>>, vector<16xf32>,
      tpu.vector_store %arg11[%swap3A_53, %swap3A_54], %broadcast_in_dim3A_1 {strides = array<i32>} : memref<80x128xf32, #tpu.memory_space<vmem>>, vector<16xf32>,
      %swap3A_56 = arith.index_cast %scan3A_43 : i32 to index
      %swap3A_57 = arith.constant 64 : index
      %swap3A_58 = tpu.vector_load %arg11[%swap3A_56, %swap3A_57] {strides = array<i32>} : memref<80x128xf32, #tpu.memory_space<vmem>>, vector<16xf32>,
      tpu.vector_store %arg11[%swap3A_56, %swap3A_57], %broadcast_in_dim3A_1 {strides = array<i32>} : memref<80x128xf32, #tpu.memory_space<vmem>>, vector<16xf32>,
      %swap3A_59 = arith.index_cast %scan3A_43 : i32 to index
      %swap3A_60 = arith.constant 80 : index
      %swap3A_61 = tpu.vector_load %arg11[%swap3A_59, %swap3A_60] {strides = array<i32>} : memref<80x128xf32, #tpu.memory_space<vmem>>, vector<16xf32>,
      tpu.vector_store %arg11[%swap3A_59, %swap3A_60], %broadcast_in_dim3A_1 {strides = array<i32>} : memref<80x128xf32, #tpu.memory_space<vmem>>, vector<16xf32>,
      %swap3A_62 = arith.index_cast %scan3A_43 : i32 to index
      %swap3A_63 = arith.constant 96 : index
      %swap3A_64 = tpu.vector_load %arg11[%swap3A_62, %swap3A_63] {strides = array<i32>} : memref<80x128xf32, #tpu.memory_space<vmem>>, vector<16xf32>,
      tpu.vector_store %arg11[%swap3A_62, %swap3A_63], %broadcast_in_dim3A_1 {strides = array<i32>} : memref<80x128xf32, #tpu.memory_space<vmem>>, vector<16xf32>,
      %swap3A_65 = arith.index_cast %scan3A_43 : i32 to index
      %swap3A_66 = arith.constant 112 : index
      %swap3A_67 = tpu.vector_load %arg11[%swap3A_65, %swap3A_66] {strides = array<i32>} : memref<80x128xf32, #tpu.memory_space<vmem>>, vector<16xf32>,
      tpu.vector_store %arg11[%swap3A_65, %swap3A_66], %broadcast_in_dim3A_1 {strides = array<i32>} : memref<80x128xf32, #tpu.memory_space<vmem>>, vector<16xf32>,
      %scan3A_68 = arith.constant 0 : i32
      scf.yield %scan3A_68 : i32
    }
    %scan3A_7 = arith.constant 80 : i32
    %broadcast_in_dim3A_8 = arith.constant 0.000000e+00 : f32
    %broadcast_in_dim3A_9 = vector.broadcast %broadcast_in_dim3A_8 : f32 to vector<16xf32>
    %scan3A_10 = arith.constant 0 : i32
    %scan3A_11 = arith.constant 0 : i32
    %scan3A_12 = arith.constant 640 : i32
    %scan3A_13 = arith.addi %scan3A_11, %scan3A_12 : i32
    %scan3A_14 = arith.constant 1 : i32
    %scan3A_15 = scf.for %scan3A_43 = %scan3A_11 to %scan3A_13 step %scan3A_14 iter_args(%scan3A_44 = %scan3A_10) -> (i32)  : i32 {
      %mul3A_45 = arith.constant 16 : i32
      %mul3A_46 = arith.muli %scan3A_43, %mul3A_45 : i32
      %swap3A = arith.index_cast %mul3A_46 : i32 to index
      %swap3A_47 = tpu.vector_load %arg12[%swap3A] {strides = array<i32>} : memref<10240xf32, #tpu.memory_space<vmem>>, vector<16xf32>,
      tpu.vector_store %arg12[%swap3A], %broadcast_in_dim3A_9 {strides = array<i32>} : memref<10240xf32, #tpu.memory_space<vmem>>, vector<16xf32>,
      %scan3A_48 = arith.constant 0 : i32
      scf.yield %scan3A_48 : i32
    }
    %scan3A_16 = arith.constant 640 : i32
    %scan3A_17 = arith.constant 0 : i32
    %scan3A_18 = arith.constant 0 : i32
    %scan3A_19 = arith.constant 8 : i32
    %scan3A_20 = arith.addi %scan3A_18, %scan3A_19 : i32
    %scan3A_21 = arith.constant 1 : i32
    %scan3A_22 = scf.for %scan3A_43 = %scan3A_18 to %scan3A_20 step %scan3A_21 iter_args(%scan3A_44 = %scan3A_17) -> (i32)  : i32 {
      %mul3A_45 = arith.constant 640 : i32
      %mul3A_46 = arith.muli %arg1, %mul3A_45 : i32
      %mul3A_47 = arith.constant 80 : i32
      %mul3A_48 = arith.muli %scan3A_43, %mul3A_47 : i32
      %add3A_49 = arith.addi %mul3A_46, %mul3A_48 : i32
      %iota3A_50 = tpu.iota {dimensions = array<i32: 0>} : vector<16xi32>
      %scan3A_51 = arith.constant 0 : i32
      %scan3A_52 = arith.constant 0 : i32
      %scan3A_53 = arith.constant 5 : i32
      %scan3A_54 = arith.addi %scan3A_52, %scan3A_53 : i32
      %scan3A_55 = arith.constant 1 : i32
      %scan3A_56 = scf.for %scan3A_59 = %scan3A_52 to %scan3A_54 step %scan3A_55 iter_args(%scan3A_60 = %scan3A_51) -> (i32)  : i32 {
        %mul3A_61 = arith.constant 16 : i32
        %mul3A_62 = arith.muli %scan3A_59, %mul3A_61 : i32
        %add3A_63 = arith.addi %add3A_49, %mul3A_62 : i32
        %add3A_64 = vector.broadcast %add3A_63 : i32 to vector<16xi32>
        %add3A_65 = arith.addi %iota3A_50, %add3A_64 : vector<16xi32>
        %mul3A_66 = arith.constant 16 : i32
        %mul3A_67 = arith.muli %scan3A_59, %mul3A_66 : i32
        %swap3A = arith.index_cast %mul3A_67 : i32 to index
        %swap3A_68 = tpu.vector_load %arg8[%swap3A] {strides = array<i32>} : memref<80xi32, #tpu.memory_space<vmem>>, vector<16xi32>,
        tpu.vector_store %arg8[%swap3A], %add3A_65 {strides = array<i32>} : memref<80xi32, #tpu.memory_space<vmem>>, vector<16xi32>,
        %scan3A_69 = arith.constant 0 : i32
        scf.yield %scan3A_69 : i32
      }
      %scan3A_57 = arith.constant 5 : i32
      "tpu.region"() ({
        %run_scoped3A = tpu.sem_alloc : memref<!tpu.dma_semaphore, #tpu.memory_space<semaphore_mem>>
        %dma_start3A = arith.constant 0 : i32
        %dma_start3A_59 = arith.constant 0 : i32
        %dma_start3A_60 = tpu.memref_slice %arg13[%dma_start3A, %dma_start3A_59] : memref<10240x128xf32, #tpu.memory_space<vmem_shared>> -> memref<10240x128xf32, #tpu.memory_space<vmem_shared>>
        tpu.enqueue_indirect_dma source(%arg11 : memref<80x128xf32, #tpu.memory_space<vmem>>) target(%dma_start3A_60 : memref<10240x128xf32, #tpu.memory_space<vmem_shared>>) offsets(%arg8 : memref<80xi32, #tpu.memory_space<vmem>>) semaphore(%run_scoped3A : memref<!tpu.dma_semaphore, #tpu.memory_space<semaphore_mem>>)
        %dma_wait3A = arith.constant 0 : i32
        %dma_wait3A_61 = arith.constant 0 : i32
        %dma_wait3A_62 = tpu.memref_slice %arg13[%dma_wait3A, %dma_wait3A_61] : memref<10240x128xf32, #tpu.memory_space<vmem_shared>> -> memref<10240x128xf32, #tpu.memory_space<vmem_shared>>
        tpu.wait_indirect_dma semaphore(%run_scoped3A : memref<!tpu.dma_semaphore, #tpu.memory_space<semaphore_mem>>) src(%arg11 : memref<80x128xf32, #tpu.memory_space<vmem>>) dst(%dma_wait3A_62 : memref<10240x128xf32, #tpu.memory_space<vmem_shared>>)
        tpu.yield
      }) : () -> ()
      %scan3A_58 = arith.constant 0 : i32
      scf.yield %scan3A_58 : i32
    }
    %scan3A_23 = arith.constant 8 : i32
    %barrier3A = arith.constant 0 : index
    tpu.barrier barrier_id(%barrier3A)
    %iota3A = tpu.iota {dimensions = array<i32: 0>} : vector<16xi32>
    %eq3A = arith.constant 0 : i32
    %eq3A_24 = vector.broadcast %eq3A : i32 to vector<16xi32>
    %eq3A_25 = arith.cmpi eq, %iota3A, %eq3A_24 : vector<16xi32>
    %mul3A_26 = arith.constant 10000 : i32
    %mul3A_27 = arith.muli %add3A, %mul3A_26 : i32
    %scan3A_28 = arith.constant 0 : i32
    %scan3A_29 = arith.constant 0 : i32
    %scan3A_30 = arith.constant 125 : i32
    %scan3A_31 = arith.addi %scan3A_29, %scan3A_30 : i32
    %scan3A_32 = arith.constant 1 : i32
    %scan3A_33 = scf.for %scan3A_43 = %scan3A_29 to %scan3A_31 step %scan3A_32 iter_args(%scan3A_44 = %scan3A_28) -> (i32)  : i32 {
      %mul3A_45 = arith.constant 80 : i32
      %mul3A_46 = arith.muli %scan3A_43, %mul3A_45 : i32
      %add3A_47 = arith.addi %mul3A_27, %mul3A_46 : i32
      "tpu.region"() ({
        %run_scoped3A = tpu.sem_alloc : memref<!tpu.dma_semaphore, #tpu.memory_space<semaphore_mem>>
        %dma_start3A = tpu.memref_slice %arg3[%add3A_47] : memref<320000xi32, #tpu.memory_space<hbm>> -> memref<80xi32, #tpu.memory_space<hbm>>
        %dma_start3A_56 = tpu.memref_slice %arg3[%add3A_47] : memref<320000xi32, #tpu.memory_space<hbm>> -> memref<80xi32, #tpu.memory_space<hbm>>
        tpu.enqueue_dma source(%dma_start3A_56 : memref<80xi32, #tpu.memory_space<hbm>>) target(%arg8 : memref<80xi32, #tpu.memory_space<vmem>>) target_semaphore(%run_scoped3A : memref<!tpu.dma_semaphore, #tpu.memory_space<semaphore_mem>>)
        %dma_wait3A = tpu.memref_slice %arg3[%add3A_47] : memref<320000xi32, #tpu.memory_space<hbm>> -> memref<80xi32, #tpu.memory_space<hbm>>
        %dma_wait3A_57 = tpu.memref_slice %arg3[%add3A_47] : memref<320000xi32, #tpu.memory_space<hbm>> -> memref<80xi32, #tpu.memory_space<hbm>>
        tpu.wait_dma2 semaphore(%run_scoped3A : memref<!tpu.dma_semaphore, #tpu.memory_space<semaphore_mem>>) src(%dma_wait3A_57 : memref<80xi32, #tpu.memory_space<hbm>>) dst(%arg8 : memref<80xi32, #tpu.memory_space<vmem>>)
        tpu.yield
      }) : () -> ()
      "tpu.region"() ({
        %run_scoped3A = tpu.sem_alloc : memref<!tpu.dma_semaphore, #tpu.memory_space<semaphore_mem>>
        %dma_start3A = tpu.memref_slice %arg4[%add3A_47] : memref<320000xi32, #tpu.memory_space<hbm>> -> memref<80xi32, #tpu.memory_space<hbm>>
        %dma_start3A_56 = tpu.memref_slice %arg4[%add3A_47] : memref<320000xi32, #tpu.memory_space<hbm>> -> memref<80xi32, #tpu.memory_space<hbm>>
        tpu.enqueue_dma source(%dma_start3A_56 : memref<80xi32, #tpu.memory_space<hbm>>) target(%arg9 : memref<80xi32, #tpu.memory_space<vmem>>) target_semaphore(%run_scoped3A : memref<!tpu.dma_semaphore, #tpu.memory_space<semaphore_mem>>)
        %dma_wait3A = tpu.memref_slice %arg4[%add3A_47] : memref<320000xi32, #tpu.memory_space<hbm>> -> memref<80xi32, #tpu.memory_space<hbm>>
        %dma_wait3A_57 = tpu.memref_slice %arg4[%add3A_47] : memref<320000xi32, #tpu.memory_space<hbm>> -> memref<80xi32, #tpu.memory_space<hbm>>
        tpu.wait_dma2 semaphore(%run_scoped3A : memref<!tpu.dma_semaphore, #tpu.memory_space<semaphore_mem>>) src(%dma_wait3A_57 : memref<80xi32, #tpu.memory_space<hbm>>) dst(%arg9 : memref<80xi32, #tpu.memory_space<vmem>>)
        tpu.yield
      }) : () -> ()
      "tpu.region"() ({
        %run_scoped3A = tpu.sem_alloc : memref<!tpu.dma_semaphore, #tpu.memory_space<semaphore_mem>>
        %dma_start3A = tpu.memref_slice %arg5[%add3A_47] : memref<320000xf32, #tpu.memory_space<hbm>> -> memref<80xf32, #tpu.memory_space<hbm>>
        %dma_start3A_56 = tpu.memref_slice %arg5[%add3A_47] : memref<320000xf32, #tpu.memory_space<hbm>> -> memref<80xf32, #tpu.memory_space<hbm>>
        tpu.enqueue_dma source(%dma_start3A_56 : memref<80xf32, #tpu.memory_space<hbm>>) target(%arg10 : memref<80xf32, #tpu.memory_space<vmem>>) target_semaphore(%run_scoped3A : memref<!tpu.dma_semaphore, #tpu.memory_space<semaphore_mem>>)
        %dma_wait3A = tpu.memref_slice %arg5[%add3A_47] : memref<320000xf32, #tpu.memory_space<hbm>> -> memref<80xf32, #tpu.memory_space<hbm>>
        %dma_wait3A_57 = tpu.memref_slice %arg5[%add3A_47] : memref<320000xf32, #tpu.memory_space<hbm>> -> memref<80xf32, #tpu.memory_space<hbm>>
        tpu.wait_dma2 semaphore(%run_scoped3A : memref<!tpu.dma_semaphore, #tpu.memory_space<semaphore_mem>>) src(%dma_wait3A_57 : memref<80xf32, #tpu.memory_space<hbm>>) dst(%arg10 : memref<80xf32, #tpu.memory_space<vmem>>)
        tpu.yield
      }) : () -> ()
      "tpu.region"() ({
        %run_scoped3A = tpu.sem_alloc : memref<!tpu.dma_semaphore, #tpu.memory_space<semaphore_mem>>
        %dma_start3A = arith.constant 0 : i32
        %dma_start3A_56 = arith.constant 0 : i32
        %dma_start3A_57 = tpu.memref_slice %arg2[%dma_start3A, %dma_start3A_56] : memref<10000x128xf32, #tpu.memory_space<hbm>> -> memref<10000x128xf32, #tpu.memory_space<hbm>>
        tpu.enqueue_indirect_dma source(%dma_start3A_57 : memref<10000x128xf32, #tpu.memory_space<hbm>>) target(%arg11 : memref<80x128xf32, #tpu.memory_space<vmem>>) offsets(%arg8 : memref<80xi32, #tpu.memory_space<vmem>>) semaphore(%run_scoped3A : memref<!tpu.dma_semaphore, #tpu.memory_space<semaphore_mem>>)
        %dma_wait3A = arith.constant 0 : i32
        %dma_wait3A_58 = arith.constant 0 : i32
        %dma_wait3A_59 = tpu.memref_slice %arg2[%dma_wait3A, %dma_wait3A_58] : memref<10000x128xf32, #tpu.memory_space<hbm>> -> memref<10000x128xf32, #tpu.memory_space<hbm>>
        tpu.wait_indirect_dma semaphore(%run_scoped3A : memref<!tpu.dma_semaphore, #tpu.memory_space<semaphore_mem>>) src(%dma_wait3A_59 : memref<10000x128xf32, #tpu.memory_space<hbm>>) dst(%arg11 : memref<80x128xf32, #tpu.memory_space<vmem>>)
        tpu.yield
      }) : () -> ()
      %scan3A_48 = arith.constant 0 : i32
      %scan3A_49 = arith.constant 0 : i32
      %scan3A_50 = arith.constant 80 : i32
      %scan3A_51 = arith.addi %scan3A_49, %scan3A_50 : i32
      %scan3A_52 = arith.constant 1 : i32
      %scan3A_53 = scf.for %scan3A_56 = %scan3A_49 to %scan3A_51 step %scan3A_52 iter_args(%scan3A_57 = %scan3A_48) -> (i32)  : i32 {
        %broadcast_in_dim3A_58 = vector.broadcast %scan3A_56 : i32 to vector<16xi32>
        %gather3A = tpu.vector_load_idx %arg10[%broadcast_in_dim3A_58] : memref<80xf32, #tpu.memory_space<vmem>>[vector<16xi32>], vector<16xf32>,
        %get3A = arith.index_cast %scan3A_56 : i32 to index
        %get3A_59 = arith.constant 0 : index
        %get3A_60 = tpu.vector_load %arg11[%get3A, %get3A_59] {strides = array<i32>} : memref<80x128xf32, #tpu.memory_space<vmem>>, vector<16xf32>,
        %mul3A_61 = arith.mulf %get3A_60, %gather3A : vector<16xf32>
        %swap3A = arith.index_cast %scan3A_56 : i32 to index
        %swap3A_62 = arith.constant 0 : index
        %swap3A_63 = tpu.vector_load %arg11[%swap3A, %swap3A_62] {strides = array<i32>} : memref<80x128xf32, #tpu.memory_space<vmem>>, vector<16xf32>,
        tpu.vector_store %arg11[%swap3A, %swap3A_62], %mul3A_61 {strides = array<i32>} : memref<80x128xf32, #tpu.memory_space<vmem>>, vector<16xf32>,
        %get3A_64 = arith.index_cast %scan3A_56 : i32 to index
        %get3A_65 = arith.constant 16 : index
        %get3A_66 = tpu.vector_load %arg11[%get3A_64, %get3A_65] {strides = array<i32>} : memref<80x128xf32, #tpu.memory_space<vmem>>, vector<16xf32>,
        %mul3A_67 = arith.mulf %get3A_66, %gather3A : vector<16xf32>
        %swap3A_68 = arith.index_cast %scan3A_56 : i32 to index
        %swap3A_69 = arith.constant 16 : index
        %swap3A_70 = tpu.vector_load %arg11[%swap3A_68, %swap3A_69] {strides = array<i32>} : memref<80x128xf32, #tpu.memory_space<vmem>>, vector<16xf32>,
        tpu.vector_store %arg11[%swap3A_68, %swap3A_69], %mul3A_67 {strides = array<i32>} : memref<80x128xf32, #tpu.memory_space<vmem>>, vector<16xf32>,
        %get3A_71 = arith.index_cast %scan3A_56 : i32 to index
        %get3A_72 = arith.constant 32 : index
        %get3A_73 = tpu.vector_load %arg11[%get3A_71, %get3A_72] {strides = array<i32>} : memref<80x128xf32, #tpu.memory_space<vmem>>, vector<16xf32>,
        %mul3A_74 = arith.mulf %get3A_73, %gather3A : vector<16xf32>
        %swap3A_75 = arith.index_cast %scan3A_56 : i32 to index
        %swap3A_76 = arith.constant 32 : index
        %swap3A_77 = tpu.vector_load %arg11[%swap3A_75, %swap3A_76] {strides = array<i32>} : memref<80x128xf32, #tpu.memory_space<vmem>>, vector<16xf32>,
        tpu.vector_store %arg11[%swap3A_75, %swap3A_76], %mul3A_74 {strides = array<i32>} : memref<80x128xf32, #tpu.memory_space<vmem>>, vector<16xf32>,
        %get3A_78 = arith.index_cast %scan3A_56 : i32 to index
        %get3A_79 = arith.constant 48 : index
        %get3A_80 = tpu.vector_load %arg11[%get3A_78, %get3A_79] {strides = array<i32>} : memref<80x128xf32, #tpu.memory_space<vmem>>, vector<16xf32>,
        %mul3A_81 = arith.mulf %get3A_80, %gather3A : vector<16xf32>
        %swap3A_82 = arith.index_cast %scan3A_56 : i32 to index
        %swap3A_83 = arith.constant 48 : index
        %swap3A_84 = tpu.vector_load %arg11[%swap3A_82, %swap3A_83] {strides = array<i32>} : memref<80x128xf32, #tpu.memory_space<vmem>>, vector<16xf32>,
        tpu.vector_store %arg11[%swap3A_82, %swap3A_83], %mul3A_81 {strides = array<i32>} : memref<80x128xf32, #tpu.memory_space<vmem>>, vector<16xf32>,
        %get3A_85 = arith.index_cast %scan3A_56 : i32 to index
        %get3A_86 = arith.constant 64 : index
        %get3A_87 = tpu.vector_load %arg11[%get3A_85, %get3A_86] {strides = array<i32>} : memref<80x128xf32, #tpu.memory_space<vmem>>, vector<16xf32>,
        %mul3A_88 = arith.mulf %get3A_87, %gather3A : vector<16xf32>
        %swap3A_89 = arith.index_cast %scan3A_56 : i32 to index
        %swap3A_90 = arith.constant 64 : index
        %swap3A_91 = tpu.vector_load %arg11[%swap3A_89, %swap3A_90] {strides = array<i32>} : memref<80x128xf32, #tpu.memory_space<vmem>>, vector<16xf32>,
        tpu.vector_store %arg11[%swap3A_89, %swap3A_90], %mul3A_88 {strides = array<i32>} : memref<80x128xf32, #tpu.memory_space<vmem>>, vector<16xf32>,
        %get3A_92 = arith.index_cast %scan3A_56 : i32 to index
        %get3A_93 = arith.constant 80 : index
        %get3A_94 = tpu.vector_load %arg11[%get3A_92, %get3A_93] {strides = array<i32>} : memref<80x128xf32, #tpu.memory_space<vmem>>, vector<16xf32>,
        %mul3A_95 = arith.mulf %get3A_94, %gather3A : vector<16xf32>
        %swap3A_96 = arith.index_cast %scan3A_56 : i32 to index
        %swap3A_97 = arith.constant 80 : index
        %swap3A_98 = tpu.vector_load %arg11[%swap3A_96, %swap3A_97] {strides = array<i32>} : memref<80x128xf32, #tpu.memory_space<vmem>>, vector<16xf32>,
        tpu.vector_store %arg11[%swap3A_96, %swap3A_97], %mul3A_95 {strides = array<i32>} : memref<80x128xf32, #tpu.memory_space<vmem>>, vector<16xf32>,
        %get3A_99 = arith.index_cast %scan3A_56 : i32 to index
        %get3A_100 = arith.constant 96 : index
        %get3A_101 = tpu.vector_load %arg11[%get3A_99, %get3A_100] {strides = array<i32>} : memref<80x128xf32, #tpu.memory_space<vmem>>, vector<16xf32>,
        %mul3A_102 = arith.mulf %get3A_101, %gather3A : vector<16xf32>
        %swap3A_103 = arith.index_cast %scan3A_56 : i32 to index
        %swap3A_104 = arith.constant 96 : index
        %swap3A_105 = tpu.vector_load %arg11[%swap3A_103, %swap3A_104] {strides = array<i32>} : memref<80x128xf32, #tpu.memory_space<vmem>>, vector<16xf32>,
        tpu.vector_store %arg11[%swap3A_103, %swap3A_104], %mul3A_102 {strides = array<i32>} : memref<80x128xf32, #tpu.memory_space<vmem>>, vector<16xf32>,
        %get3A_106 = arith.index_cast %scan3A_56 : i32 to index
        %get3A_107 = arith.constant 112 : index
        %get3A_108 = tpu.vector_load %arg11[%get3A_106, %get3A_107] {strides = array<i32>} : memref<80x128xf32, #tpu.memory_space<vmem>>, vector<16xf32>,
        %mul3A_109 = arith.mulf %get3A_108, %gather3A : vector<16xf32>
        %swap3A_110 = arith.index_cast %scan3A_56 : i32 to index
        %swap3A_111 = arith.constant 112 : index
        %swap3A_112 = tpu.vector_load %arg11[%swap3A_110, %swap3A_111] {strides = array<i32>} : memref<80x128xf32, #tpu.memory_space<vmem>>, vector<16xf32>,
        tpu.vector_store %arg11[%swap3A_110, %swap3A_111], %mul3A_109 {strides = array<i32>} : memref<80x128xf32, #tpu.memory_space<vmem>>, vector<16xf32>,
        %gather3A_113 = tpu.vector_load_idx %arg9[%broadcast_in_dim3A_58] : memref<80xi32, #tpu.memory_space<vmem>>[vector<16xi32>], vector<16xi32>,
        %abs3A = math.absf %gather3A : vector<16xf32>
        tpu.vector_store_idx %arg12[%gather3A_113], %abs3A masked %eq3A_25 {add = true} : memref<10240xf32, #tpu.memory_space<vmem>>[vector<16xi32>], vector<16xf32>, vector<16xi1>
        %scan3A_114 = arith.constant 0 : i32
        scf.yield %scan3A_114 : i32
      }
      %scan3A_54 = arith.constant 80 : i32
      "tpu.region"() ({
        %run_scoped3A = tpu.sem_alloc : memref<!tpu.dma_semaphore, #tpu.memory_space<semaphore_mem>>
        %dma_start3A = arith.constant 0 : i32
        %dma_start3A_56 = arith.constant 0 : i32
        %dma_start3A_57 = tpu.memref_slice %arg13[%dma_start3A, %dma_start3A_56] : memref<10240x128xf32, #tpu.memory_space<vmem_shared>> -> memref<10240x128xf32, #tpu.memory_space<vmem_shared>>
        tpu.enqueue_indirect_dma source(%arg11 : memref<80x128xf32, #tpu.memory_space<vmem>>) target(%dma_start3A_57 : memref<10240x128xf32, #tpu.memory_space<vmem_shared>>) offsets(%arg9 : memref<80xi32, #tpu.memory_space<vmem>>) semaphore(%run_scoped3A : memref<!tpu.dma_semaphore, #tpu.memory_space<semaphore_mem>>) {add = true}
        %dma_wait3A = arith.constant 0 : i32
        %dma_wait3A_58 = arith.constant 0 : i32
        %dma_wait3A_59 = tpu.memref_slice %arg13[%dma_wait3A, %dma_wait3A_58] : memref<10240x128xf32, #tpu.memory_space<vmem_shared>> -> memref<10240x128xf32, #tpu.memory_space<vmem_shared>>
        tpu.wait_indirect_dma semaphore(%run_scoped3A : memref<!tpu.dma_semaphore, #tpu.memory_space<semaphore_mem>>) src(%arg11 : memref<80x128xf32, #tpu.memory_space<vmem>>) dst(%dma_wait3A_59 : memref<10240x128xf32, #tpu.memory_space<vmem_shared>>)
        tpu.yield
      }) : () -> ()
      %scan3A_55 = arith.constant 0 : i32
      scf.yield %scan3A_55 : i32
    }
    %scan3A_34 = arith.constant 125 : i32
    "tpu.region"() ({
      %run_scoped3A = tpu.sem_alloc : memref<!tpu.dma_semaphore, #tpu.memory_space<semaphore_mem>>
      %dma_start3A = arith.constant 0 : i32
      %dma_start3A_43 = tpu.memref_slice %arg7[%add3A, %dma_start3A] : memref<32x10240xf32, #tpu.memory_space<hbm>> -> memref<1x10240xf32, #tpu.memory_space<hbm>>
      %dma_start3A_44 = tpu.memref_squeeze %dma_start3A_43 : memref<1x10240xf32, #tpu.memory_space<hbm>> -> memref<10240xf32, #tpu.memory_space<hbm>>
      %dma_start3A_45 = arith.constant 0 : i32
      %dma_start3A_46 = tpu.memref_slice %arg7[%add3A, %dma_start3A_45] : memref<32x10240xf32, #tpu.memory_space<hbm>> -> memref<1x10240xf32, #tpu.memory_space<hbm>>
      %dma_start3A_47 = tpu.memref_squeeze %dma_start3A_46 : memref<1x10240xf32, #tpu.memory_space<hbm>> -> memref<10240xf32, #tpu.memory_space<hbm>>
      tpu.enqueue_dma source(%arg12 : memref<10240xf32, #tpu.memory_space<vmem>>) target(%dma_start3A_47 : memref<10240xf32, #tpu.memory_space<hbm>>) target_semaphore(%run_scoped3A : memref<!tpu.dma_semaphore, #tpu.memory_space<semaphore_mem>>)
      %dma_wait3A = arith.constant 0 : i32
      %dma_wait3A_48 = tpu.memref_slice %arg7[%add3A, %dma_wait3A] : memref<32x10240xf32, #tpu.memory_space<hbm>> -> memref<1x10240xf32, #tpu.memory_space<hbm>>
      %dma_wait3A_49 = tpu.memref_squeeze %dma_wait3A_48 : memref<1x10240xf32, #tpu.memory_space<hbm>> -> memref<10240xf32, #tpu.memory_space<hbm>>
      %dma_wait3A_50 = arith.constant 0 : i32
      %dma_wait3A_51 = tpu.memref_slice %arg7[%add3A, %dma_wait3A_50] : memref<32x10240xf32, #tpu.memory_space<hbm>> -> memref<1x10240xf32, #tpu.memory_space<hbm>>
      %dma_wait3A_52 = tpu.memref_squeeze %dma_wait3A_51 : memref<1x10240xf32, #tpu.memory_space<hbm>> -> memref<10240xf32, #tpu.memory_space<hbm>>
      tpu.wait_dma2 semaphore(%run_scoped3A : memref<!tpu.dma_semaphore, #tpu.memory_space<semaphore_mem>>) src(%arg12 : memref<10240xf32, #tpu.memory_space<vmem>>) dst(%dma_wait3A_52 : memref<10240xf32, #tpu.memory_space<hbm>>)
      tpu.yield
    }) : () -> ()
    %barrier3A_35 = arith.constant 0 : index
    tpu.barrier barrier_id(%barrier3A_35)
    %scan3A_36 = arith.constant 0 : i32
    %scan3A_37 = arith.constant 0 : i32
    %scan3A_38 = arith.constant 8 : i32
    %scan3A_39 = arith.addi %scan3A_37, %scan3A_38 : i32
    %scan3A_40 = arith.constant 1 : i32
    %scan3A_41 = scf.for %scan3A_43 = %scan3A_37 to %scan3A_39 step %scan3A_40 iter_args(%scan3A_44 = %scan3A_36) -> (i32)  : i32 {
      %mul3A_45 = arith.constant 640 : i32
      %mul3A_46 = arith.muli %arg1, %mul3A_45 : i32
      %mul3A_47 = arith.constant 80 : i32
      %mul3A_48 = arith.muli %scan3A_43, %mul3A_47 : i32
      %add3A_49 = arith.addi %mul3A_46, %mul3A_48 : i32
      %iota3A_50 = tpu.iota {dimensions = array<i32: 0>} : vector<16xi32>
      %scan3A_51 = arith.constant 0 : i32
      %scan3A_52 = arith.constant 0 : i32
      %scan3A_53 = arith.constant 5 : i32
      %scan3A_54 = arith.addi %scan3A_52, %scan3A_53 : i32
      %scan3A_55 = arith.constant 1 : i32
      %scan3A_56 = scf.for %scan3A_59 = %scan3A_52 to %scan3A_54 step %scan3A_55 iter_args(%scan3A_60 = %scan3A_51) -> (i32)  : i32 {
        %mul3A_61 = arith.constant 16 : i32
        %mul3A_62 = arith.muli %scan3A_59, %mul3A_61 : i32
        %add3A_63 = arith.addi %add3A_49, %mul3A_62 : i32
        %add3A_64 = vector.broadcast %add3A_63 : i32 to vector<16xi32>
        %add3A_65 = arith.addi %iota3A_50, %add3A_64 : vector<16xi32>
        %mul3A_66 = arith.constant 16 : i32
        %mul3A_67 = arith.muli %scan3A_59, %mul3A_66 : i32
        %swap3A = arith.index_cast %mul3A_67 : i32 to index
        %swap3A_68 = tpu.vector_load %arg8[%swap3A] {strides = array<i32>} : memref<80xi32, #tpu.memory_space<vmem>>, vector<16xi32>,
        tpu.vector_store %arg8[%swap3A], %add3A_65 {strides = array<i32>} : memref<80xi32, #tpu.memory_space<vmem>>, vector<16xi32>,
        %scan3A_69 = arith.constant 0 : i32
        scf.yield %scan3A_69 : i32
      }
      %scan3A_57 = arith.constant 5 : i32
      "tpu.region"() ({
        %run_scoped3A = tpu.sem_alloc : memref<!tpu.dma_semaphore, #tpu.memory_space<semaphore_mem>>
        %dma_start3A = arith.constant 0 : i32
        %dma_start3A_59 = arith.constant 0 : i32
        %dma_start3A_60 = tpu.memref_slice %arg13[%dma_start3A, %dma_start3A_59] : memref<10240x128xf32, #tpu.memory_space<vmem_shared>> -> memref<10240x128xf32, #tpu.memory_space<vmem_shared>>
        tpu.enqueue_indirect_dma source(%dma_start3A_60 : memref<10240x128xf32, #tpu.memory_space<vmem_shared>>) target(%arg11 : memref<80x128xf32, #tpu.memory_space<vmem>>) offsets(%arg8 : memref<80xi32, #tpu.memory_space<vmem>>) semaphore(%run_scoped3A : memref<!tpu.dma_semaphore, #tpu.memory_space<semaphore_mem>>)
        %dma_wait3A = arith.constant 0 : i32
        %dma_wait3A_61 = arith.constant 0 : i32
        %dma_wait3A_62 = tpu.memref_slice %arg13[%dma_wait3A, %dma_wait3A_61] : memref<10240x128xf32, #tpu.memory_space<vmem_shared>> -> memref<10240x128xf32, #tpu.memory_space<vmem_shared>>
        tpu.wait_indirect_dma semaphore(%run_scoped3A : memref<!tpu.dma_semaphore, #tpu.memory_space<semaphore_mem>>) src(%dma_wait3A_62 : memref<10240x128xf32, #tpu.memory_space<vmem_shared>>) dst(%arg11 : memref<80x128xf32, #tpu.memory_space<vmem>>)
        tpu.yield
      }) : () -> ()
      "tpu.region"() ({
        %run_scoped3A = tpu.sem_alloc : memref<!tpu.dma_semaphore, #tpu.memory_space<semaphore_mem>>
        %dma_start3A = arith.constant 0 : i32
        %dma_start3A_59 = tpu.memref_slice %arg6[%arg0, %add3A_49, %dma_start3A] : memref<2x10240x128xf32, #tpu.memory_space<hbm>> -> memref<1x80x128xf32, #tpu.memory_space<hbm>>
        %dma_start3A_60 = tpu.memref_squeeze %dma_start3A_59 : memref<1x80x128xf32, #tpu.memory_space<hbm>> -> memref<80x128xf32, #tpu.memory_space<hbm>>
        %dma_start3A_61 = arith.constant 0 : i32
        %dma_start3A_62 = tpu.memref_slice %arg6[%arg0, %add3A_49, %dma_start3A_61] : memref<2x10240x128xf32, #tpu.memory_space<hbm>> -> memref<1x80x128xf32, #tpu.memory_space<hbm>>
        %dma_start3A_63 = tpu.memref_squeeze %dma_start3A_62 : memref<1x80x128xf32, #tpu.memory_space<hbm>> -> memref<80x128xf32, #tpu.memory_space<hbm>>
        tpu.enqueue_dma source(%arg11 : memref<80x128xf32, #tpu.memory_space<vmem>>) target(%dma_start3A_63 : memref<80x128xf32, #tpu.memory_space<hbm>>) target_semaphore(%run_scoped3A : memref<!tpu.dma_semaphore, #tpu.memory_space<semaphore_mem>>)
        %dma_wait3A = arith.constant 0 : i32
        %dma_wait3A_64 = tpu.memref_slice %arg6[%arg0, %add3A_49, %dma_wait3A] : memref<2x10240x128xf32, #tpu.memory_space<hbm>> -> memref<1x80x128xf32, #tpu.memory_space<hbm>>
        %dma_wait3A_65 = tpu.memref_squeeze %dma_wait3A_64 : memref<1x80x128xf32, #tpu.memory_space<hbm>> -> memref<80x128xf32, #tpu.memory_space<hbm>>
        %dma_wait3A_66 = arith.constant 0 : i32
        %dma_wait3A_67 = tpu.memref_slice %arg6[%arg0, %add3A_49, %dma_wait3A_66] : memref<2x10240x128xf32, #tpu.memory_space<hbm>> -> memref<1x80x128xf32, #tpu.memory_space<hbm>>
        %dma_wait3A_68 = tpu.memref_squeeze %dma_wait3A_67 : memref<1x80x128xf32, #tpu.memory_space<hbm>> -> memref<80x128xf32, #tpu.memory_space<hbm>>
        tpu.wait_dma2 semaphore(%run_scoped3A : memref<!tpu.dma_semaphore, #tpu.memory_space<semaphore_mem>>) src(%arg11 : memref<80x128xf32, #tpu.memory_space<vmem>>) dst(%dma_wait3A_68 : memref<80x128xf32, #tpu.memory_space<hbm>>)
        tpu.yield
      }) : () -> ()
      %scan3A_58 = arith.constant 0 : i32
      scf.yield %scan3A_58 : i32
    }
    %scan3A_42 = arith.constant 8 : i32
    return
  }
}

module attributes {stable_mosaic.version = 14 : i64} {
  func.func @_tc1_body(%arg0: i32, %arg1: memref<512x128xf32, #tpu.memory_space<vmem>>, %arg2: memref<2x512x128xf32, #tpu.memory_space<vmem>>, %arg3: memref<32x512xf32, #tpu.memory_space<vmem>>, %arg4: memref<128x128xf32, #tpu.memory_space<vmem>>, %arg5: memref<128x128xf32, #tpu.memory_space<vmem>>, %arg6: memref<1x128xf32, #tpu.memory_space<vmem>>, %arg7: memref<128x128xf32, #tpu.memory_space<vmem>>, %arg8: memref<128x128xf32, #tpu.memory_space<vmem>>, %arg9: memref<1x128xf32, #tpu.memory_space<vmem>>, %arg10: memref<512x128xf32, #tpu.memory_space<vmem>>, %arg11: memref<512x128xf32, #tpu.memory_space<vmem>>, %arg12: memref<512x128xf32, #tpu.memory_space<vmem>>) attributes {dimension_semantics = [#tpu.dimension_semantics<arbitrary>], iteration_bounds = array<i64: 20>, scalar_prefetch = 0 : i64, scratch_operands = 0 : i64, tpu.core_type = #tpu.core_type<tc>, window_params = [{transform_indices = @transform_0, window_bounds = array<i64: 512, 128>}, {transform_indices = @transform_1, window_bounds = array<i64: 2, 512, 128>}, {transform_indices = @transform_2, window_bounds = array<i64: 32, 512>}, {pipeline_mode = #tpu.pipeline_mode<synchronous>, transform_indices = @transform_3, window_bounds = array<i64: 128, 128>}, {pipeline_mode = #tpu.pipeline_mode<synchronous>, transform_indices = @transform_4, window_bounds = array<i64: 128, 128>}, {pipeline_mode = #tpu.pipeline_mode<synchronous>, transform_indices = @transform_5, window_bounds = array<i64: 1, 128>}, {pipeline_mode = #tpu.pipeline_mode<synchronous>, transform_indices = @transform_6, window_bounds = array<i64: 128, 128>}, {pipeline_mode = #tpu.pipeline_mode<synchronous>, transform_indices = @transform_7, window_bounds = array<i64: 128, 128>}, {pipeline_mode = #tpu.pipeline_mode<synchronous>, transform_indices = @transform_8, window_bounds = array<i64: 1, 128>}, {transform_indices = @transform_9, window_bounds = array<i64: 512, 128>}, {transform_indices = @transform_10, window_bounds = array<i64: 512, 128>}, {transform_indices = @transform_11, window_bounds = array<i64: 512, 128>}]} {
    %get3A = arith.constant 0 : index
    %get3A_0 = arith.constant 0 : index
    %get3A_1 = arith.constant 0 : index
    %get3A_2 = vector.load %arg2[%get3A, %get3A_0, %get3A_1] : memref<2x512x128xf32, #tpu.memory_space<vmem>>, vector<1x512x128xf32>
    %get3A_3 = vector.shape_cast %get3A_2 : vector<1x512x128xf32> to vector<512x128xf32>
    %get3A_4 = arith.constant 1 : index
    %get3A_5 = arith.constant 0 : index
    %get3A_6 = arith.constant 0 : index
    %get3A_7 = vector.load %arg2[%get3A_4, %get3A_5, %get3A_6] : memref<2x512x128xf32, #tpu.memory_space<vmem>>, vector<1x512x128xf32>
    %get3A_8 = vector.shape_cast %get3A_7 : vector<1x512x128xf32> to vector<512x128xf32>
    %add3A = arith.addf %get3A_3, %get3A_8 : vector<512x128xf32>
    %get3A_9 = arith.constant 0 : index
    %get3A_10 = arith.constant 0 : index
    %get3A_11 = vector.load %arg3[%get3A_9, %get3A_10] : memref<32x512xf32, #tpu.memory_space<vmem>>, vector<32x512xf32>
    %reduce_sum3A = arith.constant dense<0.000000e+00> : vector<512xf32>
    %reduce_sum3A_12 = vector.multi_reduction <add>, %get3A_11, %reduce_sum3A [0] : vector<32x512xf32> to vector<512xf32>
    %max3A = arith.constant 1.000000e+00 : f32
    %max3A_13 = vector.broadcast %max3A : f32 to vector<512xf32>
    %max3A_14 = arith.maximumf %reduce_sum3A_12, %max3A_13 : vector<512xf32>
    %broadcast_in_dim3A = vector.shape_cast %max3A_14 : vector<512xf32> to vector<512x1xf32>
    %div3A = vector.broadcast %broadcast_in_dim3A : vector<512x1xf32> to vector<512x128xf32>
    %div3A_15 = arith.divf %add3A, %div3A : vector<512x128xf32>
    %get3A_16 = arith.constant 0 : index
    %get3A_17 = arith.constant 0 : index
    %get3A_18 = vector.load %arg1[%get3A_16, %get3A_17] : memref<512x128xf32, #tpu.memory_space<vmem>>, vector<512x128xf32>
    %get3A_19 = arith.constant 0 : index
    %get3A_20 = arith.constant 0 : index
    %get3A_21 = vector.load %arg4[%get3A_19, %get3A_20] : memref<128x128xf32, #tpu.memory_space<vmem>>, vector<128x128xf32>
    %dot_general3A = arith.constant dense<0.000000e+00> : vector<512x128xf32>
    %dot_general3A_22 = tpu.matmul %get3A_18, %get3A_21, %dot_general3A {dimension_numbers = #tpu.dot_dimension_numbers<[1], [0], [0], [1], [0, 0, 1, 1], [], []>, transpose_lhs_hint = false} : vector<512x128xf32>, vector<128x128xf32>, vector<512x128xf32> -> vector<512x128xf32>
    %get3A_23 = arith.constant 0 : index
    %get3A_24 = arith.constant 0 : index
    %get3A_25 = vector.load %arg5[%get3A_23, %get3A_24] : memref<128x128xf32, #tpu.memory_space<vmem>>, vector<128x128xf32>
    %dot_general3A_26 = arith.constant dense<0.000000e+00> : vector<512x128xf32>
    %dot_general3A_27 = tpu.matmul %div3A_15, %get3A_25, %dot_general3A_26 {dimension_numbers = #tpu.dot_dimension_numbers<[1], [0], [0], [1], [0, 0, 1, 1], [], []>, transpose_lhs_hint = false} : vector<512x128xf32>, vector<128x128xf32>, vector<512x128xf32> -> vector<512x128xf32>
    %add3A_28 = arith.addf %dot_general3A_22, %dot_general3A_27 : vector<512x128xf32>
    %get3A_29 = arith.constant 0 : index
    %get3A_30 = arith.constant 0 : index
    %get3A_31 = vector.load %arg6[%get3A_29, %get3A_30] : memref<1x128xf32, #tpu.memory_space<vmem>>, vector<1x128xf32>
    %add3A_32 = vector.broadcast %get3A_31 : vector<1x128xf32> to vector<512x128xf32>
    %add3A_33 = arith.addf %add3A_28, %add3A_32 : vector<512x128xf32>
    %tanh3A = math.tanh %add3A_33 : vector<512x128xf32>
    %swap3A = arith.constant 0 : index
    %swap3A_34 = arith.constant 0 : index
    %swap3A_35 = vector.load %arg10[%swap3A, %swap3A_34] : memref<512x128xf32, #tpu.memory_space<vmem>>, vector<512x128xf32>
    tpu.vector_store %arg10[%swap3A, %swap3A_34], %tanh3A {strides = array<i32>} : memref<512x128xf32, #tpu.memory_space<vmem>>, vector<512x128xf32>,
    %get3A_36 = arith.constant 0 : index
    %get3A_37 = arith.constant 0 : index
    %get3A_38 = vector.load %arg7[%get3A_36, %get3A_37] : memref<128x128xf32, #tpu.memory_space<vmem>>, vector<128x128xf32>
    %dot_general3A_39 = arith.constant dense<0.000000e+00> : vector<512x128xf32>
    %dot_general3A_40 = tpu.matmul %tanh3A, %get3A_38, %dot_general3A_39 {dimension_numbers = #tpu.dot_dimension_numbers<[1], [0], [0], [1], [0, 0, 1, 1], [], []>, transpose_lhs_hint = false} : vector<512x128xf32>, vector<128x128xf32>, vector<512x128xf32> -> vector<512x128xf32>
    %swap3A_41 = arith.constant 0 : index
    %swap3A_42 = arith.constant 0 : index
    %swap3A_43 = vector.load %arg11[%swap3A_41, %swap3A_42] : memref<512x128xf32, #tpu.memory_space<vmem>>, vector<512x128xf32>
    tpu.vector_store %arg11[%swap3A_41, %swap3A_42], %dot_general3A_40 {strides = array<i32>} : memref<512x128xf32, #tpu.memory_space<vmem>>, vector<512x128xf32>,
    %get3A_44 = arith.constant 0 : index
    %get3A_45 = arith.constant 0 : index
    %get3A_46 = vector.load %arg8[%get3A_44, %get3A_45] : memref<128x128xf32, #tpu.memory_space<vmem>>, vector<128x128xf32>
    %dot_general3A_47 = arith.constant dense<0.000000e+00> : vector<512x128xf32>
    %dot_general3A_48 = tpu.matmul %tanh3A, %get3A_46, %dot_general3A_47 {dimension_numbers = #tpu.dot_dimension_numbers<[1], [0], [0], [1], [0, 0, 1, 1], [], []>, transpose_lhs_hint = false} : vector<512x128xf32>, vector<128x128xf32>, vector<512x128xf32> -> vector<512x128xf32>
    %get3A_49 = arith.constant 0 : index
    %get3A_50 = arith.constant 0 : index
    %get3A_51 = vector.load %arg9[%get3A_49, %get3A_50] : memref<1x128xf32, #tpu.memory_space<vmem>>, vector<1x128xf32>
    %add3A_52 = vector.broadcast %get3A_51 : vector<1x128xf32> to vector<512x128xf32>
    %add3A_53 = arith.addf %dot_general3A_48, %add3A_52 : vector<512x128xf32>
    %swap3A_54 = arith.constant 0 : index
    %swap3A_55 = arith.constant 0 : index
    %swap3A_56 = vector.load %arg12[%swap3A_54, %swap3A_55] : memref<512x128xf32, #tpu.memory_space<vmem>>, vector<512x128xf32>
    tpu.vector_store %arg12[%swap3A_54, %swap3A_55], %add3A_53 {strides = array<i32>} : memref<512x128xf32, #tpu.memory_space<vmem>>, vector<512x128xf32>,
    return
  }
  func.func @transform_0(%arg0: i32) -> (i32, i32) {
    %c0_i32 = arith.constant 0 : i32
    %c0_i32_0 = arith.constant 0 : i32
    return %arg0, %c0_i32 : i32, i32
  }
  func.func @transform_1(%arg0: i32) -> (i32, i32, i32) {
    %c0_i32 = arith.constant 0 : i32
    %c0_i32_0 = arith.constant 0 : i32
    %c0_i32_1 = arith.constant 0 : i32
    return %c0_i32, %arg0, %c0_i32_0 : i32, i32, i32
  }
  func.func @transform_2(%arg0: i32) -> (i32, i32) {
    %c0_i32 = arith.constant 0 : i32
    %c0_i32_0 = arith.constant 0 : i32
    return %c0_i32, %arg0 : i32, i32
  }
  func.func @transform_3(%arg0: i32) -> (i32, i32) {
    %c0_i32 = arith.constant 0 : i32
    %c0_i32_0 = arith.constant 0 : i32
    %c0_i32_1 = arith.constant 0 : i32
    return %c0_i32, %c0_i32_0 : i32, i32
  }
  func.func @transform_4(%arg0: i32) -> (i32, i32) {
    %c0_i32 = arith.constant 0 : i32
    %c0_i32_0 = arith.constant 0 : i32
    %c0_i32_1 = arith.constant 0 : i32
    return %c0_i32, %c0_i32_0 : i32, i32
  }
  func.func @transform_5(%arg0: i32) -> (i32, i32) {
    %c0_i32 = arith.constant 0 : i32
    %c0_i32_0 = arith.constant 0 : i32
    %c0_i32_1 = arith.constant 0 : i32
    return %c0_i32, %c0_i32_0 : i32, i32
  }
  func.func @transform_6(%arg0: i32) -> (i32, i32) {
    %c0_i32 = arith.constant 0 : i32
    %c0_i32_0 = arith.constant 0 : i32
    %c0_i32_1 = arith.constant 0 : i32
    return %c0_i32, %c0_i32_0 : i32, i32
  }
  func.func @transform_7(%arg0: i32) -> (i32, i32) {
    %c0_i32 = arith.constant 0 : i32
    %c0_i32_0 = arith.constant 0 : i32
    %c0_i32_1 = arith.constant 0 : i32
    return %c0_i32, %c0_i32_0 : i32, i32
  }
  func.func @transform_8(%arg0: i32) -> (i32, i32) {
    %c0_i32 = arith.constant 0 : i32
    %c0_i32_0 = arith.constant 0 : i32
    %c0_i32_1 = arith.constant 0 : i32
    return %c0_i32, %c0_i32_0 : i32, i32
  }
  func.func @transform_9(%arg0: i32) -> (i32, i32) {
    %c0_i32 = arith.constant 0 : i32
    %c0_i32_0 = arith.constant 0 : i32
    return %arg0, %c0_i32 : i32, i32
  }
  func.func @transform_10(%arg0: i32) -> (i32, i32) {
    %c0_i32 = arith.constant 0 : i32
    %c0_i32_0 = arith.constant 0 : i32
    return %arg0, %c0_i32 : i32, i32
  }
  func.func @transform_11(%arg0: i32) -> (i32, i32) {
    %c0_i32 = arith.constant 0 : i32
    %c0_i32_0 = arith.constant 0 : i32
    return %arg0, %c0_i32 : i32, i32
  }
}

module attributes {stable_mosaic.version = 14 : i64} {
  func.func @_tc2_body(%arg0: i32, %arg1: memref<512x128xf32, #tpu.memory_space<vmem>>, %arg2: memref<2x512x128xf32, #tpu.memory_space<vmem>>, %arg3: memref<32x512xf32, #tpu.memory_space<vmem>>, %arg4: memref<128x128xf32, #tpu.memory_space<vmem>>, %arg5: memref<128x128xf32, #tpu.memory_space<vmem>>, %arg6: memref<1x128xf32, #tpu.memory_space<vmem>>, %arg7: memref<128x256xf32, #tpu.memory_space<vmem>>, %arg8: memref<128x256xf32, #tpu.memory_space<vmem>>, %arg9: memref<128x256xf32, #tpu.memory_space<vmem>>, %arg10: memref<128x256xf32, #tpu.memory_space<vmem>>, %arg11: memref<1x256xf32, #tpu.memory_space<vmem>>, %arg12: memref<512x256xf32, #tpu.memory_space<vmem>>, %arg13: memref<512x256xf32, #tpu.memory_space<vmem>>) attributes {dimension_semantics = [#tpu.dimension_semantics<arbitrary>], iteration_bounds = array<i64: 20>, scalar_prefetch = 0 : i64, scratch_operands = 0 : i64, tpu.core_type = #tpu.core_type<tc>, window_params = [{transform_indices = @transform_0, window_bounds = array<i64: 512, 128>}, {transform_indices = @transform_1, window_bounds = array<i64: 2, 512, 128>}, {transform_indices = @transform_2, window_bounds = array<i64: 32, 512>}, {pipeline_mode = #tpu.pipeline_mode<synchronous>, transform_indices = @transform_3, window_bounds = array<i64: 128, 128>}, {pipeline_mode = #tpu.pipeline_mode<synchronous>, transform_indices = @transform_4, window_bounds = array<i64: 128, 128>}, {pipeline_mode = #tpu.pipeline_mode<synchronous>, transform_indices = @transform_5, window_bounds = array<i64: 1, 128>}, {pipeline_mode = #tpu.pipeline_mode<synchronous>, transform_indices = @transform_6, window_bounds = array<i64: 128, 256>}, {pipeline_mode = #tpu.pipeline_mode<synchronous>, transform_indices = @transform_7, window_bounds = array<i64: 128, 256>}, {pipeline_mode = #tpu.pipeline_mode<synchronous>, transform_indices = @transform_8, window_bounds = array<i64: 128, 256>}, {pipeline_mode = #tpu.pipeline_mode<synchronous>, transform_indices = @transform_9, window_bounds = array<i64: 128, 256>}, {pipeline_mode = #tpu.pipeline_mode<synchronous>, transform_indices = @transform_10, window_bounds = array<i64: 1, 256>}, {transform_indices = @transform_11, window_bounds = array<i64: 512, 256>}, {transform_indices = @transform_12, window_bounds = array<i64: 512, 256>}]} {
    %get3A = arith.constant 0 : index
    %get3A_0 = arith.constant 0 : index
    %get3A_1 = arith.constant 0 : index
    %get3A_2 = vector.load %arg2[%get3A, %get3A_0, %get3A_1] : memref<2x512x128xf32, #tpu.memory_space<vmem>>, vector<1x512x128xf32>
    %get3A_3 = vector.shape_cast %get3A_2 : vector<1x512x128xf32> to vector<512x128xf32>
    %get3A_4 = arith.constant 1 : index
    %get3A_5 = arith.constant 0 : index
    %get3A_6 = arith.constant 0 : index
    %get3A_7 = vector.load %arg2[%get3A_4, %get3A_5, %get3A_6] : memref<2x512x128xf32, #tpu.memory_space<vmem>>, vector<1x512x128xf32>
    %get3A_8 = vector.shape_cast %get3A_7 : vector<1x512x128xf32> to vector<512x128xf32>
    %add3A = arith.addf %get3A_3, %get3A_8 : vector<512x128xf32>
    %get3A_9 = arith.constant 0 : index
    %get3A_10 = arith.constant 0 : index
    %get3A_11 = vector.load %arg3[%get3A_9, %get3A_10] : memref<32x512xf32, #tpu.memory_space<vmem>>, vector<32x512xf32>
    %reduce_sum3A = arith.constant dense<0.000000e+00> : vector<512xf32>
    %reduce_sum3A_12 = vector.multi_reduction <add>, %get3A_11, %reduce_sum3A [0] : vector<32x512xf32> to vector<512xf32>
    %max3A = arith.constant 1.000000e+00 : f32
    %max3A_13 = vector.broadcast %max3A : f32 to vector<512xf32>
    %max3A_14 = arith.maximumf %reduce_sum3A_12, %max3A_13 : vector<512xf32>
    %broadcast_in_dim3A = vector.shape_cast %max3A_14 : vector<512xf32> to vector<512x1xf32>
    %div3A = vector.broadcast %broadcast_in_dim3A : vector<512x1xf32> to vector<512x128xf32>
    %div3A_15 = arith.divf %add3A, %div3A : vector<512x128xf32>
    %get3A_16 = arith.constant 0 : index
    %get3A_17 = arith.constant 0 : index
    %get3A_18 = vector.load %arg1[%get3A_16, %get3A_17] : memref<512x128xf32, #tpu.memory_space<vmem>>, vector<512x128xf32>
    %get3A_19 = arith.constant 0 : index
    %get3A_20 = arith.constant 0 : index
    %get3A_21 = vector.load %arg4[%get3A_19, %get3A_20] : memref<128x128xf32, #tpu.memory_space<vmem>>, vector<128x128xf32>
    %dot_general3A = arith.constant dense<0.000000e+00> : vector<512x128xf32>
    %dot_general3A_22 = tpu.matmul %get3A_18, %get3A_21, %dot_general3A {dimension_numbers = #tpu.dot_dimension_numbers<[1], [0], [0], [1], [0, 0, 1, 1], [], []>, transpose_lhs_hint = false} : vector<512x128xf32>, vector<128x128xf32>, vector<512x128xf32> -> vector<512x128xf32>
    %get3A_23 = arith.constant 0 : index
    %get3A_24 = arith.constant 0 : index
    %get3A_25 = vector.load %arg5[%get3A_23, %get3A_24] : memref<128x128xf32, #tpu.memory_space<vmem>>, vector<128x128xf32>
    %dot_general3A_26 = arith.constant dense<0.000000e+00> : vector<512x128xf32>
    %dot_general3A_27 = tpu.matmul %div3A_15, %get3A_25, %dot_general3A_26 {dimension_numbers = #tpu.dot_dimension_numbers<[1], [0], [0], [1], [0, 0, 1, 1], [], []>, transpose_lhs_hint = false} : vector<512x128xf32>, vector<128x128xf32>, vector<512x128xf32> -> vector<512x128xf32>
    %add3A_28 = arith.addf %dot_general3A_22, %dot_general3A_27 : vector<512x128xf32>
    %get3A_29 = arith.constant 0 : index
    %get3A_30 = arith.constant 0 : index
    %get3A_31 = vector.load %arg6[%get3A_29, %get3A_30] : memref<1x128xf32, #tpu.memory_space<vmem>>, vector<1x128xf32>
    %add3A_32 = vector.broadcast %get3A_31 : vector<1x128xf32> to vector<512x128xf32>
    %add3A_33 = arith.addf %add3A_28, %add3A_32 : vector<512x128xf32>
    %tanh3A = math.tanh %add3A_33 : vector<512x128xf32>
    %get3A_34 = arith.constant 0 : index
    %get3A_35 = arith.constant 0 : index
    %get3A_36 = vector.load %arg7[%get3A_34, %get3A_35] : memref<128x256xf32, #tpu.memory_space<vmem>>, vector<128x256xf32>
    %dot_general3A_37 = arith.constant dense<0.000000e+00> : vector<512x256xf32>
    %dot_general3A_38 = tpu.matmul %get3A_18, %get3A_36, %dot_general3A_37 {dimension_numbers = #tpu.dot_dimension_numbers<[1], [0], [0], [1], [0, 0, 1, 1], [], []>, transpose_lhs_hint = false} : vector<512x128xf32>, vector<128x256xf32>, vector<512x256xf32> -> vector<512x256xf32>
    %get3A_39 = arith.constant 0 : index
    %get3A_40 = arith.constant 0 : index
    %get3A_41 = vector.load %arg8[%get3A_39, %get3A_40] : memref<128x256xf32, #tpu.memory_space<vmem>>, vector<128x256xf32>
    %dot_general3A_42 = arith.constant dense<0.000000e+00> : vector<512x256xf32>
    %dot_general3A_43 = tpu.matmul %tanh3A, %get3A_41, %dot_general3A_42 {dimension_numbers = #tpu.dot_dimension_numbers<[1], [0], [0], [1], [0, 0, 1, 1], [], []>, transpose_lhs_hint = false} : vector<512x128xf32>, vector<128x256xf32>, vector<512x256xf32> -> vector<512x256xf32>
    %add3A_44 = arith.addf %dot_general3A_38, %dot_general3A_43 : vector<512x256xf32>
    %get3A_45 = arith.constant 0 : index
    %get3A_46 = arith.constant 0 : index
    %get3A_47 = vector.load %arg11[%get3A_45, %get3A_46] : memref<1x256xf32, #tpu.memory_space<vmem>>, vector<1x256xf32>
    %add3A_48 = vector.broadcast %get3A_47 : vector<1x256xf32> to vector<512x256xf32>
    %add3A_49 = arith.addf %add3A_44, %add3A_48 : vector<512x256xf32>
    %swap3A = arith.constant 0 : index
    %swap3A_50 = arith.constant 0 : index
    %swap3A_51 = vector.load %arg12[%swap3A, %swap3A_50] : memref<512x256xf32, #tpu.memory_space<vmem>>, vector<512x256xf32>
    tpu.vector_store %arg12[%swap3A, %swap3A_50], %add3A_49 {strides = array<i32>} : memref<512x256xf32, #tpu.memory_space<vmem>>, vector<512x256xf32>,
    %get3A_52 = arith.constant 0 : index
    %get3A_53 = arith.constant 0 : index
    %get3A_54 = vector.load %arg9[%get3A_52, %get3A_53] : memref<128x256xf32, #tpu.memory_space<vmem>>, vector<128x256xf32>
    %dot_general3A_55 = arith.constant dense<0.000000e+00> : vector<512x256xf32>
    %dot_general3A_56 = tpu.matmul %get3A_18, %get3A_54, %dot_general3A_55 {dimension_numbers = #tpu.dot_dimension_numbers<[1], [0], [0], [1], [0, 0, 1, 1], [], []>, transpose_lhs_hint = false} : vector<512x128xf32>, vector<128x256xf32>, vector<512x256xf32> -> vector<512x256xf32>
    %get3A_57 = arith.constant 0 : index
    %get3A_58 = arith.constant 0 : index
    %get3A_59 = vector.load %arg10[%get3A_57, %get3A_58] : memref<128x256xf32, #tpu.memory_space<vmem>>, vector<128x256xf32>
    %dot_general3A_60 = arith.constant dense<0.000000e+00> : vector<512x256xf32>
    %dot_general3A_61 = tpu.matmul %tanh3A, %get3A_59, %dot_general3A_60 {dimension_numbers = #tpu.dot_dimension_numbers<[1], [0], [0], [1], [0, 0, 1, 1], [], []>, transpose_lhs_hint = false} : vector<512x128xf32>, vector<128x256xf32>, vector<512x256xf32> -> vector<512x256xf32>
    %add3A_62 = arith.addf %dot_general3A_56, %dot_general3A_61 : vector<512x256xf32>
    %swap3A_63 = arith.constant 0 : index
    %swap3A_64 = arith.constant 0 : index
    %swap3A_65 = vector.load %arg13[%swap3A_63, %swap3A_64] : memref<512x256xf32, #tpu.memory_space<vmem>>, vector<512x256xf32>
    tpu.vector_store %arg13[%swap3A_63, %swap3A_64], %add3A_62 {strides = array<i32>} : memref<512x256xf32, #tpu.memory_space<vmem>>, vector<512x256xf32>,
    return
  }
  func.func @transform_0(%arg0: i32) -> (i32, i32) {
    %c0_i32 = arith.constant 0 : i32
    %c0_i32_0 = arith.constant 0 : i32
    return %arg0, %c0_i32 : i32, i32
  }
  func.func @transform_1(%arg0: i32) -> (i32, i32, i32) {
    %c0_i32 = arith.constant 0 : i32
    %c0_i32_0 = arith.constant 0 : i32
    %c0_i32_1 = arith.constant 0 : i32
    return %c0_i32, %arg0, %c0_i32_0 : i32, i32, i32
  }
  func.func @transform_2(%arg0: i32) -> (i32, i32) {
    %c0_i32 = arith.constant 0 : i32
    %c0_i32_0 = arith.constant 0 : i32
    return %c0_i32, %arg0 : i32, i32
  }
  func.func @transform_3(%arg0: i32) -> (i32, i32) {
    %c0_i32 = arith.constant 0 : i32
    %c0_i32_0 = arith.constant 0 : i32
    %c0_i32_1 = arith.constant 0 : i32
    return %c0_i32, %c0_i32_0 : i32, i32
  }
  func.func @transform_4(%arg0: i32) -> (i32, i32) {
    %c0_i32 = arith.constant 0 : i32
    %c0_i32_0 = arith.constant 0 : i32
    %c0_i32_1 = arith.constant 0 : i32
    return %c0_i32, %c0_i32_0 : i32, i32
  }
  func.func @transform_5(%arg0: i32) -> (i32, i32) {
    %c0_i32 = arith.constant 0 : i32
    %c0_i32_0 = arith.constant 0 : i32
    %c0_i32_1 = arith.constant 0 : i32
    return %c0_i32, %c0_i32_0 : i32, i32
  }
  func.func @transform_6(%arg0: i32) -> (i32, i32) {
    %c0_i32 = arith.constant 0 : i32
    %c0_i32_0 = arith.constant 0 : i32
    %c0_i32_1 = arith.constant 0 : i32
    return %c0_i32, %c0_i32_0 : i32, i32
  }
  func.func @transform_7(%arg0: i32) -> (i32, i32) {
    %c0_i32 = arith.constant 0 : i32
    %c0_i32_0 = arith.constant 0 : i32
    %c0_i32_1 = arith.constant 0 : i32
    return %c0_i32, %c0_i32_0 : i32, i32
  }
  func.func @transform_8(%arg0: i32) -> (i32, i32) {
    %c0_i32 = arith.constant 0 : i32
    %c0_i32_0 = arith.constant 0 : i32
    %c0_i32_1 = arith.constant 0 : i32
    return %c0_i32, %c0_i32_0 : i32, i32
  }
  func.func @transform_9(%arg0: i32) -> (i32, i32) {
    %c0_i32 = arith.constant 0 : i32
    %c0_i32_0 = arith.constant 0 : i32
    %c0_i32_1 = arith.constant 0 : i32
    return %c0_i32, %c0_i32_0 : i32, i32
  }
  func.func @transform_10(%arg0: i32) -> (i32, i32) {
    %c0_i32 = arith.constant 0 : i32
    %c0_i32_0 = arith.constant 0 : i32
    %c0_i32_1 = arith.constant 0 : i32
    return %c0_i32, %c0_i32_0 : i32, i32
  }
  func.func @transform_11(%arg0: i32) -> (i32, i32) {
    %c0_i32 = arith.constant 0 : i32
    %c0_i32_0 = arith.constant 0 : i32
    return %arg0, %c0_i32 : i32, i32
  }
  func.func @transform_12(%arg0: i32) -> (i32, i32) {
    %c0_i32 = arith.constant 0 : i32
    %c0_i32_0 = arith.constant 0 : i32
    return %arg0, %c0_i32 : i32, i32
  }
}

</mosaic_0001>

<sc_bundles>
// kernel: kernel.11.cloned.1.call-start
scs
__scs_entry_jumppad:
0x0: {  	(pc) =	sbr.rel $0x88, $3  }
0x1: {  	(tag) =	ssettag $0x0;
	lr =	simm.s32 $0x1  }
0x2: {  	[smem:$0x3F8F] =	sst lr;
	_ =	strace $0xD0000000  }
0x3: {  	_ = 	snop  }
0x4: {  	_ = 	snop  }
0x5: {  	_ = 	snop  }
0x6: {  	_ = 	snop  }
0x7: {  	_ = 	snop  }
__scs_overlays_trampoline_lowered:
0x8: {  	[smem:$0x3F9E] =	sst s0  }
0x9: {  	[smem:$0x3F9F] =	sst s1  }
0xa: {  	[smem:$0x3FA0] =	sst s2  }
0xb: {  	[smem:$0x3FA1] =	sst s3  }
0xc: {  	[smem:$0x3FA2] =	sst s4  }
0xd: {  	[smem:$0x3FA3] =	sst s5  }
0xe: {  	[smem:$0x3FA4] =	sst s6  }
0xf: {  	[smem:$0x3FA5] =	sst s7  }
0x10: {  	[smem:$0x3FA6] =	sst s8  }
0x11: {  	[smem:$0x3FA7] =	sst s9;
	s0 =	simm.s32 @!p0 $0x0  }
0x12: {  	s1 =	sld [smem:$0x3F8D];
	s0 =	simm.s32 @p0 $0x1  }
0x13: {  	[smem:$0x3FA8] =	sst s0;
	s0 =	simm.s32 @!p1 $0x0  }
0x14: {  	s2 =	sld [smem:$0x3F8C];
	s0 =	simm.s32 @p1 $0x1  }
0x15: {  	[smem:$0x3FA9] =	sst s0;
	s0 =	simm.s32 @!p2 $0x0  }
0x16: {  	s3 =	sld [smem:$0x3FDB];
	s0 =	simm.s32 @p2 $0x1  }
0x17: {  	s4 =	simm.s32 $0x1BF5;
	[smem:$0x3FAB] =	sst s0  }
0x18: {  	s0 =	sld [smem:$0x3F8E];
	_ =	swait.ge [sflag:s4], $0x0  }
0x19: {  	s7 =	sld [smem:$0x3F8F]  }
0x1a: {  	s8 =	sadd.s32 $0xFFFFE003, lr  }
0x1b: {  	s9 =	sadd.s32 $0xFFFFFEF7, lr;
	s5 =	simm.s32 $0xFFFFFFFF;
	p2 =	slt.u32 s8, $0xFFFFF086  }
0x1c: {  	p1 =	slt.u32 s9, $0xF7A;
	s5 =	simm.s32 @!p2 $0x0  }
0x1d: {  	s5 =	simm.s32 @p1 $0x1;
	p0 =	seq.s32 s7, s2  }
0x1e: {  	s7 =	smul.u32 @!p0 $0xF7A, s2;
	p2 =	seq.s32 @!p0 s5, $0x0  }
0x1f: {  	s9 =	smul.u32 $0xF7A, s1;
	s8 =	simm.s32 @!p0 $0x1BF5;
	p2 =	por !p2, p0  }
0x20: {  	[sflag:s8] =	ssyncset.s32 @!p0 $0xFFFFF086;
	s6 =	sadd.s32 @!p0 s3, s7;
	s7 =	simm.s32 @!p0 $0x108  }
0x21: {  	s3 =	sadd.s32 s3, s9;
	s6 =	sadd.s32 @!p0 $0x88, s6;
	s7 =	simm.s32 @p2 $0x1082  }
0x22: {  	[simem:s7], [sflag:s8] =	dma.local @!p0 [hbm:s6], $0xF7A  }
0x23: {  	s9 =	sor.u32 $0xD0000000, s2;
	s6 =	simm.s32 $0x108;
	_ =	swait.ge @!p0 [sflag:s8], $0x0  }
0x24: {  	s3 =	sadd.s32 $0x88, s3;
	s6 =	simm.s32 @!p1 $0x1082;
	[sflag:s4] =	ssyncset.s32 $0xFFFFF086  }
0x25: {  	[simem:s6], [sflag:s4] =	dma.local [hbm:s3], $0xF7A  }
0x26: {  	[smem:$0x3F8F] =	sst s1;
	(tag) =	ssettag s2;
	_ =	strace s9  }
0x27: {  	s1 =	sld [smem:$0x3F9F]  }
0x28: {  	s2 =	sld [smem:$0x3FA0]  }
0x29: {  	s4 =	sld [smem:$0x3FA2]  }
0x2a: {  	p0 =	seq.s32 s5, $0x0;
	s5 =	sld [smem:$0x3FA3]  }
0x2b: {  	s6 =	sld [smem:$0x3FA4]  }
0x2c: {  	s7 =	sld [smem:$0x3FA5]  }
0x2d: {  	s3 =	simm.s32 $0x108;
	s8 =	sld [smem:$0x3FA6]  }
0x2e: {  	s3 =	simm.s32 @!p0 $0x1082;
	s9 =	sld [smem:$0x3FA7]  }
0x2f: {  	lr =	sadd.s32 s0, s3;
	s0 =	sld [smem:$0x3F9E]  }
0x30: {  	s3 =	sld [smem:$0x3FA1]  }
0x31: {  	[smem:$0x3FAA] =	sst s10  }
0x32: {  	s10 =	sld [smem:$0x3FA8];
	_ =	sdelay $0x3  }
0x33: {  	p0 =	seq.s32 s10, $0x1;
	s10 =	sld [smem:$0x3FAA];
	_ =	sdelay $0x3  }
0x34: {  	[smem:$0x3FAA] =	sst s10  }
0x35: {  	s10 =	sld [smem:$0x3FA9];
	_ =	sdelay $0x3  }
0x36: {  	p1 =	seq.s32 s10, $0x1;
	s10 =	sld [smem:$0x3FAA];
	_ =	sdelay $0x3  }
0x37: {  	[smem:$0x3FAA] =	sst s10  }
0x38: {  	s10 =	sld [smem:$0x3FAB]  }
0x39: {  	_ = 	snop;
	(pc) =	sbr.ind lr, $3  }
0x3a: {  	_ = 	snop  }
0x3b: {  	_ = 	snop  }
0x3c: {  	p2 =	seq.s32 s10, $0x1;
	s10 =	sld [smem:$0x3FAA]  }
0x3d: {  	_ =	shalt  }
0x3e: {  	_ =	shalt  }
0x3f: {  	_ =	shalt  }
0x40: {  	_ =	shalt  }
0x41: {  	_ =	shalt  }
0x42: {  	_ =	shalt  }
0x43: {  	_ =	shalt  }
0x44: {  	_ =	shalt  }
0x45: {  	_ =	shalt  }
0x46: {  	_ =	shalt  }
0x47: {  	_ =	shalt  }
0x48: {  	_ =	shalt  }
0x49: {  	_ =	shalt  }
0x4a: {  	_ =	shalt  }
0x4b: {  	_ =	shalt  }
0x4c: {  	_ =	shalt  }
0x4d: {  	_ =	shalt  }
0x4e: {  	_ =	shalt  }
0x4f: {  	_ =	shalt  }
0x50: {  	_ =	shalt  }
0x51: {  	_ =	shalt  }
0x52: {  	_ =	shalt  }
0x53: {  	_ =	shalt  }
0x54: {  	_ =	shalt  }
0x55: {  	_ =	shalt  }
0x56: {  	_ =	shalt  }
0x57: {  	_ =	shalt  }
0x58: {  	_ =	shalt  }
0x59: {  	_ =	shalt  }
0x5a: {  	_ =	shalt  }
0x5b: {  	_ =	shalt  }
0x5c: {  	_ =	shalt  }
0x5d: {  	_ =	shalt  }
0x5e: {  	_ =	shalt  }
0x5f: {  	_ =	shalt  }
0x60: {  	_ =	shalt  }
0x61: {  	_ =	shalt  }
0x62: {  	_ =	shalt  }
0x63: {  	_ =	shalt  }
0x64: {  	_ =	shalt  }
0x65: {  	_ =	shalt  }
0x66: {  	_ =	shalt  }
0x67: {  	_ =	shalt  }
0x68: {  	_ =	shalt  }
0x69: {  	_ =	shalt  }
0x6a: {  	_ =	shalt  }
0x6b: {  	_ =	shalt  }
0x6c: {  	_ =	shalt  }
0x6d: {  	_ =	shalt  }
0x6e: {  	_ =	shalt  }
0x6f: {  	_ =	shalt  }
0x70: {  	_ =	shalt  }
0x71: {  	_ =	shalt  }
0x72: {  	_ =	shalt  }
0x73: {  	_ =	shalt  }
0x74: {  	_ =	shalt  }
0x75: {  	_ =	shalt  }
0x76: {  	_ =	shalt  }
0x77: {  	_ =	shalt  }
0x78: {  	_ =	shalt  }
0x79: {  	_ =	shalt  }
0x7a: {  	_ =	shalt  }
0x7b: {  	_ =	shalt  }
0x7c: {  	_ =	shalt  }
0x7d: {  	_ =	shalt  }
0x7e: {  	_ =	shalt  }
0x7f: {  	_ =	shalt  }
0x80: {  	_ =	shalt  }
0x81: {  	_ =	shalt  }
0x82: {  	_ =	shalt  }
0x83: {  	_ =	shalt  }
0x84: {  	_ =	shalt  }
0x85: {  	_ =	shalt  }
0x86: {  	_ =	shalt  }
0x87: {  	_ =	shalt  }
.Lfunc_end0:
.L_simem_size_0:
called_computation.1_lowered:
.L_overlay_start_0:
0x88: {  	s2 =	sld [smem:$0x3FD9]  }
0x89: {  	s3 =	sld [smem:$0x3FFE];
	_ =	sdelay $0x1  }
0x8a: {  	s1 =	srdreg.scid  }
0x8b: {  	s0 =	sand.u32 $0x1, s1  }
0x8c: {  	s14 =	sshll.u32 s0, $0xA;
	s2 =	sadd.s32 s3, s2  }
0x8d: {  	s2 =	sadd.s32 s2, s14  }
0x8e: {  	[smem:$0x3FB6] =	sst s2  }
0x8f: {  	_ = 	snop  }
0x90: {  	s2 =	sld [smem:$0x3FD0];
	_ =	sdelay $0x2  }
0x91: {  	s4 =	simm.s32 $0xA;
	s5 =	simm.s32 $0x10;
	s15 =	sld [smem:$0x3FC7]  }
0x92: {  	[smem:s5], [sflag:s4] =	dma.local [hbm:s2], $0x1  }
0x93: {  	_ =	swait.eq [sflag:s4], $0x1  }
0x94: {  	[sflag:s4] =	ssyncset.done $0x0  }
0x95: {  	[sflag:s4] =	ssyncadd.s32 $0xFFFFFFFF  }
0x96: {  	s16 =	sld [smem:$0x10];
	(tm) =	ssettm $0x1  }
0x97: {  	s17 =	sld [smem:$0x3FFB];
	_ =	sdelay $0x3  }
0x98: {  	_ =	strace s17  }
0x99: {  	s4 =	sld [smem:$0x3FFC];
	_ =	sdelay $0x3  }
0x9a: {  	_ =	strace s4  }
0x9b: {  	s4 =	sld [smem:$0x3FFD];
	_ =	sdelay $0x3  }
0x9c: {  	_ =	strace s4  }
0x9d: {  	_ =	strace $0x8FFFFFFF  }
0x9e: {  	s18 =	sld [smem:$0x3FDB];
	_ =	sdelay $0x1  }
0x9f: {  	s19 =	simm.s32 $_scs_section_size  }
0xa0: {  	s6 =	simm.s32 $_size__tile_overlayer_lowered;
	s7 =	simm.s32 $_tile_overlayer_lowered  }
0xa1: {  	s22 =	simm.s32 $0x1BFF;
	s21 =	sshll.u32 s7, $0x1;
	s4 =	sadd.s32 s19, s18  }
0xa2: {  	s8 =	simm.s32 $0x0;
	s20 =	sshll.u32 s6, $0x1;
	s6 =	sadd.s32 s21, s4  }
0xa3: {  	[timem:s8], [sflag:s22] =	dma.local [hbm:s6], s20  }
0xa4: {  	_ =	swait.ge [sflag:s22], s20  }
0xa5: {  	s5 =	ssub.s32 $0x0, s20;
	[sflag:s22] =	ssyncset.done $0x0  }
0xa6: {  	[sflag:s22] =	ssyncadd.s32 s5;
	_ =	sdelay $0x1  }
0xa7: {  	s23 =	simm.s32 $0x1B8B  }
0xa8: {  	_ =	swait.ge [sflag:s23], $0x1  }
0xa9: {  	[sflag:s23] =	ssyncset.done $0x0  }
0xaa: {  	s25 =	simm.s32 $0x1B8E;
	s24 =	sld [smem:$0x3FFE];
	[sflag:s23] =	ssyncadd.s32 $0xFFFFFFFF  }
0xab: {  	s26 =	simm.s32 $execute0_lowered;
	[smem:$0x3FD2] =	sst s25  }
0xac: {  	s6 =	sshll.u32 s26, $0x1;
	_ =	strace $0x80000049;
	[dreg:$0x1] =	wrdreg $0xFFFFFFFF  }
0xad: {  	s28 =	simm.s32 $_size_execute0_lowered;
	s4 =	sadd.s32 s4, s6;
	[dreg:$0x0] =	wrdreg $0x0  }
0xae: {  	s6 =	sshll.u32 s28, $0x1;
	[dreg:$0x2] =	wrdreg s4  }
0xaf: {  	[dreg:$0x3] =	wrdreg s6  }
0xb0: {  	[dreg:$0x4] =	wrdreg $0xC0  }
0xb1: {  	_ =	task [dreg:s8], $0x5FFFF  }
0xb2: {  	[dreg:$0x1] =	wrdreg $0xFFFFFFFF  }
0xb3: {  	[dreg:$0x0] =	wrdreg $0x60  }
0xb4: {  	[dreg:$0x2] =	wrdreg s24  }
0xb5: {  	[dreg:$0x3] =	wrdreg s15  }
0xb6: {  	[dreg:$0x4] =	wrdreg s16  }
0xb7: {  	[dreg:$0x5] =	wrdreg $0x9  }
0xb8: {  	_ =	task.clear_ibuf [dreg:s8], $0x6FFFF;
	_ =	strace $0x90000049  }
0xb9: {  	s29 =	simm.s32 $0x9;
	_ =	strace $0x8000004B  }
0xba: {  	_ =	swait.ge [sflag:s29], $0x1  }
0xbb: {  	[sflag:s29] =	ssyncadd.s32 $0xFFFFFFFF  }
0xbc: {  	_ =	strace $0x9000004B  }
0xbd: {  	_ =	sfence  }
0xbe: {  	s30 =	sld [smem:$0x0];
	_ =	sdelay $0x2  }
0xbf: {  	s31 =	sshll.u32 s1, $0xD;
	s1 =	sshrl.u32 s1, $0x2  }
0xc0: {  	s3 =	sand.u32 $0x4000, s31;
	s1 =	sadd.s32 s1, s30  }
0xc1: {  	s0 =	sor.u32 s3, s0;
	s1 =	sshll.u32 s1, $0x11  }
0xc2: {  	s0 =	sor.u32 s1, s0  }
0xc3: {  	s0 =	sadd.s32 $0x8F2B, s0  }
0xc4: {  	[sflag:s0] =	ssyncadd.remote.s32 $0x1  }
0xc5: {  	_ =	sfence.sel $0xFFFF  }
0xc6: {  	[dreg:$0x0] =	wrdreg $0xFFFFFFFF;
	(pc) =	sbr.abs _section_cstart, $3  }
0xc7: {  	[dreg:$0x1] =	wrdreg $0xFFFFFFFF  }
0xc8: {  	_ =	task.clear_ibuf [dreg:s8], $0x2FFFF;
	_ =	strace $0x9FFFFFFF  }
0xc9: {  	(tm) =	ssettm $0x7FFFFFFF  }
tec
execute0_lowered:
.L_overlay_start_1:
0x0: {  	(tag) =	ssettag $0x1  }
0x1: {  	s0 =	rddreg [dreg:$0x0]  }
0x2: {  	s1 =	rddreg [dreg:$0x1];
	s18 =	simm.s32 $0x0;
	s2 =	srdreg.scid  }
0x3: {  	s3 =	stileid.u32;
	s28 =	simm.s32 $0x1;
	s29 =	simm.s32 $0x50  }
0x4: {  	s30 =	simm.s32 $0x300;
	s31 =	simm.s32 $0x2B00;
	s19 =	simm.s32 $0xA300  }
0x5: {  	s10 =	simm.s32 $0x0;
	[smem:$0x7FF] =	sst s18;
	s2 =	sand.u32 $0x1, s2  }
0x6: {  	s3 =	sshll.u32 s3, $0x1;
	s5 =	sadd.s32 $0x18800, s0;
	s6 =	sadd.s32 $0x3FA00, s0  }
0x7: {  	s7 =	sadd.s32 $0xEA00, s0;
	s9 =	sadd.s32 $0x4C00, s0;
	s4 =	sadd.s32 $0x8DE00, s0  }
0x8: {  	s11 =	sadd.s32 $0x8E000, s0;
	_ =	strace $0x8000004A;
	s3 =	sor.u32 s2, s3  }
0x9: {  	s2 =	ssub.s32 $0x2, s2;
	s8 =	smul.u32 $0x2710, s3;
	s3 =	sshll.u32 s3, $0x4  }
0xa: {  	[dreg:$0x4] =	wrdreg s4;
	s21 =	sshrl.u32 s2, $0x1;
	s0 =	sadd.s32 s3, s0  }
0xb: {  	s2 =	ssub.s32 s2, s21;
	s20 =	sshrl.u32 s8, $0x3;
	s0 =	sadd.s32 $0x97E00, s0  }
0xc: {  	s26 =	smax.u32 s2, $0x1;
	s4 =	sadd.s32 $0x4D8, s20;
	[dreg:$0x9] =	wrdreg s0  }
0xd: {  	s3 =	simm.s32 $0x2;
	[dreg:$0xa] =	wrdreg s26;
	s22 =	sadd.s32 s7, s4  }
0xe: {  	s21 =	simm.s32 $0x3;
	s23 =	sadd.s32 s9, s4;
	[dreg:$0x5] =	wrdreg s22  }
0xf: {  	s12 =	sadd.s32 $0x50, s8;
	s24 =	sadd.s32 s1, s4;
	[dreg:$0x6] =	wrdreg s23  }
0x10: {  	s2 =	simm.s32 $0x7B00;
	s25 =	sadd.s32 s11, s4;
	[dreg:$0x7] =	wrdreg s24  }
0x11: {  	v0 =	vlaneseq.u32;
	s20 =	simm.s32 $0x4;
	s0 =	simm.s32 $0x5300;
	[dreg:$0x8] =	wrdreg s25  }
0x12: {  	v0 =	vmul.u32 $0x80, v0;
	s22 =	simm.s32 $0x80;
	s24 =	simm.s32 $0x180;
	s25 =	simm.s32 $0x200  }
.LBB2_1:
0x13: {  	[dreg:$0xb] =	wrdreg s10  }
0x14: {  	s4 =	rddreg [dreg:$0x2];
	s17 =	simm.s32 $0xA380  }
0x15: {  	[tilespmem:s17], [sflag:$0x4] =	stream.linear.gather [hbm4b:s4+s18], $0x4000, $0x38;
	[tilespmem:$0xE480] =	vst v63  }
0x16: {  	_ =	swait.ge [sflag:s20], $0x4000  }
0x17: {  	[sflag:s20] =	ssyncset.done $0x0  }
0x18: {  	s26 =	simm.s32 $0xE380;
	s23 =	rddreg [dreg:$0x4];
	[sflag:s20] =	ssyncadd.s32 $0xFFFFC000  }
0x19: {  	[tilespmem:s26], [sflag:$0x4] =	stream.linear.gather [hbm4b:s23+s18], $0x80, $0x38;
	[tilespmem:$0xE480] =	vst v63  }
0x1a: {  	_ =	swait.ge [sflag:s20], $0x80  }
0x1b: {  	[sflag:s20] =	ssyncset.done $0x0  }
0x1c: {  	v1 =	vimm.f32 $0.0e+00;
	s13 =	simm.s32 $0x0;
	[sflag:s20] =	ssyncadd.s32 $0xFFFFFF80  }
.LBB2_2:
0x1d: {  	s14 =	smul.u32 $0xA0, s13;
	_ =	sdelay $0x1  }
0x1e: {  	s4 =	sadd.s32 s8, s14  }
0x1f: {  	s15 =	sshrl.u32 s4, $0x3  }
0x20: {  	s16 =	simm.s32 $0x0;
	s4 =	sadd.s32 s7, s15  }
0x21: {  	[tilespmem:s16], [sflag:$0x1] =	stream.linear.gather [hbm4b:s4+s16], $0x50, $0x38;
	[tilespmem:$0xE480] =	vst v63  }
0x22: {  	s23 =	sadd.s32 s9, s15  }
0x23: {  	[tilespmem:s22], [sflag:$0x1] =	stream.linear.gather [hbm4b:s23+s16], $0x50, $0x38;
	[tilespmem:$0xE480] =	vst v63  }
0x24: {  	s10 =	simm.s32 $0x100;
	s26 =	sadd.s32 s1, s15;
	s17 =	sadd.s32 $0xA, s15  }
0x25: {  	[tilespmem:s10], [sflag:$0x1] =	stream.linear.gather [hbm4b:s26+s16], $0x50, $0x38;
	[tilespmem:$0xE480] =	vst v63  }
0x26: {  	s18 =	sadd.s32 s7, s17  }
0x27: {  	[tilespmem:s24], [sflag:$0x1] =	stream.linear.gather [hbm4b:s18+s16], $0x50, $0x38;
	[tilespmem:$0xE480] =	vst v63  }
0x28: {  	s23 =	sadd.s32 s9, s17  }
0x29: {  	[tilespmem:s25], [sflag:$0x1] =	stream.linear.gather [hbm4b:s23+s16], $0x50, $0x38;
	[tilespmem:$0xE480] =	vst v63  }
0x2a: {  	s4 =	sadd.s32 s1, s17;
	s26 =	simm.s32 $0x280  }
0x2b: {  	[tilespmem:s26], [sflag:$0x1] =	stream.linear.gather [hbm4b:s4+s16], $0x50, $0x38;
	[tilespmem:$0xE480] =	vst v63  }
0x2c: {  	_ =	swait.ge [sflag:s28], $0x50  }
0x2d: {  	[sflag:s28] =	ssyncset.done $0x0  }
0x2e: {  	[sflag:s28] =	ssyncadd.s32 $0xFFFFFFB0  }
0x2f: {  	_ =	swait.ge [sflag:s28], $0x50  }
0x30: {  	[sflag:s28] =	ssyncset.done $0x0  }
0x31: {  	[sflag:s28] =	ssyncadd.s32 $0xFFFFFFB0  }
0x32: {  	_ =	swait.ge [sflag:s28], $0x50  }
0x33: {  	[sflag:s28] =	ssyncset.done $0x0  }
0x34: {  	[sflag:s28] =	ssyncadd.s32 $0xFFFFFFB0  }
0x35: {  	_ =	swait.ge [sflag:s28], $0x50  }
0x36: {  	[sflag:s28] =	ssyncset.done $0x0  }
0x37: {  	[sflag:s28] =	ssyncadd.s32 $0xFFFFFFB0  }
0x38: {  	_ =	swait.ge [sflag:s28], $0x50  }
0x39: {  	[sflag:s28] =	ssyncset.done $0x0  }
0x3a: {  	[sflag:s28] =	ssyncadd.s32 $0xFFFFFFB0  }
0x3b: {  	_ =	swait.ge [sflag:s28], $0x50  }
0x3c: {  	[sflag:s28] =	ssyncset.done $0x0  }
0x3d: {  	[sflag:s28] =	ssyncadd.s32 $0xFFFFFFB0  }
0x3e: {  	[tilespmem:s30], [sflag:$0x2] =	stream.indirect.gather [hbm4b:s5+s29], $0x80, s16, s29, $0xb8;
	[tilespmem:$0xE480] =	vst v63  }
0x3f: {  	_ = 	snop  }
0x40: {  	[tilespmem:s31], [sflag:$0x2] =	stream.indirect.gather [hbm4b:s6+s29], $0x80, s22, s29, $0xb8;
	[tilespmem:$0xE480] =	vst v63  }
0x41: {  	_ = 	snop  }
0x42: {  	[tilespmem:s0], [sflag:$0x3] =	stream.indirect.gather [hbm4b:s5+s29], $0x80, s24, s29, $0xb8;
	[tilespmem:$0xE480] =	vst v63  }
0x43: {  	_ = 	snop  }
0x44: {  	[tilespmem:s2], [sflag:$0x3] =	stream.indirect.gather [hbm4b:s6+s29], $0x80, s25, s29, $0xb8;
	[tilespmem:$0xE480] =	vst v63  }
0x45: {  	_ =	swait.ge [sflag:s3], $0x2800  }
0x46: {  	[sflag:s3] =	ssyncset.done $0x0  }
0x47: {  	[sflag:s3] =	ssyncadd.s32 $0xFFFFD800  }
0x48: {  	_ =	swait.ge [sflag:s3], $0x2800  }
0x49: {  	[sflag:s3] =	ssyncset.done $0x0  }
0x4a: {  	s17 =	simm.s32 $0x0;
	[sflag:s3] =	ssyncadd.s32 $0xFFFFD800  }
.LBB2_3:
0x4b: {  	s18 =	sshll.u32 s17, $0x4;
	v2 =	vmov s16  }
0x4c: {  	s4 =	simm.s32 $0x1;
	v3 =	vmov s18;
	v2 =	vand.u32 $0x7C, v2  }
0x4d: {  	v4 =	vmov s4;
	v3 =	vshll.u32 v3, $0x7;
	v2 =	vbroadcast v2, $0x0  }
0x4e: {  	s23 =	simm.s32 $0x2;
	v4 =	vand.u32 $0x7D, v4;
	v3 =	vor.u32 v0, v3  }
0x4f: {  	v5 =	vmov s23;
	v4 =	vbroadcast v4, $0x0;
	v6 =	vor.u32 v3, v2  }
0x50: {  	s10 =	simm.s32 $0xA480;
	v5 =	vand.u32 $0x7E, v5  }
0x51: {  	s26 =	simm.s32 $0x3;
	v8 =	vld [tilespmem:s10+$0xFFFFFF80];
	v5 =	vbroadcast v5, $0x0;
	v4 =	vor.u32 v3, v4  }
0x52: {  	v7 =	vmov s26;
	v9 =	vld [tilespmem:s10+$0xFFFFFF00]  }
0x53: {  	v17 =	vld [tilespmem:s10+$0x80];
	v7 =	vand.u32 $0x7F, v7;
	v5 =	vor.u32 v3, v5  }
0x54: {  	v7 =	vbroadcast v7, $0x0;
	v10 =	vld.idx.msk [tilespmem:v6+s30+$0x0], $0xffff  }
0x55: {  	v6 =	vld.idx.msk [tilespmem:v6+s31+$0x0], $0xffff  }
0x56: {  	s23 =	simm.s32 $0x4;
	v7 =	vor.u32 v3, v7;
	v11 =	vld.idx.msk [tilespmem:v4+s30+$0x0], $0xffff  }
0x57: {  	s26 =	simm.s32 $0x5;
	v12 =	vmov s23;
	v4 =	vld.idx.msk [tilespmem:v4+s31+$0x0], $0xffff  }
0x58: {  	v14 =	vmov s26;
	v12 =	vand.u32 $0x7C, v12;
	v13 =	vld.idx.msk [tilespmem:v5+s30+$0x0], $0xffff  }
0x59: {  	s23 =	simm.s32 $0x6;
	v12 =	vbroadcast v12, $0x0;
	v16 =	vld.idx.msk [tilespmem:v5+s31+$0x0], $0xffff;
	v5 =	vand.u32 $0x7D, v14  }
0x5a: {  	v19 =	vld [tilespmem:s10+$0x0];
	v15 =	vmov s23;
	v5 =	vbroadcast v5, $0x0  }
0x5b: {  	v12 =	vor.u32 v3, v12;
	v14 =	vand.u32 $0x7E, v15;
	v15 =	vld.idx.msk [tilespmem:v7+s30+$0x0], $0xffff;
	v6 =	vadd.f32 v6, v10  }
0x5c: {  	v20 =	vimm.f32 $0.0e+00;
	s26 =	simm.s32 $0x7;
	v7 =	vld.idx.msk [tilespmem:v7+s31+$0x0], $0xffff;
	v14 =	vbroadcast v14, $0x0;
	v18 =	vor.u32 v3, v5  }
0x5d: {  	s10 =	simm.s32 $0xA680;
	v2 =	vld [tilespmem:s18+$0x100];
	v10 =	vmov s26;
	v11 =	vadd.f32 v4, v11;
	v6 =	vmax.f32 v6, $0.0e+00  }
0x5e: {  	v5 =	vld [tilespmem:s10+$0xFFFFFF80];
	v21 =	vand.u32 $0x7F, v10;
	v10 =	vor.u32 v3, v14;
	v9 =	vmul.f32 v6, v9  }
0x5f: {  	v4 =	vld [tilespmem:s10+$0xFFFFFF00];
	v13 =	vadd.f32 v16, v13;
	v14 =	vbroadcast v21, $0x0;
	v11 =	vmax.f32 v11, $0.0e+00  }
0x60: {  	v6 =	vld.idx.msk [tilespmem:v12+s30+$0x0], $0xffff;
	v11 =	vmul.f32 v11, v8;
	v9 =	vadd.f32 v9, v20  }
0x61: {  	v15 =	vadd.f32 v7, v15;
	v13 =	vmax.f32 v13, $0.0e+00;
	v8 =	vld.idx.msk [tilespmem:v12+s31+$0x0], $0xffff;
	v12 =	vor.u32 v3, v14  }
0x62: {  	s23 =	simm.s32 $0x8;
	s26 =	simm.s32 $0xB;
	v7 =	vld.idx.msk [tilespmem:v18+s30+$0x0], $0xffff;
	v19 =	vmul.f32 v13, v19;
	v14 =	vadd.f32 v11, v9  }
0x63: {  	v15 =	vmax.f32 v15, $0.0e+00;
	v13 =	vmov s26;
	v9 =	vmov s23;
	v11 =	vld.idx.msk [tilespmem:v18+s31+$0x0], $0xffff  }
0x64: {  	s4 =	simm.s32 $0x9;
	s26 =	simm.s32 $0xC;
	v15 =	vmul.f32 v15, v17;
	s23 =	simm.s32 $0xA;
	v16 =	vand.u32 $0x7C, v9;
	v9 =	vld.idx.msk [tilespmem:v10+s30+$0x0], $0xffff;
	v14 =	vadd.f32 v19, v14  }
.LBB2_4:
0x65: {  	p0 =	sne.s32 s26, $0x7C;
	v16 =	vbroadcast v16, $0x0;
	v17 =	vmov s4;
	v18 =	vmov s23;
	v19 =	vld.idx.msk [tilespmem:v10+s31+$0x0], $0xffff  }
0x66: {  	v10 =	vand.u32 $0x7D, v17;
	v17 =	vand.u32 $0x7E, v18;
	v18 =	vld.idx.msk [tilespmem:v12+s30+$0x0], $0xffff;
	v14 =	vadd.f32 v15, v14  }
0x67: {  	v6 =	vadd.f32 v8, v6;
	v15 =	vor.u32 v3, v16;
	v10 =	vbroadcast v10, $0x0;
	v16 =	vld.idx.msk [tilespmem:v12+s31+$0x0], $0xffff  }
0x68: {  	v8 =	vbroadcast v17, $0x0;
	v12 =	vand.u32 $0x7F, v13;
	v17 =	vld [tilespmem:s10+$0x80]  }
0x69: {  	v6 =	vmax.f32 v6, $0.0e+00;
	v7 =	vadd.f32 v11, v7;
	v20 =	vor.u32 v3, v10;
	v11 =	vld [tilespmem:s10+$0x0];
	s10 =	sadd.s32 $0x200, s10  }
0x6a: {  	v12 =	vbroadcast v12, $0x0;
	v13 =	vmul.f32 v6, v4;
	v21 =	vld [tilespmem:s10+$0xFFFFFF80]  }
0x6b: {  	v10 =	vor.u32 v3, v8;
	v7 =	vmax.f32 v7, $0.0e+00;
	v9 =	vadd.f32 v19, v9;
	v4 =	vld [tilespmem:s10+$0xFFFFFF00]  }
.Ltmp0:
0x6c: {  	v13 =	vadd.f32 v13, v14;
	v22 =	vmul.f32 v7, v5;
	v6 =	vld.idx.msk [tilespmem:v15+s30+$0x0], $0xffff;
	(pc) =	sbr.rel @p0 .LBB2_4-.Ltmp0, $4  }
0x6d: {  	v12 =	vor.u32 v3, v12;
	v9 =	vmax.f32 v9, $0.0e+00;
	v14 =	vadd.f32 v16, v18;
	v8 =	vld.idx.msk [tilespmem:v15+s31+$0x0], $0xffff  }
0x6e: {  	s4 =	sadd.s32 $0x3, s26;
	v15 =	vadd.f32 v22, v13;
	v7 =	vld.idx.msk [tilespmem:v20+s30+$0x0], $0xffff;
	v18 =	vmul.f32 v9, v11  }
0x6f: {  	v13 =	vmov s4;
	v9 =	vmov s26;
	v19 =	vmax.f32 v14, $0.0e+00;
	v11 =	vld.idx.msk [tilespmem:v20+s31+$0x0], $0xffff;
	v5 =	vmovc v21  }
0x70: {  	s23 =	sadd.s32 $0x2, s26;
	s4 =	sadd.s32 $0x1, s26;
	s26 =	sadd.s32 $0x4, s26;
	v16 =	vand.u32 $0x7C, v9;
	v9 =	vld.idx.msk [tilespmem:v10+s30+$0x0], $0xffff;
	v14 =	vadd.f32 v18, v15;
	v15 =	vmul.f32 v19, v17  }
0x71: {  	_ =	sdelay $0x3  }
0x72: {  	v16 =	vbroadcast v16, $0x0;
	v17 =	vmov s4;
	v10 =	vld.idx.msk [tilespmem:v10+s31+$0x0], $0xffff  }
0x73: {  	v18 =	vld.idx.msk [tilespmem:v12+s30+$0x0], $0xffff;
	v17 =	vand.u32 $0x7D, v17  }
0x74: {  	v19 =	vmov s23;
	v42 =	vld.idx.msk [tilespmem:v12+s31+$0x0], $0xffff;
	v16 =	vor.u32 v3, v16;
	v17 =	vbroadcast v17, $0x0  }
0x75: {  	v20 =	vld [tilespmem:s10+$0x80];
	v19 =	vand.u32 $0x7E, v19  }
0x76: {  	v21 =	vld [tilespmem:s10+$0x0];
	s26 =	sadd.s32 $0x200, s10;
	v19 =	vbroadcast v19, $0x0;
	v17 =	vor.u32 v3, v17  }
0x77: {  	v43 =	vand.u32 $0x7F, v13;
	v6 =	vadd.f32 v8, v6;
	v44 =	vld [tilespmem:s26+$0xFFFFFF80]  }
0x78: {  	v8 =	vbroadcast v43, $0x0;
	v22 =	vld [tilespmem:s26+$0xFFFFFF00];
	v19 =	vor.u32 v3, v19  }
0x79: {  	v6 =	vmax.f32 v6, $0.0e+00;
	v7 =	vadd.f32 v11, v7;
	v45 =	vld.idx.msk [tilespmem:v16+s30+$0x0], $0xffff  }
0x7a: {  	v14 =	vadd.f32 v15, v14;
	v4 =	vmul.f32 v6, v4;
	v3 =	vor.u32 v3, v8;
	v46 =	vld.idx.msk [tilespmem:v16+s31+$0x0], $0xffff  }
0x7b: {  	v7 =	vmax.f32 v7, $0.0e+00;
	v47 =	vadd.f32 v10, v9;
	v48 =	vld.idx.msk [tilespmem:v17+s30+$0x0], $0xffff  }
0x7c: {  	v4 =	vadd.f32 v4, v14;
	v5 =	vmul.f32 v7, v5;
	v49 =	vld.idx.msk [tilespmem:v17+s31+$0x0], $0xffff  }
0x7d: {  	v50 =	vadd.f32 v42, v18;
	v8 =	vmax.f32 v47, $0.0e+00;
	v51 =	vld.idx.msk [tilespmem:v19+s30+$0x0], $0xffff  }
0x7e: {  	v4 =	vadd.f32 v5, v4;
	v52 =	vmul.f32 v8, v21;
	v53 =	vld.idx.msk [tilespmem:v19+s31+$0x0], $0xffff  }
0x7f: {  	v10 =	vmax.f32 v50, $0.0e+00;
	v54 =	vld.idx.msk [tilespmem:v3+s30+$0x0], $0xffff;
	v6 =	vadd.f32 v46, v45  }
0x80: {  	v55 =	vmul.f32 v10, v20;
	v3 =	vld.idx.msk [tilespmem:v3+s31+$0x0], $0xffff;
	v4 =	vadd.f32 v52, v4  }
0x81: {  	v56 =	vld [tilespmem:s26+$0x0];
	v6 =	vmax.f32 v6, $0.0e+00;
	v7 =	vadd.f32 v49, v48  }
0x82: {  	v4 =	vadd.f32 v55, v4;
	v57 =	vmul.f32 v6, v22  }
0x83: {  	v58 =	vld [tilespmem:s26+$0x80];
	v8 =	vadd.f32 v53, v51;
	v7 =	vmax.f32 v7, $0.0e+00  }
0x84: {  	v4 =	vadd.f32 v57, v4;
	v59 =	vmul.f32 v7, v44  }
0x85: {  	v3 =	vadd.f32 v3, v54;
	v60 =	vmax.f32 v8, $0.0e+00  }
0x86: {  	v61 =	vmul.f32 v60, v56;
	v4 =	vadd.f32 v59, v4  }
0x87: {  	v62 =	vld [tilespmem:$0xE380];
	v3 =	vmax.f32 v3, $0.0e+00  }
0x88: {  	v3 =	vmul.f32 v3, v58;
	v4 =	vadd.f32 v61, v4;
	_ =	sdelay $0x1  }
0x89: {  	v3 =	vadd.f32 v3, v4;
	_ =	sdelay $0x1  }
0x8a: {  	v3 =	vadd.f32 v62, v3;
	_ =	sdelay $0x1  }
0x8b: {  	v3 =	vsub.f32 $0.0e+00, v3;
	_ =	sdelay $0x1  }
0x8c: {  	v3 =	vmul.f32 $1.442695020e+00, v3;
	_ =	sdelay $0x1  }
0x8d: {  	(erf) = vpow2.f32 v3;
	_ =	sdelay $0x8  }
0x8e: {  	v3 =	vpop (erf)  }
0x8f: {  	v3 =	vadd.f32 $1.000000000e+00, v3;
	_ =	sdelay $0x1  }
0x90: {  	(erf) = vrcp.f32 v3;
	_ =	sdelay $0x8  }
0x91: {  	s17 =	sadd.s32 $0x1, s17;
	v3 =	vpop (erf)  }
0x92: {  	p0 =	sne.s32 s17, $0x5;
	v2 =	vmul.f32 v3, v2  }
.Ltmp1:
0x93: {  	_ = 	snop;
	(pc) =	sbr.rel @p0 .LBB2_3-.Ltmp1, $4  }
0x94: {  	v63 =	vand.u32 $0x7FFFFFFF, v2  }
0x95: {  	vm0 =	vgt.f32 v63, $1.000000050e-03  }
0x96: {  	v2 =	vnsel vm0, $0x0, v2  }
0x97: {  	v1 =	vadd.f32 v3, v1;
	[tilespmem:s18+$0xA300] =	vst v2  }
0x98: {  	s4 =	sadd.s32 s11, s15;
	s15 =	simm.s32 $0x0  }
0x99: {  	[hbm4b:s4+s15] =	stream.linear.scatter [tilespmem:s19], [sflag:$0x4], $0x50, $0x38;
	[tilespmem:$0xE480] =	vst v63  }
0x9a: {  	_ =	swait.ge [sflag:s20], $0x50  }
0x9b: {  	[sflag:s20] =	ssyncset.done $0x0  }
0x9c: {  	[sflag:s20] =	ssyncadd.s32 $0xFFFFFFB0  }
0x9d: {  	_ =	swait.ge [sflag:s21], $0x2800  }
0x9e: {  	[sflag:s21] =	ssyncset.done $0x0  }
0x9f: {  	[sflag:s21] =	ssyncadd.s32 $0xFFFFD800  }
0xa0: {  	_ =	swait.ge [sflag:s21], $0x2800  }
0xa1: {  	[sflag:s21] =	ssyncset.done $0x0  }
0xa2: {  	s16 =	simm.s32 $0x0;
	[sflag:s21] =	ssyncadd.s32 $0xFFFFD800  }
.LBB2_7:
0xa3: {  	s17 =	sshll.u32 s16, $0x4;
	v2 =	vmov s15  }
0xa4: {  	s4 =	simm.s32 $0x1;
	v3 =	vmov s17;
	v2 =	vand.u32 $0x7C, v2  }
0xa5: {  	v4 =	vmov s4;
	v3 =	vshll.u32 v3, $0x7;
	v2 =	vbroadcast v2, $0x0  }
0xa6: {  	s10 =	simm.s32 $0x2;
	v4 =	vand.u32 $0x7D, v4;
	v3 =	vor.u32 v0, v3  }
0xa7: {  	v5 =	vmov s10;
	v4 =	vbroadcast v4, $0x0;
	v6 =	vor.u32 v3, v2  }
0xa8: {  	s10 =	simm.s32 $0xA480;
	v5 =	vand.u32 $0x7E, v5  }
0xa9: {  	s18 =	simm.s32 $0x3;
	v8 =	vld [tilespmem:s10+$0xFFFFFF80];
	v5 =	vbroadcast v5, $0x0;
	v4 =	vor.u32 v3, v4  }
0xaa: {  	v7 =	vmov s18;
	v9 =	vld [tilespmem:s10+$0xFFFFFF00]  }
0xab: {  	v7 =	vand.u32 $0x7F, v7;
	v17 =	vld [tilespmem:s10+$0x80];
	v5 =	vor.u32 v3, v5  }
0xac: {  	v7 =	vbroadcast v7, $0x0;
	v10 =	vld.idx.msk [tilespmem:v6+s0+$0x0], $0xffff  }
0xad: {  	v6 =	vld.idx.msk [tilespmem:v6+s2+$0x0], $0xffff  }
0xae: {  	s23 =	simm.s32 $0x4;
	v7 =	vor.u32 v3, v7;
	v11 =	vld.idx.msk [tilespmem:v4+s0+$0x0], $0xffff  }
0xaf: {  	s26 =	simm.s32 $0x5;
	v12 =	vmov s23;
	v4 =	vld.idx.msk [tilespmem:v4+s2+$0x0], $0xffff  }
0xb0: {  	v14 =	vmov s26;
	v12 =	vand.u32 $0x7C, v12;
	v13 =	vld.idx.msk [tilespmem:v5+s0+$0x0], $0xffff  }
0xb1: {  	s18 =	simm.s32 $0x6;
	v12 =	vbroadcast v12, $0x0;
	v16 =	vld.idx.msk [tilespmem:v5+s2+$0x0], $0xffff;
	v5 =	vand.u32 $0x7D, v14  }
0xb2: {  	v15 =	vmov s18;
	v19 =	vld [tilespmem:s10+$0x0];
	v5 =	vbroadcast v5, $0x0  }
0xb3: {  	v12 =	vor.u32 v3, v12;
	v14 =	vand.u32 $0x7E, v15;
	v15 =	vld.idx.msk [tilespmem:v7+s0+$0x0], $0xffff;
	v6 =	vadd.f32 v6, v10  }
0xb4: {  	v20 =	vimm.f32 $0.0e+00;
	s18 =	simm.s32 $0x7;
	v7 =	vld.idx.msk [tilespmem:v7+s2+$0x0], $0xffff;
	v14 =	vbroadcast v14, $0x0;
	v18 =	vor.u32 v3, v5  }
0xb5: {  	s10 =	simm.s32 $0xA680;
	v2 =	vld [tilespmem:s17+$0x280];
	v10 =	vmov s18;
	v11 =	vadd.f32 v4, v11;
	v6 =	vmax.f32 v6, $0.0e+00  }
0xb6: {  	v5 =	vld [tilespmem:s10+$0xFFFFFF80];
	v21 =	vand.u32 $0x7F, v10;
	v10 =	vor.u32 v3, v14;
	v9 =	vmul.f32 v6, v9  }
0xb7: {  	v4 =	vld [tilespmem:s10+$0xFFFFFF00];
	v13 =	vadd.f32 v16, v13;
	v14 =	vbroadcast v21, $0x0;
	v11 =	vmax.f32 v11, $0.0e+00  }
0xb8: {  	v6 =	vld.idx.msk [tilespmem:v12+s0+$0x0], $0xffff;
	v11 =	vmul.f32 v11, v8;
	v9 =	vadd.f32 v9, v20  }
0xb9: {  	v15 =	vadd.f32 v7, v15;
	v13 =	vmax.f32 v13, $0.0e+00;
	v8 =	vld.idx.msk [tilespmem:v12+s2+$0x0], $0xffff;
	v12 =	vor.u32 v3, v14  }
0xba: {  	s23 =	simm.s32 $0x8;
	s26 =	simm.s32 $0xB;
	v7 =	vld.idx.msk [tilespmem:v18+s0+$0x0], $0xffff;
	v19 =	vmul.f32 v13, v19;
	v14 =	vadd.f32 v11, v9  }
0xbb: {  	v15 =	vmax.f32 v15, $0.0e+00;
	v13 =	vmov s26;
	v9 =	vmov s23;
	v11 =	vld.idx.msk [tilespmem:v18+s2+$0x0], $0xffff  }
0xbc: {  	s4 =	simm.s32 $0x9;
	s18 =	simm.s32 $0xC;
	v15 =	vmul.f32 v15, v17;
	s23 =	simm.s32 $0xA;
	v16 =	vand.u32 $0x7C, v9;
	v9 =	vld.idx.msk [tilespmem:v10+s0+$0x0], $0xffff;
	v14 =	vadd.f32 v19, v14  }
.LBB2_8:
0xbd: {  	p0 =	sne.s32 s18, $0x7C;
	v16 =	vbroadcast v16, $0x0;
	v17 =	vmov s4;
	v18 =	vmov s23;
	v19 =	vld.idx.msk [tilespmem:v10+s2+$0x0], $0xffff  }
0xbe: {  	v10 =	vand.u32 $0x7D, v17;
	v17 =	vand.u32 $0x7E, v18;
	v18 =	vld.idx.msk [tilespmem:v12+s0+$0x0], $0xffff;
	v14 =	vadd.f32 v15, v14  }
0xbf: {  	v6 =	vadd.f32 v8, v6;
	v15 =	vor.u32 v3, v16;
	v10 =	vbroadcast v10, $0x0;
	v16 =	vld.idx.msk [tilespmem:v12+s2+$0x0], $0xffff  }
0xc0: {  	v8 =	vbroadcast v17, $0x0;
	v12 =	vand.u32 $0x7F, v13;
	v17 =	vld [tilespmem:s10+$0x80]  }
0xc1: {  	v6 =	vmax.f32 v6, $0.0e+00;
	v7 =	vadd.f32 v11, v7;
	v20 =	vor.u32 v3, v10;
	v11 =	vld [tilespmem:s10+$0x0];
	s10 =	sadd.s32 $0x200, s10  }
0xc2: {  	v12 =	vbroadcast v12, $0x0;
	v13 =	vmul.f32 v6, v4;
	v21 =	vld [tilespmem:s10+$0xFFFFFF80]  }
0xc3: {  	v10 =	vor.u32 v3, v8;
	v7 =	vmax.f32 v7, $0.0e+00;
	v9 =	vadd.f32 v19, v9;
	v4 =	vld [tilespmem:s10+$0xFFFFFF00]  }
.Ltmp2:
0xc4: {  	v13 =	vadd.f32 v13, v14;
	v22 =	vmul.f32 v7, v5;
	v6 =	vld.idx.msk [tilespmem:v15+s0+$0x0], $0xffff;
	(pc) =	sbr.rel @p0 .LBB2_8-.Ltmp2, $4  }
0xc5: {  	v12 =	vor.u32 v3, v12;
	v9 =	vmax.f32 v9, $0.0e+00;
	v14 =	vadd.f32 v16, v18;
	v8 =	vld.idx.msk [tilespmem:v15+s2+$0x0], $0xffff  }
0xc6: {  	s4 =	sadd.s32 $0x3, s18;
	v15 =	vadd.f32 v22, v13;
	v7 =	vld.idx.msk [tilespmem:v20+s0+$0x0], $0xffff;
	v18 =	vmul.f32 v9, v11  }
0xc7: {  	v13 =	vmov s4;
	v9 =	vmov s18;
	v19 =	vmax.f32 v14, $0.0e+00;
	v11 =	vld.idx.msk [tilespmem:v20+s2+$0x0], $0xffff;
	v5 =	vmovc v21  }
0xc8: {  	s23 =	sadd.s32 $0x2, s18;
	s4 =	sadd.s32 $0x1, s18;
	s18 =	sadd.s32 $0x4, s18;
	v16 =	vand.u32 $0x7C, v9;
	v9 =	vld.idx.msk [tilespmem:v10+s0+$0x0], $0xffff;
	v14 =	vadd.f32 v18, v15;
	v15 =	vmul.f32 v19, v17  }
0xc9: {  	_ =	sdelay $0x3  }
0xca: {  	v16 =	vbroadcast v16, $0x0;
	v17 =	vmov s4;
	v10 =	vld.idx.msk [tilespmem:v10+s2+$0x0], $0xffff  }
0xcb: {  	v18 =	vld.idx.msk [tilespmem:v12+s0+$0x0], $0xffff;
	v17 =	vand.u32 $0x7D, v17  }
0xcc: {  	v19 =	vmov s23;
	v42 =	vld.idx.msk [tilespmem:v12+s2+$0x0], $0xffff;
	v16 =	vor.u32 v3, v16;
	v17 =	vbroadcast v17, $0x0  }
0xcd: {  	v20 =	vld [tilespmem:s10+$0x80];
	v19 =	vand.u32 $0x7E, v19  }
0xce: {  	v21 =	vld [tilespmem:s10+$0x0];
	s26 =	sadd.s32 $0x200, s10;
	v19 =	vbroadcast v19, $0x0;
	v17 =	vor.u32 v3, v17  }
0xcf: {  	v43 =	vand.u32 $0x7F, v13;
	v6 =	vadd.f32 v8, v6;
	v44 =	vld [tilespmem:s26+$0xFFFFFF80]  }
0xd0: {  	v8 =	vbroadcast v43, $0x0;
	v22 =	vld [tilespmem:s26+$0xFFFFFF00];
	v19 =	vor.u32 v3, v19  }
0xd1: {  	v6 =	vmax.f32 v6, $0.0e+00;
	v7 =	vadd.f32 v11, v7;
	v45 =	vld.idx.msk [tilespmem:v16+s0+$0x0], $0xffff  }
0xd2: {  	v14 =	vadd.f32 v15, v14;
	v4 =	vmul.f32 v6, v4;
	v3 =	vor.u32 v3, v8;
	v46 =	vld.idx.msk [tilespmem:v16+s2+$0x0], $0xffff  }
0xd3: {  	v7 =	vmax.f32 v7, $0.0e+00;
	v47 =	vadd.f32 v10, v9;
	v48 =	vld.idx.msk [tilespmem:v17+s0+$0x0], $0xffff  }
0xd4: {  	v4 =	vadd.f32 v4, v14;
	v5 =	vmul.f32 v7, v5;
	v49 =	vld.idx.msk [tilespmem:v17+s2+$0x0], $0xffff  }
0xd5: {  	v50 =	vadd.f32 v42, v18;
	v8 =	vmax.f32 v47, $0.0e+00;
	v51 =	vld.idx.msk [tilespmem:v19+s0+$0x0], $0xffff  }
0xd6: {  	v4 =	vadd.f32 v5, v4;
	v52 =	vmul.f32 v8, v21;
	v53 =	vld.idx.msk [tilespmem:v19+s2+$0x0], $0xffff  }
0xd7: {  	v10 =	vmax.f32 v50, $0.0e+00;
	v54 =	vld.idx.msk [tilespmem:v3+s0+$0x0], $0xffff;
	v6 =	vadd.f32 v46, v45  }
0xd8: {  	v55 =	vmul.f32 v10, v20;
	v3 =	vld.idx.msk [tilespmem:v3+s2+$0x0], $0xffff;
	v4 =	vadd.f32 v52, v4  }
0xd9: {  	v56 =	vld [tilespmem:s26+$0x0];
	v6 =	vmax.f32 v6, $0.0e+00;
	v7 =	vadd.f32 v49, v48  }
0xda: {  	v4 =	vadd.f32 v55, v4;
	v57 =	vmul.f32 v6, v22  }
0xdb: {  	v58 =	vld [tilespmem:s26+$0x80];
	v8 =	vadd.f32 v53, v51;
	v7 =	vmax.f32 v7, $0.0e+00  }
0xdc: {  	v4 =	vadd.f32 v57, v4;
	v59 =	vmul.f32 v7, v44  }
0xdd: {  	v3 =	vadd.f32 v3, v54;
	v60 =	vmax.f32 v8, $0.0e+00  }
0xde: {  	v61 =	vmul.f32 v60, v56;
	v4 =	vadd.f32 v59, v4  }
0xdf: {  	v62 =	vld [tilespmem:$0xE380];
	v3 =	vmax.f32 v3, $0.0e+00  }
0xe0: {  	v3 =	vmul.f32 v3, v58;
	v4 =	vadd.f32 v61, v4;
	_ =	sdelay $0x1  }
0xe1: {  	v3 =	vadd.f32 v3, v4;
	_ =	sdelay $0x1  }
0xe2: {  	v3 =	vadd.f32 v62, v3;
	_ =	sdelay $0x1  }
0xe3: {  	v3 =	vsub.f32 $0.0e+00, v3;
	_ =	sdelay $0x1  }
0xe4: {  	v3 =	vmul.f32 $1.442695020e+00, v3;
	_ =	sdelay $0x1  }
0xe5: {  	(erf) = vpow2.f32 v3;
	_ =	sdelay $0x8  }
0xe6: {  	v3 =	vpop (erf)  }
0xe7: {  	v3 =	vadd.f32 $1.000000000e+00, v3;
	_ =	sdelay $0x1  }
0xe8: {  	(erf) = vrcp.f32 v3;
	_ =	sdelay $0x8  }
0xe9: {  	s16 =	sadd.s32 $0x1, s16;
	v3 =	vpop (erf)  }
0xea: {  	p0 =	sne.s32 s16, $0x5;
	v2 =	vmul.f32 v3, v2  }
.Ltmp3:
0xeb: {  	_ = 	snop;
	(pc) =	sbr.rel @p0 .LBB2_7-.Ltmp3, $4  }
0xec: {  	v63 =	vand.u32 $0x7FFFFFFF, v2  }
0xed: {  	vm0 =	vgt.f32 v63, $1.000000050e-03  }
0xee: {  	v2 =	vnsel vm0, $0x0, v2  }
0xef: {  	v1 =	vadd.f32 v3, v1;
	[tilespmem:s17+$0xA300] =	vst v2  }
0xf0: {  	s4 =	sadd.s32 s14, s12;
	s13 =	sadd.s32 $0x1, s13  }
0xf1: {  	s4 =	sshrl.u32 s4, $0x3;
	p0 =	sne.s32 s13, $0x3E  }
.Ltmp4:
0xf2: {  	s18 =	simm.s32 $0x0;
	s4 =	sadd.s32 s11, s4;
	(pc) =	sbr.rel @p0 .LBB2_2-.Ltmp4, $4  }
0xf3: {  	[hbm4b:s4+s18] =	stream.linear.scatter [tilespmem:s19], [sflag:$0x4], $0x50, $0x38;
	[tilespmem:$0xE480] =	vst v63  }
0xf4: {  	_ =	swait.ge [sflag:s20], $0x50  }
0xf5: {  	[sflag:s20] =	ssyncset.done $0x0  }
0xf6: {  	[sflag:s20] =	ssyncadd.s32 $0xFFFFFFB0  }
0xf7: {  	s13 =	simm.s32 $0x0;
	s4 =	rddreg [dreg:$0x5]  }
0xf8: {  	[tilespmem:s13], [sflag:$0x4] =	stream.linear.gather [hbm4b:s4+s13], $0x50, $0x38;
	[tilespmem:$0xE480] =	vst v63  }
0xf9: {  	_ =	swait.ge [sflag:s20], $0x50  }
0xfa: {  	[sflag:s20] =	ssyncset.done $0x0  }
0xfb: {  	s23 =	rddreg [dreg:$0x6];
	[sflag:s20] =	ssyncadd.s32 $0xFFFFFFB0  }
0xfc: {  	[tilespmem:s22], [sflag:$0x4] =	stream.linear.gather [hbm4b:s23+s13], $0x50, $0x38;
	[tilespmem:$0xE480] =	vst v63  }
0xfd: {  	_ =	swait.ge [sflag:s20], $0x50  }
0xfe: {  	[sflag:s20] =	ssyncset.done $0x0  }
0xff: {  	s10 =	simm.s32 $0x100;
	s26 =	rddreg [dreg:$0x7];
	[sflag:s20] =	ssyncadd.s32 $0xFFFFFFB0  }
0x100: {  	[tilespmem:s10], [sflag:$0x4] =	stream.linear.gather [hbm4b:s26+s13], $0x50, $0x38;
	[tilespmem:$0xE480] =	vst v63  }
0x101: {  	_ =	swait.ge [sflag:s20], $0x50  }
0x102: {  	[sflag:s20] =	ssyncset.done $0x0  }
0x103: {  	[sflag:s20] =	ssyncadd.s32 $0xFFFFFFB0  }
0x104: {  	[tilespmem:s30], [sflag:$0x4] =	stream.indirect.gather [hbm4b:s5+s29], $0x80, s13, s29, $0xb8;
	[tilespmem:$0xE480] =	vst v63  }
0x105: {  	_ =	swait.ge [sflag:s20], $0x2800  }
0x106: {  	[sflag:s20] =	ssyncset.done $0x0  }
0x107: {  	[sflag:s20] =	ssyncadd.s32 $0xFFFFD800  }
0x108: {  	[tilespmem:s31], [sflag:$0x4] =	stream.indirect.gather [hbm4b:s6+s29], $0x80, s22, s29, $0xb8;
	[tilespmem:$0xE480] =	vst v63  }
0x109: {  	_ =	swait.ge [sflag:s20], $0x2800  }
0x10a: {  	[sflag:s20] =	ssyncset.done $0x0  }
0x10b: {  	s14 =	simm.s32 $0x0;
	[sflag:s20] =	ssyncadd.s32 $0xFFFFD800  }
.LBB2_12:
0x10c: {  	s15 =	sshll.u32 s14, $0x4;
	v2 =	vmov s13  }
0x10d: {  	s4 =	simm.s32 $0x1;
	v3 =	vmov s15;
	v2 =	vand.u32 $0x7C, v2  }
0x10e: {  	v4 =	vmov s4;
	v3 =	vshll.u32 v3, $0x7;
	v2 =	vbroadcast v2, $0x0  }
0x10f: {  	s16 =	simm.s32 $0x2;
	v4 =	vand.u32 $0x7D, v4;
	v3 =	vor.u32 v0, v3  }
0x110: {  	v5 =	vmov s16;
	v4 =	vbroadcast v4, $0x0;
	v6 =	vor.u32 v3, v2  }
0x111: {  	s10 =	simm.s32 $0xA480;
	v5 =	vand.u32 $0x7E, v5  }
0x112: {  	s17 =	simm.s32 $0x3;
	v8 =	vld [tilespmem:s10+$0xFFFFFF80];
	v5 =	vbroadcast v5, $0x0;
	v4 =	vor.u32 v3, v4  }
0x113: {  	v7 =	vmov s17;
	v9 =	vld [tilespmem:s10+$0xFFFFFF00]  }
0x114: {  	v17 =	vld [tilespmem:s10+$0x80];
	v7 =	vand.u32 $0x7F, v7;
	v5 =	vor.u32 v3, v5  }
0x115: {  	v7 =	vbroadcast v7, $0x0;
	v10 =	vld.idx.msk [tilespmem:v6+s30+$0x0], $0xffff  }
0x116: {  	v6 =	vld.idx.msk [tilespmem:v6+s31+$0x0], $0xffff  }
0x117: {  	s23 =	simm.s32 $0x4;
	v7 =	vor.u32 v3, v7;
	v11 =	vld.idx.msk [tilespmem:v4+s30+$0x0], $0xffff  }
0x118: {  	s26 =	simm.s32 $0x5;
	v12 =	vmov s23;
	v4 =	vld.idx.msk [tilespmem:v4+s31+$0x0], $0xffff  }
0x119: {  	v14 =	vmov s26;
	v12 =	vand.u32 $0x7C, v12;
	v13 =	vld.idx.msk [tilespmem:v5+s30+$0x0], $0xffff  }
0x11a: {  	s16 =	simm.s32 $0x6;
	v12 =	vbroadcast v12, $0x0;
	v16 =	vld.idx.msk [tilespmem:v5+s31+$0x0], $0xffff;
	v5 =	vand.u32 $0x7D, v14  }
0x11b: {  	v19 =	vld [tilespmem:s10+$0x0];
	v15 =	vmov s16;
	v5 =	vbroadcast v5, $0x0  }
0x11c: {  	v12 =	vor.u32 v3, v12;
	v14 =	vand.u32 $0x7E, v15;
	v15 =	vld.idx.msk [tilespmem:v7+s30+$0x0], $0xffff;
	v6 =	vadd.f32 v6, v10  }
0x11d: {  	v20 =	vimm.f32 $0.0e+00;
	s17 =	simm.s32 $0x7;
	v7 =	vld.idx.msk [tilespmem:v7+s31+$0x0], $0xffff;
	v14 =	vbroadcast v14, $0x0;
	v18 =	vor.u32 v3, v5  }
0x11e: {  	s10 =	simm.s32 $0xA680;
	v2 =	vld [tilespmem:s15+$0x100];
	v10 =	vmov s17;
	v11 =	vadd.f32 v4, v11;
	v6 =	vmax.f32 v6, $0.0e+00  }
0x11f: {  	v5 =	vld [tilespmem:s10+$0xFFFFFF80];
	v21 =	vand.u32 $0x7F, v10;
	v10 =	vor.u32 v3, v14;
	v9 =	vmul.f32 v6, v9  }
0x120: {  	v4 =	vld [tilespmem:s10+$0xFFFFFF00];
	v13 =	vadd.f32 v16, v13;
	v14 =	vbroadcast v21, $0x0;
	v11 =	vmax.f32 v11, $0.0e+00  }
0x121: {  	v6 =	vld.idx.msk [tilespmem:v12+s30+$0x0], $0xffff;
	v11 =	vmul.f32 v11, v8;
	v9 =	vadd.f32 v9, v20  }
0x122: {  	v15 =	vadd.f32 v7, v15;
	v13 =	vmax.f32 v13, $0.0e+00;
	v8 =	vld.idx.msk [tilespmem:v12+s31+$0x0], $0xffff;
	v12 =	vor.u32 v3, v14  }
0x123: {  	s23 =	simm.s32 $0x8;
	s26 =	simm.s32 $0xB;
	v7 =	vld.idx.msk [tilespmem:v18+s30+$0x0], $0xffff;
	v19 =	vmul.f32 v13, v19;
	v14 =	vadd.f32 v11, v9  }
0x124: {  	v15 =	vmax.f32 v15, $0.0e+00;
	v13 =	vmov s26;
	v9 =	vmov s23;
	v11 =	vld.idx.msk [tilespmem:v18+s31+$0x0], $0xffff  }
0x125: {  	s4 =	simm.s32 $0x9;
	s16 =	simm.s32 $0xC;
	s17 =	simm.s32 $0xA;
	v15 =	vmul.f32 v15, v17;
	v16 =	vand.u32 $0x7C, v9;
	v9 =	vld.idx.msk [tilespmem:v10+s30+$0x0], $0xffff;
	v14 =	vadd.f32 v19, v14  }
.LBB2_13:
0x126: {  	p0 =	sne.s32 s16, $0x7C;
	v16 =	vbroadcast v16, $0x0;
	v17 =	vmov s4;
	v18 =	vmov s17;
	v19 =	vld.idx.msk [tilespmem:v10+s31+$0x0], $0xffff  }
0x127: {  	v10 =	vand.u32 $0x7D, v17;
	v17 =	vand.u32 $0x7E, v18;
	v18 =	vld.idx.msk [tilespmem:v12+s30+$0x0], $0xffff;
	v14 =	vadd.f32 v15, v14  }
0x128: {  	v6 =	vadd.f32 v8, v6;
	v15 =	vor.u32 v3, v16;
	v10 =	vbroadcast v10, $0x0;
	v16 =	vld.idx.msk [tilespmem:v12+s31+$0x0], $0xffff  }
0x129: {  	v8 =	vbroadcast v17, $0x0;
	v12 =	vand.u32 $0x7F, v13;
	v17 =	vld [tilespmem:s10+$0x80]  }
0x12a: {  	v6 =	vmax.f32 v6, $0.0e+00;
	v7 =	vadd.f32 v11, v7;
	v20 =	vor.u32 v3, v10;
	v11 =	vld [tilespmem:s10+$0x0];
	s10 =	sadd.s32 $0x200, s10  }
0x12b: {  	v12 =	vbroadcast v12, $0x0;
	v13 =	vmul.f32 v6, v4;
	v21 =	vld [tilespmem:s10+$0xFFFFFF80]  }
0x12c: {  	v10 =	vor.u32 v3, v8;
	v7 =	vmax.f32 v7, $0.0e+00;
	v9 =	vadd.f32 v19, v9;
	v4 =	vld [tilespmem:s10+$0xFFFFFF00]  }
.Ltmp5:
0x12d: {  	v13 =	vadd.f32 v13, v14;
	v22 =	vmul.f32 v7, v5;
	v6 =	vld.idx.msk [tilespmem:v15+s30+$0x0], $0xffff;
	(pc) =	sbr.rel @p0 .LBB2_13-.Ltmp5, $4  }
0x12e: {  	v12 =	vor.u32 v3, v12;
	v9 =	vmax.f32 v9, $0.0e+00;
	v14 =	vadd.f32 v16, v18;
	v8 =	vld.idx.msk [tilespmem:v15+s31+$0x0], $0xffff  }
0x12f: {  	s4 =	sadd.s32 $0x3, s16;
	v15 =	vadd.f32 v22, v13;
	v7 =	vld.idx.msk [tilespmem:v20+s30+$0x0], $0xffff;
	v18 =	vmul.f32 v9, v11  }
0x130: {  	v13 =	vmov s4;
	v9 =	vmov s16;
	v19 =	vmax.f32 v14, $0.0e+00;
	v11 =	vld.idx.msk [tilespmem:v20+s31+$0x0], $0xffff;
	v5 =	vmovc v21  }
0x131: {  	s17 =	sadd.s32 $0x2, s16;
	s4 =	sadd.s32 $0x1, s16;
	s16 =	sadd.s32 $0x4, s16;
	v16 =	vand.u32 $0x7C, v9;
	v9 =	vld.idx.msk [tilespmem:v10+s30+$0x0], $0xffff;
	v14 =	vadd.f32 v18, v15;
	v15 =	vmul.f32 v19, v17  }
0x132: {  	_ =	sdelay $0x3  }
0x133: {  	v16 =	vbroadcast v16, $0x0;
	v17 =	vmov s4;
	v10 =	vld.idx.msk [tilespmem:v10+s31+$0x0], $0xffff  }
0x134: {  	v18 =	vld.idx.msk [tilespmem:v12+s30+$0x0], $0xffff;
	v17 =	vand.u32 $0x7D, v17  }
0x135: {  	v19 =	vmov s17;
	v42 =	vld.idx.msk [tilespmem:v12+s31+$0x0], $0xffff;
	v16 =	vor.u32 v3, v16;
	v17 =	vbroadcast v17, $0x0  }
0x136: {  	v20 =	vld [tilespmem:s10+$0x80];
	v19 =	vand.u32 $0x7E, v19  }
0x137: {  	v21 =	vld [tilespmem:s10+$0x0];
	s26 =	sadd.s32 $0x200, s10;
	v19 =	vbroadcast v19, $0x0;
	v17 =	vor.u32 v3, v17  }
0x138: {  	v43 =	vand.u32 $0x7F, v13;
	v6 =	vadd.f32 v8, v6;
	v44 =	vld [tilespmem:s26+$0xFFFFFF80]  }
0x139: {  	v8 =	vbroadcast v43, $0x0;
	v22 =	vld [tilespmem:s26+$0xFFFFFF00];
	v19 =	vor.u32 v3, v19  }
0x13a: {  	v6 =	vmax.f32 v6, $0.0e+00;
	v7 =	vadd.f32 v11, v7;
	v45 =	vld.idx.msk [tilespmem:v16+s30+$0x0], $0xffff  }
0x13b: {  	v14 =	vadd.f32 v15, v14;
	v4 =	vmul.f32 v6, v4;
	v3 =	vor.u32 v3, v8;
	v46 =	vld.idx.msk [tilespmem:v16+s31+$0x0], $0xffff  }
0x13c: {  	v7 =	vmax.f32 v7, $0.0e+00;
	v47 =	vadd.f32 v10, v9;
	v48 =	vld.idx.msk [tilespmem:v17+s30+$0x0], $0xffff  }
0x13d: {  	v4 =	vadd.f32 v4, v14;
	v5 =	vmul.f32 v7, v5;
	v49 =	vld.idx.msk [tilespmem:v17+s31+$0x0], $0xffff  }
0x13e: {  	v50 =	vadd.f32 v42, v18;
	v8 =	vmax.f32 v47, $0.0e+00;
	v51 =	vld.idx.msk [tilespmem:v19+s30+$0x0], $0xffff  }
0x13f: {  	v4 =	vadd.f32 v5, v4;
	v52 =	vmul.f32 v8, v21;
	v53 =	vld.idx.msk [tilespmem:v19+s31+$0x0], $0xffff  }
0x140: {  	v10 =	vmax.f32 v50, $0.0e+00;
	v54 =	vld.idx.msk [tilespmem:v3+s30+$0x0], $0xffff;
	v6 =	vadd.f32 v46, v45  }
0x141: {  	v55 =	vmul.f32 v10, v20;
	v3 =	vld.idx.msk [tilespmem:v3+s31+$0x0], $0xffff;
	v4 =	vadd.f32 v52, v4  }
0x142: {  	v56 =	vld [tilespmem:s26+$0x0];
	v6 =	vmax.f32 v6, $0.0e+00;
	v7 =	vadd.f32 v49, v48  }
0x143: {  	v4 =	vadd.f32 v55, v4;
	v57 =	vmul.f32 v6, v22  }
0x144: {  	v58 =	vld [tilespmem:s26+$0x80];
	v8 =	vadd.f32 v53, v51;
	v7 =	vmax.f32 v7, $0.0e+00  }
0x145: {  	v4 =	vadd.f32 v57, v4;
	v59 =	vmul.f32 v7, v44  }
0x146: {  	v3 =	vadd.f32 v3, v54;
	v60 =	vmax.f32 v8, $0.0e+00  }
0x147: {  	v61 =	vmul.f32 v60, v56;
	v4 =	vadd.f32 v59, v4  }
0x148: {  	v62 =	vld [tilespmem:$0xE380];
	v3 =	vmax.f32 v3, $0.0e+00  }
0x149: {  	v3 =	vmul.f32 v3, v58;
	v4 =	vadd.f32 v61, v4;
	_ =	sdelay $0x1  }
0x14a: {  	v3 =	vadd.f32 v3, v4;
	_ =	sdelay $0x1  }
0x14b: {  	v3 =	vadd.f32 v62, v3;
	_ =	sdelay $0x1  }
0x14c: {  	v3 =	vsub.f32 $0.0e+00, v3;
	_ =	sdelay $0x1  }
0x14d: {  	v3 =	vmul.f32 $1.442695020e+00, v3;
	_ =	sdelay $0x1  }
0x14e: {  	(erf) = vpow2.f32 v3;
	_ =	sdelay $0x8  }
0x14f: {  	v3 =	vpop (erf)  }
0x150: {  	v3 =	vadd.f32 $1.000000000e+00, v3;
	_ =	sdelay $0x1  }
0x151: {  	(erf) = vrcp.f32 v3;
	_ =	sdelay $0x8  }
0x152: {  	s14 =	sadd.s32 $0x1, s14;
	v3 =	vpop (erf)  }
0x153: {  	p0 =	sne.s32 s14, $0x5;
	v2 =	vmul.f32 v3, v2  }
.Ltmp6:
0x154: {  	_ = 	snop;
	(pc) =	sbr.rel @p0 .LBB2_12-.Ltmp6, $4  }
0x155: {  	v63 =	vand.u32 $0x7FFFFFFF, v2  }
0x156: {  	vm0 =	vgt.f32 v63, $1.000000050e-03  }
0x157: {  	v2 =	vnsel vm0, $0x0, v2  }
0x158: {  	v1 =	vadd.f32 v3, v1;
	[tilespmem:s15+$0xA300] =	vst v2  }
0x159: {  	s4 =	rddreg [dreg:$0x8]  }
0x15a: {  	[hbm4b:s4+s18] =	stream.linear.scatter [tilespmem:s19], [sflag:$0x4], $0x50, $0x38;
	[tilespmem:$0xE480] =	vst v63  }
0x15b: {  	_ =	swait.ge [sflag:s20], $0x50  }
0x15c: {  	[sflag:s20] =	ssyncset.done $0x0  }
0x15d: {  	[sflag:s20] =	ssyncadd.s32 $0xFFFFFFB0  }
0x15e: {  	s10 =	simm.s32 $0xE400;
	s17 =	rddreg [dreg:$0x9];
	[tilespmem:$0xE400] =	vst v1  }
0x15f: {  	[hbm4b:s17+s18] =	stream.linear.scatter [tilespmem:s10], [sflag:$0x4], $0x80, $0x38;
	[tilespmem:$0xE480] =	vst v63  }
0x160: {  	_ =	swait.ge [sflag:s20], $0x80  }
0x161: {  	s23 =	rddreg [dreg:$0xb]  }
0x162: {  	s26 =	rddreg [dreg:$0xa];
	s10 =	sadd.s32 $0x1, s23  }
0x163: {  	p0 =	sne.s32 s10, s26  }
.Ltmp7:
0x164: {  	_ = 	snop;
	(pc) =	sbr.rel @p0 .LBB2_1-.Ltmp7, $3  }
0x165: {  	_ =	sdelay $0x1  }
0x166: {  	[sflag:s20] =	ssyncset.done $0x0  }
0x167: {  	[sflag:s20] =	ssyncadd.s32 $0xFFFFFF80  }
0x168: {  	_ =	sfence.sel $0x180000  }
0x169: {  	[bflag:$0x0] =	sbarrier.arrive $0xFFFF  }
0x16a: {  	_ =	strace $0x9000004A  }
0x16b: {  	s0 =	stileid.u32;
	[bflag:$0x2] =	sbarrier.arrive $0xFFFF  }
0x16c: {  	p0 =	sne.s32 s0, $0x0;
	s0 =	rddreg [dreg:$0x3]  }
0x16d: {  	s0 =	sadd.s32 @!p0 $0x100000, s0  }
0x16e: {  	[sflag:s0] =	ssyncadd.tile.s32 @!p0 $0x1;
	_ =	shalt  }
.Lfunc_end2:
_tile_overlayer_lowered:
.L_overlay_start_2:
0x16f: {  	(tag) =	ssettag $0x2  }
0x170: {  	s0 =	rddreg [dreg:$0x0];
	s2 =	stileid.u32  }
0x171: {  	s1 =	rddreg [dreg:$0x1];
	p0 =	sne.s32 s2, $0x0  }
0x172: {  	s3 =	rddreg [dreg:$0x2];
	[bflag:$0x3] =	sbarrier.arrive $0xFFFF;
	s2 =	simm.s32 @!p0 $0x1C04  }
0x173: {  	[timem:s3], [sflag:s2] =	dma.local @!p0 [hbm:s0], s1  }
0x174: {  	s0 =	simm.s32 @!p0 $0x4  }
0x175: {  	_ =	swait.ge @!p0 [sflag:s0], s1  }
0x176: {  	s1 =	ssub.s32 @!p0 $0x0, s1;
	[sflag:s0] =	ssyncset.done @!p0 $0x0  }
0x177: {  	[sflag:s0] =	ssyncadd.s32 @!p0 s1  }
0x178: {  	[bflag:$0x3] =	sbarrier.arrive $0xFFFF  }
0x179: {  	_ =	shalt  }

// kernel: kernel.14.cloned.1.call-start
scs
__scs_entry_jumppad:
0x0: {  	(pc) =	sbr.rel $0x88, $3  }
0x1: {  	(tag) =	ssettag $0x0;
	lr =	simm.s32 $0x1  }
0x2: {  	[smem:$0x3F8F] =	sst lr;
	_ =	strace $0xD0000000  }
0x3: {  	_ = 	snop  }
0x4: {  	_ = 	snop  }
0x5: {  	_ = 	snop  }
0x6: {  	_ = 	snop  }
0x7: {  	_ = 	snop  }
__scs_overlays_trampoline_lowered:
0x8: {  	[smem:$0x3F9E] =	sst s0  }
0x9: {  	[smem:$0x3F9F] =	sst s1  }
0xa: {  	[smem:$0x3FA0] =	sst s2  }
0xb: {  	[smem:$0x3FA1] =	sst s3  }
0xc: {  	[smem:$0x3FA2] =	sst s4  }
0xd: {  	[smem:$0x3FA3] =	sst s5  }
0xe: {  	[smem:$0x3FA4] =	sst s6  }
0xf: {  	[smem:$0x3FA5] =	sst s7  }
0x10: {  	[smem:$0x3FA6] =	sst s8  }
0x11: {  	[smem:$0x3FA7] =	sst s9;
	s0 =	simm.s32 @!p0 $0x0  }
0x12: {  	s1 =	sld [smem:$0x3F8D];
	s0 =	simm.s32 @p0 $0x1  }
0x13: {  	[smem:$0x3FA8] =	sst s0;
	s0 =	simm.s32 @!p1 $0x0  }
0x14: {  	s2 =	sld [smem:$0x3F8C];
	s0 =	simm.s32 @p1 $0x1  }
0x15: {  	[smem:$0x3FA9] =	sst s0;
	s0 =	simm.s32 @!p2 $0x0  }
0x16: {  	s3 =	sld [smem:$0x3FDB];
	s0 =	simm.s32 @p2 $0x1  }
0x17: {  	s4 =	simm.s32 $0x1BF5;
	[smem:$0x3FAB] =	sst s0  }
0x18: {  	s0 =	sld [smem:$0x3F8E];
	_ =	swait.ge [sflag:s4], $0x0  }
0x19: {  	s7 =	sld [smem:$0x3F8F]  }
0x1a: {  	s8 =	sadd.s32 $0xFFFFE003, lr  }
0x1b: {  	s9 =	sadd.s32 $0xFFFFFEF7, lr;
	s5 =	simm.s32 $0xFFFFFFFF;
	p2 =	slt.u32 s8, $0xFFFFF086  }
0x1c: {  	p1 =	slt.u32 s9, $0xF7A;
	s5 =	simm.s32 @!p2 $0x0  }
0x1d: {  	s5 =	simm.s32 @p1 $0x1;
	p0 =	seq.s32 s7, s2  }
0x1e: {  	s7 =	smul.u32 @!p0 $0xF7A, s2;
	p2 =	seq.s32 @!p0 s5, $0x0  }
0x1f: {  	s9 =	smul.u32 $0xF7A, s1;
	s8 =	simm.s32 @!p0 $0x1BF5;
	p2 =	por !p2, p0  }
0x20: {  	[sflag:s8] =	ssyncset.s32 @!p0 $0xFFFFF086;
	s6 =	sadd.s32 @!p0 s3, s7;
	s7 =	simm.s32 @!p0 $0x108  }
0x21: {  	s3 =	sadd.s32 s3, s9;
	s6 =	sadd.s32 @!p0 $0x88, s6;
	s7 =	simm.s32 @p2 $0x1082  }
0x22: {  	[simem:s7], [sflag:s8] =	dma.local @!p0 [hbm:s6], $0xF7A  }
0x23: {  	s9 =	sor.u32 $0xD0000000, s2;
	s6 =	simm.s32 $0x108;
	_ =	swait.ge @!p0 [sflag:s8], $0x0  }
0x24: {  	s3 =	sadd.s32 $0x88, s3;
	s6 =	simm.s32 @!p1 $0x1082;
	[sflag:s4] =	ssyncset.s32 $0xFFFFF086  }
0x25: {  	[simem:s6], [sflag:s4] =	dma.local [hbm:s3], $0xF7A  }
0x26: {  	[smem:$0x3F8F] =	sst s1;
	(tag) =	ssettag s2;
	_ =	strace s9  }
0x27: {  	s1 =	sld [smem:$0x3F9F]  }
0x28: {  	s2 =	sld [smem:$0x3FA0]  }
0x29: {  	s4 =	sld [smem:$0x3FA2]  }
0x2a: {  	p0 =	seq.s32 s5, $0x0;
	s5 =	sld [smem:$0x3FA3]  }
0x2b: {  	s6 =	sld [smem:$0x3FA4]  }
0x2c: {  	s7 =	sld [smem:$0x3FA5]  }
0x2d: {  	s3 =	simm.s32 $0x108;
	s8 =	sld [smem:$0x3FA6]  }
0x2e: {  	s3 =	simm.s32 @!p0 $0x1082;
	s9 =	sld [smem:$0x3FA7]  }
0x2f: {  	lr =	sadd.s32 s0, s3;
	s0 =	sld [smem:$0x3F9E]  }
0x30: {  	s3 =	sld [smem:$0x3FA1]  }
0x31: {  	[smem:$0x3FAA] =	sst s10  }
0x32: {  	s10 =	sld [smem:$0x3FA8];
	_ =	sdelay $0x3  }
0x33: {  	p0 =	seq.s32 s10, $0x1;
	s10 =	sld [smem:$0x3FAA];
	_ =	sdelay $0x3  }
0x34: {  	[smem:$0x3FAA] =	sst s10  }
0x35: {  	s10 =	sld [smem:$0x3FA9];
	_ =	sdelay $0x3  }
0x36: {  	p1 =	seq.s32 s10, $0x1;
	s10 =	sld [smem:$0x3FAA];
	_ =	sdelay $0x3  }
0x37: {  	[smem:$0x3FAA] =	sst s10  }
0x38: {  	s10 =	sld [smem:$0x3FAB]  }
0x39: {  	_ = 	snop;
	(pc) =	sbr.ind lr, $3  }
0x3a: {  	_ = 	snop  }
0x3b: {  	_ = 	snop  }
0x3c: {  	p2 =	seq.s32 s10, $0x1;
	s10 =	sld [smem:$0x3FAA]  }
0x3d: {  	_ =	shalt  }
0x3e: {  	_ =	shalt  }
0x3f: {  	_ =	shalt  }
0x40: {  	_ =	shalt  }
0x41: {  	_ =	shalt  }
0x42: {  	_ =	shalt  }
0x43: {  	_ =	shalt  }
0x44: {  	_ =	shalt  }
0x45: {  	_ =	shalt  }
0x46: {  	_ =	shalt  }
0x47: {  	_ =	shalt  }
0x48: {  	_ =	shalt  }
0x49: {  	_ =	shalt  }
0x4a: {  	_ =	shalt  }
0x4b: {  	_ =	shalt  }
0x4c: {  	_ =	shalt  }
0x4d: {  	_ =	shalt  }
0x4e: {  	_ =	shalt  }
0x4f: {  	_ =	shalt  }
0x50: {  	_ =	shalt  }
0x51: {  	_ =	shalt  }
0x52: {  	_ =	shalt  }
0x53: {  	_ =	shalt  }
0x54: {  	_ =	shalt  }
0x55: {  	_ =	shalt  }
0x56: {  	_ =	shalt  }
0x57: {  	_ =	shalt  }
0x58: {  	_ =	shalt  }
0x59: {  	_ =	shalt  }
0x5a: {  	_ =	shalt  }
0x5b: {  	_ =	shalt  }
0x5c: {  	_ =	shalt  }
0x5d: {  	_ =	shalt  }
0x5e: {  	_ =	shalt  }
0x5f: {  	_ =	shalt  }
0x60: {  	_ =	shalt  }
0x61: {  	_ =	shalt  }
0x62: {  	_ =	shalt  }
0x63: {  	_ =	shalt  }
0x64: {  	_ =	shalt  }
0x65: {  	_ =	shalt  }
0x66: {  	_ =	shalt  }
0x67: {  	_ =	shalt  }
0x68: {  	_ =	shalt  }
0x69: {  	_ =	shalt  }
0x6a: {  	_ =	shalt  }
0x6b: {  	_ =	shalt  }
0x6c: {  	_ =	shalt  }
0x6d: {  	_ =	shalt  }
0x6e: {  	_ =	shalt  }
0x6f: {  	_ =	shalt  }
0x70: {  	_ =	shalt  }
0x71: {  	_ =	shalt  }
0x72: {  	_ =	shalt  }
0x73: {  	_ =	shalt  }
0x74: {  	_ =	shalt  }
0x75: {  	_ =	shalt  }
0x76: {  	_ =	shalt  }
0x77: {  	_ =	shalt  }
0x78: {  	_ =	shalt  }
0x79: {  	_ =	shalt  }
0x7a: {  	_ =	shalt  }
0x7b: {  	_ =	shalt  }
0x7c: {  	_ =	shalt  }
0x7d: {  	_ =	shalt  }
0x7e: {  	_ =	shalt  }
0x7f: {  	_ =	shalt  }
0x80: {  	_ =	shalt  }
0x81: {  	_ =	shalt  }
0x82: {  	_ =	shalt  }
0x83: {  	_ =	shalt  }
0x84: {  	_ =	shalt  }
0x85: {  	_ =	shalt  }
0x86: {  	_ =	shalt  }
0x87: {  	_ =	shalt  }
.Lfunc_end0:
.L_simem_size_0:
called_computation.2_lowered:
.L_overlay_start_0:
0x88: {  	s2 =	sld [smem:$0x3FD9]  }
0x89: {  	s3 =	sld [smem:$0x3FFE];
	_ =	sdelay $0x1  }
0x8a: {  	s1 =	srdreg.scid  }
0x8b: {  	s0 =	sand.u32 $0x1, s1  }
0x8c: {  	s16 =	sshll.u32 s0, $0xA;
	s2 =	sadd.s32 s3, s2  }
0x8d: {  	s2 =	sadd.s32 s2, s16  }
0x8e: {  	[smem:$0x3FB6] =	sst s2  }
0x8f: {  	_ = 	snop  }
0x90: {  	(tm) =	ssettm $0x1  }
0x91: {  	s17 =	sld [smem:$0x3FFB];
	_ =	sdelay $0x3  }
0x92: {  	_ =	strace s17  }
0x93: {  	s2 =	sld [smem:$0x3FFC];
	_ =	sdelay $0x3  }
0x94: {  	_ =	strace s2  }
0x95: {  	s2 =	sld [smem:$0x3FFD];
	_ =	sdelay $0x3  }
0x96: {  	_ =	strace s2  }
0x97: {  	_ =	strace $0x8FFFFFFF  }
0x98: {  	s18 =	sld [smem:$0x3FDB];
	_ =	sdelay $0x1  }
0x99: {  	s19 =	simm.s32 $_scs_section_size  }
0x9a: {  	s4 =	simm.s32 $_size__tile_overlayer_lowered;
	s5 =	simm.s32 $_tile_overlayer_lowered  }
0x9b: {  	s22 =	simm.s32 $0x1BFF;
	s21 =	sshll.u32 s5, $0x1;
	s2 =	sadd.s32 s19, s18  }
0x9c: {  	s6 =	simm.s32 $0x0;
	s20 =	sshll.u32 s4, $0x1;
	s4 =	sadd.s32 s21, s2  }
0x9d: {  	[timem:s6], [sflag:s22] =	dma.local [hbm:s4], s20  }
0x9e: {  	_ =	swait.ge [sflag:s22], s20  }
0x9f: {  	s3 =	ssub.s32 $0x0, s20;
	[sflag:s22] =	ssyncset.done $0x0  }
0xa0: {  	[sflag:s22] =	ssyncadd.s32 s3;
	_ =	sdelay $0x1  }
0xa1: {  	s23 =	simm.s32 $0x1B8B  }
0xa2: {  	_ =	swait.ge [sflag:s23], $0x1  }
0xa3: {  	[sflag:s23] =	ssyncset.done $0x0  }
0xa4: {  	s25 =	simm.s32 $0x1B8E;
	s24 =	sld [smem:$0x3FFE];
	[sflag:s23] =	ssyncadd.s32 $0xFFFFFFFF  }
0xa5: {  	s26 =	simm.s32 $execute0_lowered;
	[smem:$0x3FD2] =	sst s25  }
0xa6: {  	s4 =	sshll.u32 s26, $0x1;
	_ =	strace $0x8000004C;
	[dreg:$0x1] =	wrdreg $0xFFFFFFFF  }
0xa7: {  	s28 =	simm.s32 $_size_execute0_lowered;
	s2 =	sadd.s32 s2, s4;
	[dreg:$0x0] =	wrdreg $0x0  }
0xa8: {  	s4 =	sshll.u32 s28, $0x1;
	[dreg:$0x2] =	wrdreg s2  }
0xa9: {  	[dreg:$0x3] =	wrdreg s4  }
0xaa: {  	[dreg:$0x4] =	wrdreg $0xC0  }
0xab: {  	_ =	task [dreg:s6], $0x5FFFF  }
0xac: {  	[dreg:$0x1] =	wrdreg $0xFFFFFFFF  }
0xad: {  	[dreg:$0x0] =	wrdreg $0x60  }
0xae: {  	[dreg:$0x2] =	wrdreg s24  }
0xaf: {  	[dreg:$0x3] =	wrdreg $0x51800  }
0xb0: {  	[dreg:$0x4] =	wrdreg $0x9  }
0xb1: {  	_ =	task.clear_ibuf [dreg:s6], $0x5FFFF;
	_ =	strace $0x9000004C  }
0xb2: {  	s29 =	simm.s32 $0x9;
	_ =	strace $0x8000004E  }
0xb3: {  	_ =	swait.ge [sflag:s29], $0x1  }
0xb4: {  	[sflag:s29] =	ssyncadd.s32 $0xFFFFFFFF  }
0xb5: {  	_ =	strace $0x9000004E  }
0xb6: {  	_ =	sfence  }
0xb7: {  	s30 =	sld [smem:$0x0];
	_ =	sdelay $0x2  }
0xb8: {  	s31 =	sshll.u32 s1, $0xD;
	s1 =	sshrl.u32 s1, $0x2  }
0xb9: {  	s3 =	sand.u32 $0x4000, s31;
	s1 =	sadd.s32 s1, s30  }
0xba: {  	s0 =	sor.u32 s3, s0;
	s1 =	sshll.u32 s1, $0x11  }
0xbb: {  	s0 =	sor.u32 s1, s0  }
0xbc: {  	s0 =	sadd.s32 $0x8F2B, s0  }
0xbd: {  	[sflag:s0] =	ssyncadd.remote.s32 $0x1  }
0xbe: {  	_ =	sfence.sel $0xFFFF  }
0xbf: {  	[dreg:$0x0] =	wrdreg $0xFFFFFFFF;
	(pc) =	sbr.abs _section_cstart, $3  }
0xc0: {  	[dreg:$0x1] =	wrdreg $0xFFFFFFFF  }
0xc1: {  	_ =	task.clear_ibuf [dreg:s6], $0x2FFFF;
	_ =	strace $0x9FFFFFFF  }
0xc2: {  	(tm) =	ssettm $0x7FFFFFFF  }
0xc3: {  	_ =	shalt  }
tec
execute0_lowered:
.L_overlay_start_1:
0x0: {  	(tag) =	ssettag $0x1  }
0x1: {  	s8 =	rddreg [dreg:$0x0]  }
0x2: {  	s1 =	rddreg [dreg:$0x1]  }
0x3: {  	s0 =	rddreg [dreg:$0x2];
	s2 =	simm.s32 $0x0  }
0x4: {  	s5 =	srdreg.scid;
	s3 =	stileid.u32;
	s15 =	simm.s32 $0x1  }
0x5: {  	s16 =	simm.s32 $0x80;
	s17 =	simm.s32 $0x100;
	s18 =	simm.s32 $0x2980  }
0x6: {  	s19 =	simm.s32 $0x400;
	s20 =	simm.s32 $0x0;
	[smem:$0x7FF] =	sst s2  }
0x7: {  	s4 =	sadd.s32 $0x66C00, s8;
	s9 =	sand.u32 $0x1, s5;
	s5 =	sadd.s32 $0xEA00, s8  }
0x8: {  	s6 =	sshll.u32 s3, $0x1;
	s11 =	smul.u32 $0x14000, s3;
	s7 =	sshrl.u32 s3, $0x2  }
0x9: {  	_ =	strace $0x8000004D;
	s10 =	smul.u32 $0x140000, s9;
	s12 =	sor.u32 s9, s6  }
0xa: {  	s6 =	sadd.s32 $0x4C00, s8;
	s13 =	smul.u32 $0x14000, s7;
	s9 =	ssub.s32 $0x2, s9  }
0xb: {  	s7 =	sadd.s32 $0x8E000, s8;
	s14 =	sshll.u32 s12, $0x7;
	s31 =	sshrl.u32 s9, $0x1  }
0xc: {  	s10 =	sadd.s32 s11, s10;
	s28 =	sand.u32 $0x380, s14;
	s14 =	simm.s32 $0x180  }
0xd: {  	s10 =	sshrl.u32 s10, $0x3;
	s11 =	sor.u32 s13, s28;
	s13 =	simm.s32 $0x50  }
0xe: {  	s30 =	sshrl.u32 s11, $0x3;
	s11 =	ssub.s32 s9, s31;
	s9 =	smul.u32 $0x2710, s12  }
0xf: {  	s29 =	sadd.s32 s10, s8;
	s10 =	sadd.s32 s30, s8;
	s8 =	smul.u32 $0x280, s3  }
0x10: {  	v0 =	vimm.f32 $0.0e+00;
	v1 =	vlaneseq.u32;
	s11 =	smax.u32 s11, $0x1;
	s12 =	sadd.s32 $0x98000, s29;
	s10 =	sadd.s32 $0x18800, s10  }
.LBB2_1:
0x11: {  	s21 =	simm.s32 $0x0;
	s22 =	simm.s32 $0x200  }
.LBB2_2:
0x12: {  	p0 =	sne.s32 s22, $0x9E00;
	[tilespmem:s21+$0x1F0] =	vst v0  }
0x13: {  	[tilespmem:s21+$0x180] =	vst v0  }
0x14: {  	[tilespmem:s21+$0x190] =	vst v0  }
.Ltmp0:
0x15: {  	[tilespmem:s21+$0x1A0] =	vst v0;
	(pc) =	sbr.rel @p0 .LBB2_2-.Ltmp0, $4  }
0x16: {  	[tilespmem:s21+$0x1B0] =	vst v0  }
0x17: {  	[tilespmem:s21+$0x1C0] =	vst v0  }
0x18: {  	[tilespmem:s21+$0x1D0] =	vst v0  }
0x19: {  	[tilespmem:s21+$0x1E0] =	vst v0;
	s21 =	sshra.s32 s22, $0x2;
	s22 =	sadd.s32 $0x200, s22  }
0x1a: {  	[tilespmem:s21+$0x1F0] =	vst v0  }
0x1b: {  	[tilespmem:s21+$0x180] =	vst v0  }
0x1c: {  	[tilespmem:s21+$0x190] =	vst v0  }
0x1d: {  	[tilespmem:s21+$0x1A0] =	vst v0  }
0x1e: {  	[tilespmem:s21+$0x1B0] =	vst v0  }
0x1f: {  	[tilespmem:s21+$0x1C0] =	vst v0  }
0x20: {  	[tilespmem:s21+$0x1D0] =	vst v0  }
0x21: {  	[tilespmem:s21+$0x1E0] =	vst v0;
	s21 =	simm.s32 $0x40;
	s22 =	simm.s32 $0x0  }
.LBB2_4:
0x22: {  	p0 =	sne.s32 s21, $0x9FC0;
	[tilespmem:s22+$0x2980] =	vst v0;
	s22 =	smov.u32 s21;
	s21 =	sadd.s32 $0x40, s21  }
.Ltmp1:
0x23: {  	(pc) =	sbr.rel @p0 .LBB2_4-.Ltmp1, $2  }
0x24: {  	_ =	sdelay $0x2  }
0x25: {  	s22 =	sshra.s32 s22, $0x2  }
0x26: {  	s21 =	sadd.s32 $0x0, s8  }
0x27: {  	[tilespmem:s22+$0x2980] =	vst v0;
	v2 =	vor.u32 s21, v1;
	s31 =	sadd.s32 $0x40, s21  }
0x28: {  	s23 =	sadd.s32 $0x30, s21;
	[tilespmem:$0x0] =	vst v2;
	v2 =	vor.u32 s31, v1  }
0x29: {  	s24 =	sadd.s32 $0x20, s21;
	v3 =	vor.u32 s23, v1;
	[tilespmem:$0x40] =	vst v2  }
0x2a: {  	s22 =	sadd.s32 $0x10, s21;
	s21 =	simm.s32 $0x50;
	v2 =	vor.u32 s24, v1;
	[tilespmem:$0x30] =	vst v3  }
.LBB2_6:
0x2b: {  	p0 =	sne.s32 s21, $0x230;
	v3 =	vor.u32 s22, v1;
	[tilespmem:$0x20] =	vst v2  }
0x2c: {  	[tilespmem:$0x10] =	vst v3;
	[spmem:s1] =	stream.indirect.scatter [tilespmem:s14], [sflag:$0x1], $0x80, s2, s13, $0xb8  }
0x2d: {  	_ =	swait.ge [sflag:s15], $0x2800  }
.Ltmp2:
0x2e: {  	s22 =	sadd.s32 s21, s8;
	[sflag:s15] =	ssyncset.done $0x0;
	(pc) =	sbr.rel @p0 .LBB2_6-.Ltmp2, $4  }
0x2f: {  	v2 =	vor.u32 s22, v1;
	s23 =	sadd.s32 $0x40, s22;
	[sflag:s15] =	ssyncadd.s32 $0xFFFFD800  }
0x30: {  	s24 =	sadd.s32 $0x30, s22;
	[tilespmem:$0x0] =	vst v2;
	v2 =	vor.u32 s23, v1  }
0x31: {  	v3 =	vor.u32 s24, v1;
	s23 =	sadd.s32 $0x20, s22;
	[tilespmem:$0x40] =	vst v2  }
0x32: {  	s21 =	sadd.s32 $0x50, s21;
	s22 =	sadd.s32 $0x10, s22;
	v2 =	vor.u32 s23, v1;
	[tilespmem:$0x30] =	vst v3  }
0x33: {  	v3 =	vor.u32 s22, v1;
	[tilespmem:$0x20] =	vst v2  }
0x34: {  	[tilespmem:$0x10] =	vst v3  }
0x35: {  	[spmem:s1] =	stream.indirect.scatter [tilespmem:s14], [sflag:$0x1], $0x80, s2, s13, $0xb8;
	[tilespmem:$0x19180] =	vst v63  }
0x36: {  	_ =	swait.ge [sflag:s15], $0x2800  }
0x37: {  	[sflag:s15] =	ssyncset.done $0x0  }
0x38: {  	[sflag:s15] =	ssyncadd.s32 $0xFFFFD800  }
0x39: {  	s21 =	simm.s32 $0x0;
	s22 =	simm.s32 $0x0;
	[bflag:$0x0] =	sbarrier.arrive $0xFFFF  }
.LBB2_8:
0x3a: {  	s23 =	smul.u32 $0x50, s22;
	_ =	sdelay $0x1  }
0x3b: {  	s23 =	sadd.s32 s9, s23  }
0x3c: {  	s23 =	sshrl.u32 s23, $0x3  }
0x3d: {  	s24 =	sadd.s32 s5, s23  }
0x3e: {  	[tilespmem:s21], [sflag:$0x1] =	stream.linear.gather [hbm4b:s24+s21], $0x50, $0x38;
	[tilespmem:$0x19180] =	vst v63  }
0x3f: {  	_ =	swait.ge [sflag:s15], $0x50  }
0x40: {  	[sflag:s15] =	ssyncset.done $0x0  }
0x41: {  	s31 =	sadd.s32 s6, s23;
	[sflag:s15] =	ssyncadd.s32 $0xFFFFFFB0  }
0x42: {  	[tilespmem:s16], [sflag:$0x1] =	stream.linear.gather [hbm4b:s31+s21], $0x50, $0x38;
	[tilespmem:$0x19180] =	vst v63  }
0x43: {  	_ =	swait.ge [sflag:s15], $0x50  }
0x44: {  	[sflag:s15] =	ssyncset.done $0x0  }
0x45: {  	s23 =	sadd.s32 s7, s23;
	[sflag:s15] =	ssyncadd.s32 $0xFFFFFFB0  }
0x46: {  	[tilespmem:s17], [sflag:$0x1] =	stream.linear.gather [hbm4b:s23+s21], $0x50, $0x38;
	[tilespmem:$0x19180] =	vst v63  }
0x47: {  	_ =	swait.ge [sflag:s15], $0x50  }
0x48: {  	[sflag:s15] =	ssyncset.done $0x0  }
0x49: {  	[sflag:s15] =	ssyncadd.s32 $0xFFFFFFB0  }
0x4a: {  	[tilespmem:s14], [sflag:$0x1] =	stream.indirect.gather [hbm4b:s4+s13], $0x80, s21, s13, $0xb8;
	[tilespmem:$0x19180] =	vst v63  }
0x4b: {  	_ =	swait.ge [sflag:s15], $0x2800  }
0x4c: {  	v2 =	vmov s21;
	[sflag:s15] =	ssyncset.done $0x0  }
0x4d: {  	s23 =	simm.s32 $0x1C0;
	[sflag:s15] =	ssyncadd.s32 $0xFFFFD800  }
0x4e: {  	v5 =	vld [tilespmem:s23+$0x10]  }
0x4f: {  	v4 =	vld [tilespmem:s23+$0xFFFFFFE0]  }
0x50: {  	v6 =	vld [tilespmem:s23+$0xFFFFFFF0]  }
0x51: {  	v3 =	vld.idx.msk [tilespmem:v2+s17+$0x0], $0xffff  }
0x52: {  	s25 =	simm.s32 $0x1C0;
	s24 =	simm.s32 $0x1;
	v7 =	vld [tilespmem:s23+$0x0]  }
.LBB2_9:
0x53: {  	p0 =	sne.s32 s24, $0x4F  }
0x54: {  	v8 =	vld [tilespmem:s23+$0xFFFFFFD0];
	s25 =	sadd.s32 $0x80, s25;
	s26 =	smov.u32 s24;
	s24 =	sadd.s32 $0x1, s24  }
0x55: {  	v9 =	vld [tilespmem:s23+$0xFFFFFFC0];
	_ =	sdelay $0x1  }
0x56: {  	v10 =	vld [tilespmem:s23+$0x20]  }
0x57: {  	v5 =	vmul.f32 v5, v3;
	v7 =	vmul.f32 v7, v3;
	v11 =	vld [tilespmem:s23+$0x30]  }
0x58: {  	v4 =	vmul.f32 v4, v3;
	v6 =	vmul.f32 v6, v3  }
0x59: {  	v12 =	vmov s26;
	v8 =	vmul.f32 v8, v3;
	v9 =	vmul.f32 v9, v3;
	[tilespmem:s23+$0x0] =	vst v7  }
0x5a: {  	[tilespmem:s23+$0x10] =	vst v5  }
0x5b: {  	[tilespmem:s23+$0xFFFFFFF0] =	vst v6;
	v5 =	vmul.f32 v10, v3  }
0x5c: {  	[tilespmem:s23+$0xFFFFFFE0] =	vst v4;
	v4 =	vmul.f32 v11, v3  }
0x5d: {  	[tilespmem:s23+$0x20] =	vst v5  }
0x5e: {  	[tilespmem:s23+$0x30] =	vst v4  }
0x5f: {  	[tilespmem:s23+$0xFFFFFFC0] =	vst v9  }
0x60: {  	[tilespmem:s23+$0xFFFFFFD0] =	vst v8;
	s23 =	smov.u32 s25  }
0x61: {  	v4 =	vld.idx.msk [tilespmem:v2+s16+$0x0], $0xffff;
	v2 =	vmov v12;
	_ =	sdelay $0x5  }
0x62: {  	v3 =	vand.u32 $0x7FFFFFFF, v3;
	_ =	sdelay $0x1  }
0x63: {  	[tilespmem:v4+s18+$0x0] =	vst.idx.add.f32.msk $0x1, v3  }
.Ltmp3:
0x64: {  	v5 =	vld [tilespmem:s25+$0x10];
	(pc) =	sbr.rel @p0 .LBB2_9-.Ltmp3, $4  }
0x65: {  	v4 =	vld [tilespmem:s25+$0xFFFFFFE0]  }
0x66: {  	v6 =	vld [tilespmem:s25+$0xFFFFFFF0]  }
0x67: {  	v3 =	vld.idx.msk [tilespmem:v12+s17+$0x0], $0xffff  }
0x68: {  	v7 =	vld [tilespmem:s25+$0x0]  }
0x69: {  	_ =	sdelay $0x1  }
0x6a: {  	v9 =	vld [tilespmem:s23+$0x20]  }
0x6b: {  	v10 =	vld [tilespmem:s23+$0x30];
	v5 =	vmul.f32 v5, v3  }
0x6c: {  	v11 =	vld [tilespmem:s23+$0xFFFFFFC0];
	v6 =	vmul.f32 v6, v3  }
0x6d: {  	v8 =	vld [tilespmem:s23+$0xFFFFFFD0];
	v4 =	vmul.f32 v4, v3;
	[tilespmem:s23+$0x10] =	vst v5  }
0x6e: {  	v7 =	vmul.f32 v7, v3;
	[tilespmem:s23+$0xFFFFFFF0] =	vst v6  }
0x6f: {  	v60 =	vmul.f32 v9, v3;
	[tilespmem:s23+$0xFFFFFFE0] =	vst v4  }
0x70: {  	v61 =	vmul.f32 v10, v3;
	[tilespmem:s23+$0x0] =	vst v7  }
0x71: {  	v62 =	vmul.f32 v11, v3;
	[tilespmem:s23+$0x20] =	vst v60  }
0x72: {  	v63 =	vmul.f32 v8, v3;
	[tilespmem:s23+$0x30] =	vst v61  }
0x73: {  	[tilespmem:s23+$0xFFFFFFC0] =	vst v62  }
0x74: {  	[tilespmem:s23+$0xFFFFFFD0] =	vst v63  }
0x75: {  	v2 =	vld.idx.msk [tilespmem:v2+s16+$0x0], $0xffff;
	_ =	sdelay $0x5  }
0x76: {  	s22 =	sadd.s32 $0x1, s22  }
0x77: {  	p0 =	sne.s32 s22, $0x7D;
	v3 =	vand.u32 $0x7FFFFFFF, v3  }
.Ltmp4:
0x78: {  	[tilespmem:v2+s18+$0x0] =	vst.idx.add.f32.msk $0x1, v3;
	(pc) =	sbr.rel @p0 .LBB2_8-.Ltmp4, $4  }
0x79: {  	[spmem:s1] =	stream.indirect.scatter.add.f32 [tilespmem:s14], [sflag:$0x1], $0x80, s16, s13, $0xb8;
	[tilespmem:$0x19180] =	vst v63  }
0x7a: {  	_ =	swait.ge [sflag:s15], $0x2800  }
0x7b: {  	[sflag:s15] =	ssyncset.done $0x0  }
0x7c: {  	[sflag:s15] =	ssyncadd.s32 $0xFFFFD800  }
0x7d: {  	[hbm4b:s10+s16] =	stream.strided.scatter [tilespmem:s18], [sflag:$0x1], $0x2800, s19, s16, $0x38;
	[tilespmem:$0x19180] =	vst v63  }
0x7e: {  	_ =	swait.ge [sflag:s15], $0x2800  }
0x7f: {  	[sflag:s15] =	ssyncset.done $0x0  }
0x80: {  	s21 =	sadd.s32 $0x0, s8;
	[sflag:s15] =	ssyncadd.s32 $0xFFFFD800  }
0x81: {  	v2 =	vor.u32 s21, v1;
	s23 =	sadd.s32 $0x40, s21;
	[bflag:$0x0] =	sbarrier.arrive $0xFFFF  }
0x82: {  	s22 =	sadd.s32 $0x10, s21;
	v3 =	vor.u32 s23, v1;
	[tilespmem:$0x0] =	vst v2  }
0x83: {  	s31 =	sadd.s32 $0x30, s21;
	v2 =	vor.u32 s22, v1;
	[tilespmem:$0x40] =	vst v3  }
0x84: {  	s21 =	sadd.s32 $0x20, s21;
	[tilespmem:$0x10] =	vst v2;
	v2 =	vor.u32 s31, v1  }
0x85: {  	[tilespmem:$0x30] =	vst v2;
	v2 =	vor.u32 s21, v1  }
0x86: {  	[tilespmem:$0x20] =	vst v2  }
0x87: {  	[tilespmem:s14], [sflag:$0x1] =	stream.indirect.gather [spmem:s1], $0x80, s2, s13, $0xb8;
	[tilespmem:$0x19180] =	vst v63  }
0x88: {  	_ =	swait.ge [sflag:s15], $0x2800  }
0x89: {  	s23 =	smov.u32 s12;
	[sflag:s15] =	ssyncset.done $0x0  }
0x8a: {  	s22 =	sadd.s32 $0x500, s12;
	s21 =	simm.s32 $0x50;
	[sflag:s15] =	ssyncadd.s32 $0xFFFFD800  }
.LBB2_12:
0x8b: {  	[hbm4b:s23+s2] =	stream.linear.scatter [tilespmem:s14], [sflag:$0x1], $0x2800, $0x38;
	[tilespmem:$0x19180] =	vst v63  }
0x8c: {  	s24 =	smov.u32 s21;
	s23 =	smov.u32 s22  }
0x8d: {  	p0 =	sne.s32 s21, $0x230;
	s21 =	sadd.s32 $0x50, s21;
	_ =	swait.ge [sflag:s15], $0x2800  }
0x8e: {  	s24 =	sadd.s32 s24, s8;
	[sflag:s15] =	ssyncset.done $0x0  }
0x8f: {  	v2 =	vor.u32 s24, v1;
	s25 =	sadd.s32 $0x10, s24;
	s26 =	sadd.s32 $0x20, s24;
	[sflag:s15] =	ssyncadd.s32 $0xFFFFD800  }
0x90: {  	v3 =	vor.u32 s26, v1;
	[tilespmem:$0x0] =	vst v2;
	v2 =	vor.u32 s25, v1;
	s25 =	sadd.s32 $0x30, s24;
	s24 =	sadd.s32 $0x40, s24  }
0x91: {  	[tilespmem:$0x10] =	vst v2;
	v2 =	vor.u32 s25, v1;
	v4 =	vor.u32 s24, v1  }
0x92: {  	[tilespmem:$0x30] =	vst v2  }
0x93: {  	[tilespmem:$0x40] =	vst v4  }
.Ltmp5:
0x94: {  	[tilespmem:$0x20] =	vst v3;
	(pc) =	sbr.rel @p0 .LBB2_12-.Ltmp5, $4  }
0x95: {  	[tilespmem:s14], [sflag:$0x1] =	stream.indirect.gather [spmem:s1], $0x80, s2, s13, $0xb8;
	[tilespmem:$0x19180] =	vst v63  }
0x96: {  	_ =	swait.ge [sflag:s15], $0x2800  }
0x97: {  	[sflag:s15] =	ssyncset.done $0x0  }
0x98: {  	s22 =	sadd.s32 $0x500, s22;
	[sflag:s15] =	ssyncadd.s32 $0xFFFFD800  }
0x99: {  	s20 =	sadd.s32 $0x1, s20  }
0x9a: {  	p0 =	sne.s32 s20, s11  }
.Ltmp6:
0x9b: {  	_ = 	snop;
	(pc) =	sbr.rel @p0 .LBB2_1-.Ltmp6, $4  }
0x9c: {  	[hbm4b:s23+s2] =	stream.linear.scatter [tilespmem:s14], [sflag:$0x1], $0x2800, $0x38;
	[tilespmem:$0x19180] =	vst v63  }
0x9d: {  	_ =	swait.ge [sflag:s15], $0x2800  }
0x9e: {  	[sflag:s15] =	ssyncset.done $0x0  }
0x9f: {  	[sflag:s15] =	ssyncadd.s32 $0xFFFFD800  }
0xa0: {  	_ =	sfence.sel $0x180000  }
0xa1: {  	[bflag:$0x0] =	sbarrier.arrive $0xFFFF  }
0xa2: {  	p0 =	sne.s32 s3, $0x0;
	_ =	strace $0x9000004D  }
0xa3: {  	s0 =	sadd.s32 @!p0 $0x100000, s0;
	[bflag:$0x2] =	sbarrier.arrive $0xFFFF  }
0xa4: {  	[sflag:s0] =	ssyncadd.tile.s32 @!p0 $0x1;
	_ =	shalt  }
.Lfunc_end2:
_tile_overlayer_lowered:
.L_overlay_start_2:
0xa5: {  	(tag) =	ssettag $0x2  }
0xa6: {  	s0 =	rddreg [dreg:$0x0];
	s2 =	stileid.u32  }
0xa7: {  	s1 =	rddreg [dreg:$0x1];
	p0 =	sne.s32 s2, $0x0  }
0xa8: {  	s3 =	rddreg [dreg:$0x2];
	[bflag:$0x3] =	sbarrier.arrive $0xFFFF;
	s2 =	simm.s32 @!p0 $0x1C01  }
0xa9: {  	[timem:s3], [sflag:s2] =	dma.local @!p0 [hbm:s0], s1  }
0xaa: {  	s0 =	simm.s32 @!p0 $0x1  }
0xab: {  	_ =	swait.ge @!p0 [sflag:s0], s1  }
0xac: {  	s1 =	ssub.s32 @!p0 $0x0, s1;
	[sflag:s0] =	ssyncset.done @!p0 $0x0  }
0xad: {  	[sflag:s0] =	ssyncadd.s32 @!p0 s1  }
0xae: {  	[bflag:$0x3] =	sbarrier.arrive $0xFFFF  }
0xaf: {  	_ =	shalt  }

// kernel: kernel.17.cloned.1.call-start
scs
__scs_entry_jumppad:
0x0: {  	(pc) =	sbr.rel $0x88, $3  }
0x1: {  	(tag) =	ssettag $0x0;
	lr =	simm.s32 $0x1  }
0x2: {  	[smem:$0x3F8F] =	sst lr;
	_ =	strace $0xD0000000  }
0x3: {  	_ = 	snop  }
0x4: {  	_ = 	snop  }
0x5: {  	_ = 	snop  }
0x6: {  	_ = 	snop  }
0x7: {  	_ = 	snop  }
__scs_overlays_trampoline_lowered:
0x8: {  	[smem:$0x3F9E] =	sst s0  }
0x9: {  	[smem:$0x3F9F] =	sst s1  }
0xa: {  	[smem:$0x3FA0] =	sst s2  }
0xb: {  	[smem:$0x3FA1] =	sst s3  }
0xc: {  	[smem:$0x3FA2] =	sst s4  }
0xd: {  	[smem:$0x3FA3] =	sst s5  }
0xe: {  	[smem:$0x3FA4] =	sst s6  }
0xf: {  	[smem:$0x3FA5] =	sst s7  }
0x10: {  	[smem:$0x3FA6] =	sst s8  }
0x11: {  	[smem:$0x3FA7] =	sst s9;
	s0 =	simm.s32 @!p0 $0x0  }
0x12: {  	s1 =	sld [smem:$0x3F8D];
	s0 =	simm.s32 @p0 $0x1  }
0x13: {  	[smem:$0x3FA8] =	sst s0;
	s0 =	simm.s32 @!p1 $0x0  }
0x14: {  	s2 =	sld [smem:$0x3F8C];
	s0 =	simm.s32 @p1 $0x1  }
0x15: {  	[smem:$0x3FA9] =	sst s0;
	s0 =	simm.s32 @!p2 $0x0  }
0x16: {  	s3 =	sld [smem:$0x3FDB];
	s0 =	simm.s32 @p2 $0x1  }
0x17: {  	s4 =	simm.s32 $0x1BF5;
	[smem:$0x3FAB] =	sst s0  }
0x18: {  	s0 =	sld [smem:$0x3F8E];
	_ =	swait.ge [sflag:s4], $0x0  }
0x19: {  	s7 =	sld [smem:$0x3F8F]  }
0x1a: {  	s8 =	sadd.s32 $0xFFFFE003, lr  }
0x1b: {  	s9 =	sadd.s32 $0xFFFFFEF7, lr;
	s5 =	simm.s32 $0xFFFFFFFF;
	p2 =	slt.u32 s8, $0xFFFFF086  }
0x1c: {  	p1 =	slt.u32 s9, $0xF7A;
	s5 =	simm.s32 @!p2 $0x0  }
0x1d: {  	s5 =	simm.s32 @p1 $0x1;
	p0 =	seq.s32 s7, s2  }
0x1e: {  	s7 =	smul.u32 @!p0 $0xF7A, s2;
	p2 =	seq.s32 @!p0 s5, $0x0  }
0x1f: {  	s9 =	smul.u32 $0xF7A, s1;
	s8 =	simm.s32 @!p0 $0x1BF5;
	p2 =	por !p2, p0  }
0x20: {  	[sflag:s8] =	ssyncset.s32 @!p0 $0xFFFFF086;
	s6 =	sadd.s32 @!p0 s3, s7;
	s7 =	simm.s32 @!p0 $0x108  }
0x21: {  	s3 =	sadd.s32 s3, s9;
	s6 =	sadd.s32 @!p0 $0x88, s6;
	s7 =	simm.s32 @p2 $0x1082  }
0x22: {  	[simem:s7], [sflag:s8] =	dma.local @!p0 [hbm:s6], $0xF7A  }
0x23: {  	s9 =	sor.u32 $0xD0000000, s2;
	s6 =	simm.s32 $0x108;
	_ =	swait.ge @!p0 [sflag:s8], $0x0  }
0x24: {  	s3 =	sadd.s32 $0x88, s3;
	s6 =	simm.s32 @!p1 $0x1082;
	[sflag:s4] =	ssyncset.s32 $0xFFFFF086  }
0x25: {  	[simem:s6], [sflag:s4] =	dma.local [hbm:s3], $0xF7A  }
0x26: {  	[smem:$0x3F8F] =	sst s1;
	(tag) =	ssettag s2;
	_ =	strace s9  }
0x27: {  	s1 =	sld [smem:$0x3F9F]  }
0x28: {  	s2 =	sld [smem:$0x3FA0]  }
0x29: {  	s4 =	sld [smem:$0x3FA2]  }
0x2a: {  	p0 =	seq.s32 s5, $0x0;
	s5 =	sld [smem:$0x3FA3]  }
0x2b: {  	s6 =	sld [smem:$0x3FA4]  }
0x2c: {  	s7 =	sld [smem:$0x3FA5]  }
0x2d: {  	s3 =	simm.s32 $0x108;
	s8 =	sld [smem:$0x3FA6]  }
0x2e: {  	s3 =	simm.s32 @!p0 $0x1082;
	s9 =	sld [smem:$0x3FA7]  }
0x2f: {  	lr =	sadd.s32 s0, s3;
	s0 =	sld [smem:$0x3F9E]  }
0x30: {  	s3 =	sld [smem:$0x3FA1]  }
0x31: {  	[smem:$0x3FAA] =	sst s10  }
0x32: {  	s10 =	sld [smem:$0x3FA8];
	_ =	sdelay $0x3  }
0x33: {  	p0 =	seq.s32 s10, $0x1;
	s10 =	sld [smem:$0x3FAA];
	_ =	sdelay $0x3  }
0x34: {  	[smem:$0x3FAA] =	sst s10  }
0x35: {  	s10 =	sld [smem:$0x3FA9];
	_ =	sdelay $0x3  }
0x36: {  	p1 =	seq.s32 s10, $0x1;
	s10 =	sld [smem:$0x3FAA];
	_ =	sdelay $0x3  }
0x37: {  	[smem:$0x3FAA] =	sst s10  }
0x38: {  	s10 =	sld [smem:$0x3FAB]  }
0x39: {  	_ = 	snop;
	(pc) =	sbr.ind lr, $3  }
0x3a: {  	_ = 	snop  }
0x3b: {  	_ = 	snop  }
0x3c: {  	p2 =	seq.s32 s10, $0x1;
	s10 =	sld [smem:$0x3FAA]  }
0x3d: {  	_ =	shalt  }
0x3e: {  	_ =	shalt  }
0x3f: {  	_ =	shalt  }
0x40: {  	_ =	shalt  }
0x41: {  	_ =	shalt  }
0x42: {  	_ =	shalt  }
0x43: {  	_ =	shalt  }
0x44: {  	_ =	shalt  }
0x45: {  	_ =	shalt  }
0x46: {  	_ =	shalt  }
0x47: {  	_ =	shalt  }
0x48: {  	_ =	shalt  }
0x49: {  	_ =	shalt  }
0x4a: {  	_ =	shalt  }
0x4b: {  	_ =	shalt  }
0x4c: {  	_ =	shalt  }
0x4d: {  	_ =	shalt  }
0x4e: {  	_ =	shalt  }
0x4f: {  	_ =	shalt  }
0x50: {  	_ =	shalt  }
0x51: {  	_ =	shalt  }
0x52: {  	_ =	shalt  }
0x53: {  	_ =	shalt  }
0x54: {  	_ =	shalt  }
0x55: {  	_ =	shalt  }
0x56: {  	_ =	shalt  }
0x57: {  	_ =	shalt  }
0x58: {  	_ =	shalt  }
0x59: {  	_ =	shalt  }
0x5a: {  	_ =	shalt  }
0x5b: {  	_ =	shalt  }
0x5c: {  	_ =	shalt  }
0x5d: {  	_ =	shalt  }
0x5e: {  	_ =	shalt  }
0x5f: {  	_ =	shalt  }
0x60: {  	_ =	shalt  }
0x61: {  	_ =	shalt  }
0x62: {  	_ =	shalt  }
0x63: {  	_ =	shalt  }
0x64: {  	_ =	shalt  }
0x65: {  	_ =	shalt  }
0x66: {  	_ =	shalt  }
0x67: {  	_ =	shalt  }
0x68: {  	_ =	shalt  }
0x69: {  	_ =	shalt  }
0x6a: {  	_ =	shalt  }
0x6b: {  	_ =	shalt  }
0x6c: {  	_ =	shalt  }
0x6d: {  	_ =	shalt  }
0x6e: {  	_ =	shalt  }
0x6f: {  	_ =	shalt  }
0x70: {  	_ =	shalt  }
0x71: {  	_ =	shalt  }
0x72: {  	_ =	shalt  }
0x73: {  	_ =	shalt  }
0x74: {  	_ =	shalt  }
0x75: {  	_ =	shalt  }
0x76: {  	_ =	shalt  }
0x77: {  	_ =	shalt  }
0x78: {  	_ =	shalt  }
0x79: {  	_ =	shalt  }
0x7a: {  	_ =	shalt  }
0x7b: {  	_ =	shalt  }
0x7c: {  	_ =	shalt  }
0x7d: {  	_ =	shalt  }
0x7e: {  	_ =	shalt  }
0x7f: {  	_ =	shalt  }
0x80: {  	_ =	shalt  }
0x81: {  	_ =	shalt  }
0x82: {  	_ =	shalt  }
0x83: {  	_ =	shalt  }
0x84: {  	_ =	shalt  }
0x85: {  	_ =	shalt  }
0x86: {  	_ =	shalt  }
0x87: {  	_ =	shalt  }
.Lfunc_end0:
.L_simem_size_0:
called_computation.3_lowered:
.L_overlay_start_0:
0x88: {  	s2 =	sld [smem:$0x3FD9]  }
0x89: {  	s3 =	sld [smem:$0x3FFE];
	_ =	sdelay $0x1  }
0x8a: {  	s1 =	srdreg.scid  }
0x8b: {  	s0 =	sand.u32 $0x1, s1  }
0x8c: {  	s14 =	sshll.u32 s0, $0xA;
	s2 =	sadd.s32 s3, s2  }
0x8d: {  	s2 =	sadd.s32 s2, s14  }
0x8e: {  	[smem:$0x3FB6] =	sst s2  }
0x8f: {  	_ = 	snop  }
0x90: {  	s2 =	sld [smem:$0x3FD0];
	_ =	sdelay $0x2  }
0x91: {  	s15 =	simm.s32 $0xA;
	s4 =	simm.s32 $0x10  }
0x92: {  	[smem:s4], [sflag:s15] =	dma.local [hbm:s2], $0x1  }
0x93: {  	_ =	swait.eq [sflag:s15], $0x1  }
0x94: {  	[sflag:s15] =	ssyncset.done $0x0  }
0x95: {  	[sflag:s15] =	ssyncadd.s32 $0xFFFFFFFF  }
0x96: {  	s16 =	sld [smem:$0x10];
	(tm) =	ssettm $0x1  }
0x97: {  	s17 =	sld [smem:$0x3FFB];
	_ =	sdelay $0x3  }
0x98: {  	_ =	strace s17  }
0x99: {  	s3 =	sld [smem:$0x3FFC];
	_ =	sdelay $0x3  }
0x9a: {  	_ =	strace s3  }
0x9b: {  	s3 =	sld [smem:$0x3FFD];
	_ =	sdelay $0x3  }
0x9c: {  	_ =	strace s3  }
0x9d: {  	_ =	strace $0x8FFFFFFF  }
0x9e: {  	s18 =	sld [smem:$0x3FDB];
	_ =	sdelay $0x1  }
0x9f: {  	s19 =	simm.s32 $_scs_section_size  }
0xa0: {  	s5 =	simm.s32 $_size__tile_overlayer_lowered;
	s6 =	simm.s32 $_tile_overlayer_lowered  }
0xa1: {  	s22 =	simm.s32 $0x1BFF;
	s21 =	sshll.u32 s6, $0x1;
	s3 =	sadd.s32 s19, s18  }
0xa2: {  	s7 =	simm.s32 $0x0;
	s20 =	sshll.u32 s5, $0x1;
	s5 =	sadd.s32 s21, s3  }
0xa3: {  	[timem:s7], [sflag:s22] =	dma.local [hbm:s5], s20  }
0xa4: {  	_ =	swait.ge [sflag:s22], s20  }
0xa5: {  	s4 =	ssub.s32 $0x0, s20;
	[sflag:s22] =	ssyncset.done $0x0  }
0xa6: {  	[sflag:s22] =	ssyncadd.s32 s4;
	_ =	sdelay $0x1  }
0xa7: {  	s23 =	simm.s32 $0x1B8B  }
0xa8: {  	_ =	swait.ge [sflag:s23], $0x1  }
0xa9: {  	[sflag:s23] =	ssyncset.done $0x0  }
0xaa: {  	s25 =	simm.s32 $0x1B8E;
	s24 =	sld [smem:$0x3FFE];
	[sflag:s23] =	ssyncadd.s32 $0xFFFFFFFF  }
0xab: {  	s26 =	simm.s32 $execute0_lowered;
	[smem:$0x3FD2] =	sst s25  }
0xac: {  	s5 =	sshll.u32 s26, $0x1;
	_ =	strace $0x8000004F;
	[dreg:$0x1] =	wrdreg $0xFFFFFFFF  }
0xad: {  	s28 =	simm.s32 $_size_execute0_lowered;
	s3 =	sadd.s32 s3, s5;
	[dreg:$0x0] =	wrdreg $0x0  }
0xae: {  	s5 =	sshll.u32 s28, $0x1;
	[dreg:$0x2] =	wrdreg s3  }
0xaf: {  	[dreg:$0x3] =	wrdreg s5  }
0xb0: {  	[dreg:$0x4] =	wrdreg $0xC0  }
0xb1: {  	_ =	task [dreg:s7], $0x5FFFF  }
0xb2: {  	[dreg:$0x1] =	wrdreg $0xFFFFFFFF  }
0xb3: {  	[dreg:$0x0] =	wrdreg $0x60  }
0xb4: {  	[dreg:$0x2] =	wrdreg s24  }
0xb5: {  	[dreg:$0x3] =	wrdreg s16  }
0xb6: {  	[dreg:$0x4] =	wrdreg $0x9  }
0xb7: {  	_ =	task.clear_ibuf [dreg:s7], $0x5FFFF;
	_ =	strace $0x9000004F  }
0xb8: {  	s29 =	simm.s32 $0x9;
	_ =	strace $0x80000051  }
0xb9: {  	_ =	swait.ge [sflag:s29], $0x1  }
0xba: {  	[sflag:s29] =	ssyncadd.s32 $0xFFFFFFFF  }
0xbb: {  	_ =	strace $0x90000051  }
0xbc: {  	_ =	sfence  }
0xbd: {  	s30 =	sld [smem:$0x0];
	_ =	sdelay $0x2  }
0xbe: {  	s31 =	sshll.u32 s1, $0xD;
	s1 =	sshrl.u32 s1, $0x2  }
0xbf: {  	s3 =	sand.u32 $0x4000, s31;
	s1 =	sadd.s32 s1, s30  }
0xc0: {  	s0 =	sor.u32 s3, s0;
	s1 =	sshll.u32 s1, $0x11  }
0xc1: {  	s0 =	sor.u32 s1, s0  }
0xc2: {  	s0 =	sadd.s32 $0x8F2B, s0  }
0xc3: {  	[sflag:s0] =	ssyncadd.remote.s32 $0x1  }
0xc4: {  	_ =	sfence.sel $0xFFFF  }
0xc5: {  	[dreg:$0x0] =	wrdreg $0xFFFFFFFF;
	(pc) =	sbr.abs _section_cstart, $3  }
0xc6: {  	[dreg:$0x1] =	wrdreg $0xFFFFFFFF  }
0xc7: {  	_ =	task.clear_ibuf [dreg:s7], $0x2FFFF;
	_ =	strace $0x9FFFFFFF  }
0xc8: {  	(tm) =	ssettm $0x7FFFFFFF  }
0xc9: {  	_ =	shalt  }
tec
execute0_lowered:
.L_overlay_start_1:
0x0: {  	(tag) =	ssettag $0x1  }
0x1: {  	s0 =	rddreg [dreg:$0x0]  }
0x2: {  	s2 =	simm.s32 $0x0;
	s1 =	srdreg.scid;
	s8 =	stileid.u32  }
0x3: {  	s15 =	simm.s32 $0x1;
	s19 =	simm.s32 $0x100;
	s30 =	simm.s32 $0x5100  }
0x4: {  	s14 =	simm.s32 $0x7100;
	s16 =	simm.s32 $0x7900;
	s17 =	simm.s32 $0x8100  }
0x5: {  	s9 =	simm.s32 $0x9900;
	s13 =	simm.s32 $0xA100;
	s20 =	simm.s32 $0x0  }
0x6: {  	[smem:$0x7FF] =	sst s2;
	s3 =	sadd.s32 $0x98000, s0;
	s4 =	sadd.s32 $0x24800, s0  }
0x7: {  	s5 =	sadd.s32 $0x22800, s0;
	s6 =	sadd.s32 $0x4C00, s0;
	s26 =	sadd.s32 $0x5C00, s0  }
0x8: {  	s1 =	sand.u32 $0x1, s1;
	s28 =	sadd.s32 $0x6C00, s0;
	s10 =	sadd.s32 $0x6E00, s0  }
0x9: {  	s8 =	sshll.u32 s8, $0x1;
	_ =	strace $0x80000050;
	[dreg:$0x3] =	wrdreg s6  }
0xa: {  	s11 =	sadd.s32 $0x8E00, s0;
	[dreg:$0x4] =	wrdreg s26;
	s29 =	ssub.s32 $0x2, s1  }
0xb: {  	[dreg:$0x5] =	wrdreg s28;
	s1 =	sor.u32 s1, s8;
	s7 =	sshrl.u32 s29, $0x1  }
0xc: {  	v3 =	vlaneseq.u32;
	vm0 =	vmmov $0xffff;
	s6 =	simm.s32 $0x6900;
	s8 =	simm.s32 $0x9100;
	s31 =	ssub.s32 s29, s7  }
0xd: {  	v1 =	vshrl.u32 v3, $0x3;
	v0 =	vand.u32 $0x7, v3;
	v2 =	vor.u32 $0x8, v3;
	s12 =	smul.u32 $0x7D0, s1;
	s1 =	simm.s32 $0xA180;
	s0 =	smax.u32 s31, $0x1  }
0xe: {  	v3 =	vmul.u32 $0x100, v3;
	v1 =	vmul.u32 $0x8, v1;
	v4 =	vmul.u32 $0x80, v0;
	s7 =	simm.s32 $0x8900;
	[dreg:$0x6] =	wrdreg s0;
	s0 =	simm.s32 $0x6100  }
.LBB2_1:
0xf: {  	[dreg:$0x7] =	wrdreg s20  }
0x10: {  	s18 =	rddreg [dreg:$0x3];
	s25 =	simm.s32 $0xA200  }
0x11: {  	[tilespmem:s25], [sflag:$0x1] =	stream.linear.gather [hbm4b:s18+s2], $0x8000, $0x38;
	[tilespmem:$0x1A300] =	vst v63  }
0x12: {  	_ =	swait.ge [sflag:s15], $0x8000  }
0x13: {  	[sflag:s15] =	ssyncset.done $0x0  }
0x14: {  	s28 =	simm.s32 $0x12200;
	s26 =	rddreg [dreg:$0x4];
	[sflag:s15] =	ssyncadd.s32 $0xFFFF8000  }
0x15: {  	[tilespmem:s28], [sflag:$0x1] =	stream.linear.gather [hbm4b:s26+s2], $0x8000, $0x38;
	[tilespmem:$0x1A300] =	vst v63  }
0x16: {  	_ =	swait.ge [sflag:s15], $0x8000  }
0x17: {  	[sflag:s15] =	ssyncset.done $0x0  }
0x18: {  	s31 =	simm.s32 $0x1A200;
	s29 =	rddreg [dreg:$0x5];
	[sflag:s15] =	ssyncadd.s32 $0xFFFF8000  }
0x19: {  	[tilespmem:s31], [sflag:$0x1] =	stream.linear.gather [hbm4b:s29+s2], $0x100, $0x38;
	[tilespmem:$0x1A300] =	vst v63  }
0x1a: {  	_ =	swait.ge [sflag:s15], $0x100  }
0x1b: {  	[sflag:s15] =	ssyncset.done $0x0  }
0x1c: {  	s18 =	simm.s32 $0x0;
	[sflag:s15] =	ssyncadd.s32 $0xFFFFFF00  }
.LBB2_2:
0x1d: {  	s20 =	smul.u32 $0x50, s18;
	_ =	sdelay $0x1  }
0x1e: {  	s20 =	sadd.s32 s12, s20  }
0x1f: {  	s20 =	sshrl.u32 s20, $0x3  }
0x20: {  	s21 =	simm.s32 $0x0;
	s22 =	sadd.s32 s5, s20  }
0x21: {  	[tilespmem:s21], [sflag:$0x1] =	stream.linear.gather [hbm4b:s22+s21], $0x50, $0x38;
	[tilespmem:$0x1A300] =	vst v63  }
0x22: {  	_ =	swait.ge [sflag:s15], $0x50  }
0x23: {  	[sflag:s15] =	ssyncset.done $0x0  }
0x24: {  	[sflag:s15] =	ssyncadd.s32 $0xFFFFFFB0  }
0x25: {  	s26 =	rddreg [dreg:$0x1]  }
0x26: {  	s23 =	simm.s32 $0x80;
	s22 =	sadd.s32 s26, s20  }
0x27: {  	[tilespmem:s23], [sflag:$0x1] =	stream.linear.gather [hbm4b:s22+s21], $0x50, $0x38;
	[tilespmem:$0x1A300] =	vst v63  }
0x28: {  	_ =	swait.ge [sflag:s15], $0x50  }
0x29: {  	[sflag:s15] =	ssyncset.done $0x0  }
0x2a: {  	[sflag:s15] =	ssyncadd.s32 $0xFFFFFFB0  }
0x2b: {  	v5 =	vld [tilespmem:$0x0];
	_ =	sdelay $0x4  }
0x2c: {  	v6 =	vshll.u32 v5, $0x1  }
0x2d: {  	v5 =	vand.u32 $0x7, v5;
	v6 =	vand.u32 $0xFFFFFFF0, v6  }
0x2e: {  	v5 =	vor.u32 v5, v6  }
0x2f: {  	v6 =	vperm.xlane v5, v0;
	_ =	sdelay $0x1  }
0x30: {  	v5 =	vperm.xlane v5, v2;
	v6 =	vadd.s32 v1, v6;
	_ =	sdelay $0x1  }
0x31: {  	v5 =	vadd.s32 v1, v5;
	_ =	sdelay $0x2  }
0x32: {  	[tilespmem:s19], [sflag:$0x1] =	stream.indirect_vreg.gather [hbm4b:s3+s21], $0x80, v6, vm0, $0xb8;
	[tilespmem:$0x1A300] =	vst v63  }
0x33: {  	s28 =	simm.s32 $0x900  }
0x34: {  	[tilespmem:s28], [sflag:$0x1] =	stream.indirect_vreg.gather [hbm4b:s3+s21], $0x80, v5, vm0, $0xb8;
	[tilespmem:$0x1A300] =	vst v63  }
0x35: {  	v5 =	vld [tilespmem:$0x10];
	_ =	sdelay $0x4  }
0x36: {  	v6 =	vshll.u32 v5, $0x1  }
0x37: {  	v5 =	vand.u32 $0x7, v5;
	v6 =	vand.u32 $0xFFFFFFF0, v6  }
0x38: {  	v5 =	vor.u32 v5, v6  }
0x39: {  	v6 =	vperm.xlane v5, v0;
	_ =	sdelay $0x1  }
0x3a: {  	v5 =	vperm.xlane v5, v2;
	v6 =	vadd.s32 v1, v6;
	_ =	sdelay $0x1  }
0x3b: {  	v5 =	vadd.s32 v1, v5;
	_ =	sdelay $0x1  }
0x3c: {  	s29 =	simm.s32 $0x1100  }
0x3d: {  	[tilespmem:s29], [sflag:$0x1] =	stream.indirect_vreg.gather [hbm4b:s3+s21], $0x80, v6, vm0, $0xb8;
	[tilespmem:$0x1A300] =	vst v63  }
0x3e: {  	s31 =	simm.s32 $0x1900  }
0x3f: {  	[tilespmem:s31], [sflag:$0x1] =	stream.indirect_vreg.gather [hbm4b:s3+s21], $0x80, v5, vm0, $0xb8;
	[tilespmem:$0x1A300] =	vst v63  }
0x40: {  	v5 =	vld [tilespmem:$0x20];
	_ =	sdelay $0x4  }
0x41: {  	v6 =	vshll.u32 v5, $0x1  }
0x42: {  	v5 =	vand.u32 $0x7, v5;
	v6 =	vand.u32 $0xFFFFFFF0, v6  }
0x43: {  	v5 =	vor.u32 v5, v6  }
0x44: {  	v6 =	vperm.xlane v5, v0;
	_ =	sdelay $0x1  }
0x45: {  	v5 =	vperm.xlane v5, v2;
	v6 =	vadd.s32 v1, v6;
	_ =	sdelay $0x1  }
0x46: {  	v5 =	vadd.s32 v1, v5;
	_ =	sdelay $0x1  }
0x47: {  	s23 =	simm.s32 $0x2100  }
0x48: {  	[tilespmem:s23], [sflag:$0x1] =	stream.indirect_vreg.gather [hbm4b:s3+s21], $0x80, v6, vm0, $0xb8;
	[tilespmem:$0x1A300] =	vst v63  }
0x49: {  	s24 =	simm.s32 $0x2900  }
0x4a: {  	[tilespmem:s24], [sflag:$0x1] =	stream.indirect_vreg.gather [hbm4b:s3+s21], $0x80, v5, vm0, $0xb8;
	[tilespmem:$0x1A300] =	vst v63  }
0x4b: {  	v5 =	vld [tilespmem:$0x30];
	_ =	sdelay $0x4  }
0x4c: {  	v6 =	vshll.u32 v5, $0x1  }
0x4d: {  	v5 =	vand.u32 $0x7, v5;
	v6 =	vand.u32 $0xFFFFFFF0, v6  }
0x4e: {  	v5 =	vor.u32 v5, v6  }
0x4f: {  	v6 =	vperm.xlane v5, v0;
	_ =	sdelay $0x1  }
0x50: {  	v5 =	vperm.xlane v5, v2;
	v6 =	vadd.s32 v1, v6;
	_ =	sdelay $0x1  }
0x51: {  	v5 =	vadd.s32 v1, v5;
	_ =	sdelay $0x1  }
0x52: {  	s25 =	simm.s32 $0x3100  }
0x53: {  	[tilespmem:s25], [sflag:$0x1] =	stream.indirect_vreg.gather [hbm4b:s3+s21], $0x80, v6, vm0, $0xb8;
	[tilespmem:$0x1A300] =	vst v63  }
0x54: {  	s26 =	simm.s32 $0x3900  }
0x55: {  	[tilespmem:s26], [sflag:$0x1] =	stream.indirect_vreg.gather [hbm4b:s3+s21], $0x80, v5, vm0, $0xb8;
	[tilespmem:$0x1A300] =	vst v63  }
0x56: {  	v5 =	vld [tilespmem:$0x40];
	_ =	sdelay $0x4  }
0x57: {  	v6 =	vshll.u32 v5, $0x1  }
0x58: {  	v5 =	vand.u32 $0x7, v5;
	v6 =	vand.u32 $0xFFFFFFF0, v6  }
0x59: {  	v5 =	vor.u32 v5, v6  }
0x5a: {  	v6 =	vperm.xlane v5, v0;
	_ =	sdelay $0x1  }
0x5b: {  	v5 =	vperm.xlane v5, v2;
	v6 =	vadd.s32 v1, v6;
	_ =	sdelay $0x1  }
0x5c: {  	v5 =	vadd.s32 v1, v5;
	_ =	sdelay $0x1  }
0x5d: {  	s28 =	simm.s32 $0x4100  }
0x5e: {  	[tilespmem:s28], [sflag:$0x1] =	stream.indirect_vreg.gather [hbm4b:s3+s21], $0x80, v6, vm0, $0xb8;
	[tilespmem:$0x1A300] =	vst v63  }
0x5f: {  	s29 =	simm.s32 $0x4900  }
0x60: {  	[tilespmem:s29], [sflag:$0x1] =	stream.indirect_vreg.gather [hbm4b:s3+s21], $0x80, v5, vm0, $0xb8;
	[tilespmem:$0x1A300] =	vst v63  }
0x61: {  	_ =	swait.ge [sflag:s15], $0x5000  }
0x62: {  	[sflag:s15] =	ssyncset.done $0x0  }
0x63: {  	[sflag:s15] =	ssyncadd.s32 $0xFFFFB000  }
0x64: {  	v5 =	vld [tilespmem:$0x80];
	_ =	sdelay $0x4  }
0x65: {  	v6 =	vshll.u32 v5, $0x1  }
0x66: {  	v5 =	vand.u32 $0x7, v5;
	v6 =	vand.u32 $0xFFFFFFF0, v6  }
0x67: {  	v5 =	vor.u32 v5, v6  }
0x68: {  	v6 =	vperm.xlane v5, v0;
	_ =	sdelay $0x1  }
0x69: {  	v5 =	vperm.xlane v5, v2;
	v6 =	vadd.s32 v1, v6;
	_ =	sdelay $0x1  }
0x6a: {  	v5 =	vadd.s32 v1, v5;
	_ =	sdelay $0x2  }
0x6b: {  	[tilespmem:s30], [sflag:$0x1] =	stream.indirect_vreg.gather [hbm4b:s4+s21], $0x80, v6, vm0, $0xb8;
	[tilespmem:$0x1A300] =	vst v63  }
0x6c: {  	s31 =	simm.s32 $0x5900  }
0x6d: {  	[tilespmem:s31], [sflag:$0x1] =	stream.indirect_vreg.gather [hbm4b:s4+s21], $0x80, v5, vm0, $0xb8;
	[tilespmem:$0x1A300] =	vst v63  }
0x6e: {  	v5 =	vld [tilespmem:$0x90];
	_ =	sdelay $0x4  }
0x6f: {  	v6 =	vshll.u32 v5, $0x1  }
0x70: {  	v5 =	vand.u32 $0x7, v5;
	v6 =	vand.u32 $0xFFFFFFF0, v6  }
0x71: {  	v5 =	vor.u32 v5, v6  }
0x72: {  	v6 =	vperm.xlane v5, v0;
	_ =	sdelay $0x1  }
0x73: {  	v5 =	vperm.xlane v5, v2;
	v6 =	vadd.s32 v1, v6;
	_ =	sdelay $0x1  }
0x74: {  	v5 =	vadd.s32 v1, v5;
	_ =	sdelay $0x2  }
0x75: {  	[tilespmem:s0], [sflag:$0x1] =	stream.indirect_vreg.gather [hbm4b:s4+s21], $0x80, v6, vm0, $0xb8;
	[tilespmem:$0x1A300] =	vst v63  }
0x76: {  	_ = 	snop  }
0x77: {  	[tilespmem:s6], [sflag:$0x1] =	stream.indirect_vreg.gather [hbm4b:s4+s21], $0x80, v5, vm0, $0xb8;
	[tilespmem:$0x1A300] =	vst v63  }
0x78: {  	v5 =	vld [tilespmem:$0xA0];
	_ =	sdelay $0x4  }
0x79: {  	v6 =	vshll.u32 v5, $0x1  }
0x7a: {  	v5 =	vand.u32 $0x7, v5;
	v6 =	vand.u32 $0xFFFFFFF0, v6  }
0x7b: {  	v5 =	vor.u32 v5, v6  }
0x7c: {  	v6 =	vperm.xlane v5, v0;
	_ =	sdelay $0x1  }
0x7d: {  	v5 =	vperm.xlane v5, v2;
	v6 =	vadd.s32 v1, v6;
	_ =	sdelay $0x1  }
0x7e: {  	v5 =	vadd.s32 v1, v5;
	_ =	sdelay $0x2  }
0x7f: {  	[tilespmem:s14], [sflag:$0x1] =	stream.indirect_vreg.gather [hbm4b:s4+s21], $0x80, v6, vm0, $0xb8;
	[tilespmem:$0x1A300] =	vst v63  }
0x80: {  	_ = 	snop  }
0x81: {  	[tilespmem:s16], [sflag:$0x1] =	stream.indirect_vreg.gather [hbm4b:s4+s21], $0x80, v5, vm0, $0xb8;
	[tilespmem:$0x1A300] =	vst v63  }
0x82: {  	v5 =	vld [tilespmem:$0xB0];
	_ =	sdelay $0x4  }
0x83: {  	v6 =	vshll.u32 v5, $0x1  }
0x84: {  	v5 =	vand.u32 $0x7, v5;
	v6 =	vand.u32 $0xFFFFFFF0, v6  }
0x85: {  	v5 =	vor.u32 v5, v6  }
0x86: {  	v6 =	vperm.xlane v5, v0;
	_ =	sdelay $0x1  }
0x87: {  	v5 =	vperm.xlane v5, v2;
	v6 =	vadd.s32 v1, v6;
	_ =	sdelay $0x1  }
0x88: {  	v5 =	vadd.s32 v1, v5;
	_ =	sdelay $0x2  }
0x89: {  	[tilespmem:s17], [sflag:$0x1] =	stream.indirect_vreg.gather [hbm4b:s4+s21], $0x80, v6, vm0, $0xb8;
	[tilespmem:$0x1A300] =	vst v63  }
0x8a: {  	_ = 	snop  }
0x8b: {  	[tilespmem:s7], [sflag:$0x1] =	stream.indirect_vreg.gather [hbm4b:s4+s21], $0x80, v5, vm0, $0xb8;
	[tilespmem:$0x1A300] =	vst v63  }
0x8c: {  	v5 =	vld [tilespmem:$0xC0];
	_ =	sdelay $0x4  }
0x8d: {  	v6 =	vshll.u32 v5, $0x1  }
0x8e: {  	v5 =	vand.u32 $0x7, v5;
	v6 =	vand.u32 $0xFFFFFFF0, v6  }
0x8f: {  	v5 =	vor.u32 v5, v6  }
0x90: {  	v6 =	vperm.xlane v5, v0;
	_ =	sdelay $0x1  }
0x91: {  	v5 =	vperm.xlane v5, v2;
	v6 =	vadd.s32 v1, v6;
	_ =	sdelay $0x1  }
0x92: {  	v5 =	vadd.s32 v1, v5;
	_ =	sdelay $0x2  }
0x93: {  	[tilespmem:s8], [sflag:$0x1] =	stream.indirect_vreg.gather [hbm4b:s4+s21], $0x80, v6, vm0, $0xb8;
	[tilespmem:$0x1A300] =	vst v63  }
0x94: {  	_ = 	snop  }
0x95: {  	[tilespmem:s9], [sflag:$0x1] =	stream.indirect_vreg.gather [hbm4b:s4+s21], $0x80, v5, vm0, $0xb8;
	[tilespmem:$0x1A300] =	vst v63  }
0x96: {  	_ =	swait.ge [sflag:s15], $0x5000  }
0x97: {  	[sflag:s15] =	ssyncset.done $0x0  }
0x98: {  	s22 =	simm.s32 $0x0;
	[sflag:s15] =	ssyncadd.s32 $0xFFFFB000  }
.LBB2_3:
0x99: {  	s23 =	sshll.u32 s22, $0x4  }
0x9a: {  	v6 =	vmov s21;
	v5 =	vmov s23  }
0x9b: {  	s24 =	simm.s32 $0x2;
	s25 =	simm.s32 $0x1;
	v7 =	vand.u32 $0x7C, v6;
	v6 =	vshll.u32 v6, $0x3;
	v5 =	vshll.u32 v5, $0x8  }
0x9c: {  	v8 =	vmov s24;
	v9 =	vmov s25;
	v5 =	vor.u32 v3, v5  }
0x9d: {  	v6 =	vand.u32 $0x400, v6;
	v10 =	vand.u32 $0x7E, v8;
	v5 =	vand.u32 $0x7800, v5  }
0x9e: {  	v8 =	vshll.u32 v8, $0x3;
	v6 =	vor.u32 v6, v7;
	v5 =	vor.u32 v4, v5  }
0x9f: {  	v7 =	vshll.u32 v9, $0x3;
	v8 =	vand.u32 $0x400, v8;
	v11 =	vor.u32 v5, v6  }
0xa0: {  	v7 =	vand.u32 $0x400, v7;
	v8 =	vor.u32 v8, v10;
	v6 =	vand.u32 $0x7D, v9  }
0xa1: {  	s29 =	simm.s32 $0x3;
	s25 =	simm.s32 $0xA300;
	v10 =	vor.u32 v5, v8;
	v6 =	vor.u32 v7, v6  }
0xa2: {  	s24 =	simm.s32 $0x12300;
	v9 =	vmov s29;
	v7 =	vld [tilespmem:s25+$0xFFFFFF00];
	v12 =	vor.u32 v5, v6  }
0xa3: {  	v8 =	vshll.u32 v9, $0x3;
	v6 =	vld [tilespmem:s24+$0xFFFFFF00]  }
0xa4: {  	s26 =	simm.s32 $0x4;
	v9 =	vand.u32 $0x7F, v9;
	v8 =	vand.u32 $0x400, v8;
	v14 =	vld.idx.msk [tilespmem:v11+s19+$0x0], $0xffff  }
0xa5: {  	s31 =	simm.s32 $0x6;
	s28 =	simm.s32 $0x7;
	v13 =	vmov s26;
	v8 =	vor.u32 v8, v9;
	v11 =	vld.idx.msk [tilespmem:v11+s30+$0x0], $0xffff  }
0xa6: {  	v17 =	vmov s31;
	v15 =	vmov s28;
	v16 =	vor.u32 v5, v8;
	v9 =	vld.idx.msk [tilespmem:v10+s19+$0x0], $0xffff  }
0xa7: {  	v18 =	vand.u32 $0x7C, v13;
	v22 =	vshll.u32 v13, $0x3;
	v23 =	vshll.u32 v15, $0x3;
	s29 =	simm.s32 $0x5;
	v20 =	vld.idx.msk [tilespmem:v12+s19+$0x0], $0xffff  }
0xa8: {  	v24 =	vand.u32 $0x7E, v17;
	v25 =	vshll.u32 v17, $0x3;
	v19 =	vmov s29;
	v21 =	vld.idx.msk [tilespmem:v12+s30+$0x0], $0xffff  }
0xa9: {  	v12 =	vand.u32 $0x7F, v15;
	v15 =	vld.idx.msk [tilespmem:v10+s30+$0x0], $0xffff;
	v10 =	vand.u32 $0x7D, v19;
	v19 =	vshll.u32 v19, $0x3  }
0xaa: {  	v22 =	vand.u32 $0x400, v22;
	v17 =	vand.u32 $0x400, v23;
	v23 =	vand.u32 $0x400, v19;
	v19 =	vld [tilespmem:s25+$0xFFFFFF80]  }
0xab: {  	v18 =	vor.u32 v22, v18;
	v13 =	vld.idx.msk [tilespmem:v16+s19+$0x0], $0xffff  }
0xac: {  	v22 =	vand.u32 $0x400, v25;
	v18 =	vor.u32 v5, v18;
	v8 =	vimm.f32 $0.0e+00;
	v16 =	vld.idx.msk [tilespmem:v16+s30+$0x0], $0xffff  }
0xad: {  	v23 =	vor.u32 v23, v10;
	v10 =	vor.u32 v22, v24;
	v22 =	vadd.f32 v11, v14;
	v14 =	vld [tilespmem:s24+$0xFFFFFF80]  }
0xae: {  	s26 =	simm.s32 $0x8;
	v10 =	vor.u32 v5, v10;
	v11 =	vimm.f32 $0.0e+00;
	v21 =	vadd.f32 v21, v20;
	v20 =	vld [tilespmem:s25+$0x0]  }
.LBB2_4:
0xaf: {  	p0 =	sne.s32 s26, $0xFC;
	v23 =	vor.u32 v5, v23;
	v22 =	vmax.f32 v22, $0.0e+00;
	v9 =	vadd.f32 v15, v9;
	v15 =	vld [tilespmem:s24+$0x0]  }
0xb0: {  	v24 =	vmul.f32 v22, v7;
	v6 =	vmul.f32 v6, v22;
	v21 =	vmax.f32 v21, $0.0e+00;
	v22 =	vld [tilespmem:s25+$0x80]  }
0xb1: {  	v13 =	vadd.f32 v16, v13;
	s25 =	sadd.s32 $0x200, s25;
	v19 =	vmul.f32 v21, v19;
	v9 =	vmax.f32 v9, $0.0e+00;
	v16 =	vld [tilespmem:s24+$0x80]  }
0xb2: {  	s24 =	sadd.s32 $0x200, s24;
	v7 =	vld [tilespmem:s25+$0xFFFFFF00];
	v8 =	vadd.f32 v24, v8;
	v11 =	vadd.f32 v6, v11;
	v14 =	vmul.f32 v14, v21  }
0xb3: {  	v12 =	vor.u32 v17, v12;
	v13 =	vmax.f32 v13, $0.0e+00;
	v6 =	vld [tilespmem:s24+$0xFFFFFF00];
	v17 =	vmul.f32 v9, v20  }
0xb4: {  	v20 =	vld.idx.msk [tilespmem:v18+s19+$0x0], $0xffff;
	v8 =	vadd.f32 v19, v8;
	v11 =	vadd.f32 v14, v11;
	v14 =	vmul.f32 v15, v9  }
0xb5: {  	v15 =	vmov s26;
	v19 =	vor.u32 v5, v12;
	v18 =	vld.idx.msk [tilespmem:v18+s30+$0x0], $0xffff;
	v12 =	vmul.f32 v13, v22  }
0xb6: {  	s28 =	sadd.s32 $0x2, s26;
	s29 =	sadd.s32 $0x3, s26;
	v9 =	vld.idx.msk [tilespmem:v10+s19+$0x0], $0xffff;
	v8 =	vadd.f32 v17, v8;
	v11 =	vadd.f32 v14, v11;
	v13 =	vmul.f32 v16, v13  }
0xb7: {  	s31 =	sadd.s32 $0x1, s26;
	v14 =	vand.u32 $0x7C, v15;
	v16 =	vmov s28;
	v17 =	vmov s29;
	v21 =	vld.idx.msk [tilespmem:v23+s19+$0x0], $0xffff  }
0xb8: {  	v22 =	vmov s31;
	v24 =	vld.idx.msk [tilespmem:v23+s30+$0x0], $0xffff;
	v8 =	vadd.f32 v12, v8;
	v11 =	vadd.f32 v13, v11  }
0xb9: {  	v23 =	vshll.u32 v15, $0x3;
	v12 =	vand.u32 $0x7F, v17;
	v17 =	vshll.u32 v17, $0x3;
	v15 =	vld.idx.msk [tilespmem:v10+s30+$0x0], $0xffff  }
.Ltmp0:
0xba: {  	v25 =	vand.u32 $0x7E, v16;
	v26 =	vshll.u32 v16, $0x3;
	v10 =	vand.u32 $0x7D, v22;
	v13 =	vld.idx.msk [tilespmem:v19+s19+$0x0], $0xffff;
	(pc) =	sbr.rel @p0 .LBB2_4-.Ltmp0, $4  }
0xbb: {  	v23 =	vand.u32 $0x400, v23;
	v22 =	vshll.u32 v22, $0x3;
	v17 =	vand.u32 $0x400, v17;
	v16 =	vld.idx.msk [tilespmem:v19+s30+$0x0], $0xffff  }
0xbc: {  	v27 =	vor.u32 v23, v14;
	v14 =	vand.u32 $0x400, v22;
	v22 =	vand.u32 $0x400, v26;
	v19 =	vld [tilespmem:s25+$0xFFFFFF80]  }
0xbd: {  	v23 =	vor.u32 v14, v10;
	v10 =	vor.u32 v22, v25;
	v22 =	vadd.f32 v18, v20;
	v14 =	vld [tilespmem:s24+$0xFFFFFF80]  }
0xbe: {  	s26 =	sadd.s32 $0x4, s26;
	v18 =	vor.u32 v5, v27;
	v10 =	vor.u32 v5, v10;
	v21 =	vadd.f32 v24, v21;
	v20 =	vld [tilespmem:s25+$0x0]  }
0xbf: {  	_ =	sdelay $0x1  }
0xc0: {  	v24 =	vld [tilespmem:s24+$0x0]  }
0xc1: {  	v23 =	vor.u32 v5, v23;
	v25 =	vld [tilespmem:s25+$0x80]  }
0xc2: {  	v39 =	vld.idx.msk [tilespmem:v18+s19+$0x0], $0xffff  }
0xc3: {  	v40 =	vld.idx.msk [tilespmem:v18+s30+$0x0], $0xffff  }
0xc4: {  	v12 =	vor.u32 v17, v12;
	v22 =	vmax.f32 v22, $0.0e+00;
	v41 =	vld.idx.msk [tilespmem:v10+s19+$0x0], $0xffff  }
0xc5: {  	v46 =	vld.idx.msk [tilespmem:v10+s30+$0x0], $0xffff;
	v5 =	vor.u32 v5, v12;
	v7 =	vmul.f32 v22, v7  }
0xc6: {  	v9 =	vadd.f32 v15, v9;
	v42 =	vmax.f32 v21, $0.0e+00;
	v43 =	vld.idx.msk [tilespmem:v23+s19+$0x0], $0xffff  }
0xc7: {  	s29 =	sadd.s32 $0x200, s25;
	v44 =	vmul.f32 v42, v19;
	v7 =	vadd.f32 v7, v8;
	v45 =	vld.idx.msk [tilespmem:v23+s30+$0x0], $0xffff  }
0xc8: {  	v26 =	vld [tilespmem:s29+$0xFFFFFF00];
	v13 =	vadd.f32 v16, v13;
	v9 =	vmax.f32 v9, $0.0e+00  }
0xc9: {  	v49 =	vld [tilespmem:s29+$0xFFFFFF80];
	v47 =	vmul.f32 v9, v20;
	v7 =	vadd.f32 v44, v7  }
0xca: {  	v13 =	vmax.f32 v13, $0.0e+00;
	v17 =	vadd.f32 v40, v39;
	v48 =	vld.idx.msk [tilespmem:v5+s19+$0x0], $0xffff  }
0xcb: {  	v6 =	vmul.f32 v6, v22;
	v50 =	vmul.f32 v13, v25;
	v5 =	vld.idx.msk [tilespmem:v5+s30+$0x0], $0xffff;
	v7 =	vadd.f32 v47, v7  }
0xcc: {  	v52 =	vld [tilespmem:s29+$0x0];
	v17 =	vmax.f32 v17, $0.0e+00;
	v51 =	vadd.f32 v45, v43  }
0xcd: {  	v53 =	vld [tilespmem:s24+$0x80];
	v6 =	vadd.f32 v6, v11;
	v54 =	vmul.f32 v17, v26;
	v7 =	vadd.f32 v50, v7  }
0xce: {  	v55 =	vld [tilespmem:s29+$0x80];
	v14 =	vmul.f32 v14, v42;
	v10 =	vadd.f32 v46, v41;
	v11 =	vmax.f32 v51, $0.0e+00  }
0xcf: {  	s31 =	sadd.s32 $0x200, s24;
	v7 =	vadd.f32 v54, v7;
	v56 =	vmul.f32 v11, v49  }
0xd0: {  	v57 =	vld [tilespmem:s31+$0xFFFFFF00];
	v6 =	vadd.f32 v14, v6;
	v10 =	vmax.f32 v10, $0.0e+00;
	v5 =	vadd.f32 v5, v48  }
0xd1: {  	v59 =	vld [tilespmem:$0x1A200];
	v9 =	vmul.f32 v24, v9;
	v16 =	vmul.f32 v10, v52;
	v7 =	vadd.f32 v56, v7  }
0xd2: {  	v58 =	vld [tilespmem:s31+$0xFFFFFF80];
	v13 =	vmul.f32 v53, v13;
	v5 =	vmax.f32 v5, $0.0e+00  }
0xd3: {  	v6 =	vadd.f32 v9, v6;
	v12 =	vmul.f32 v5, v55;
	v7 =	vadd.f32 v16, v7  }
0xd4: {  	v60 =	vld [tilespmem:s31+$0x0]  }
0xd5: {  	v61 =	vmul.f32 v57, v17;
	v6 =	vadd.f32 v13, v6;
	v7 =	vadd.f32 v12, v7  }
0xd6: {  	v62 =	vld [tilespmem:s31+$0x80]  }
0xd7: {  	v6 =	vadd.f32 v61, v6;
	v8 =	vmul.f32 v58, v11;
	v7 =	vadd.f32 v59, v7;
	_ =	sdelay $0x1  }
0xd8: {  	v63 =	vmul.f32 v60, v10;
	v6 =	vadd.f32 v8, v6;
	[tilespmem:s23+$0xA100] =	vst v7  }
0xd9: {  	v7 =	vld [tilespmem:$0x1A280]  }
0xda: {  	s22 =	sadd.s32 $0x1, s22;
	v5 =	vmul.f32 v62, v5;
	v6 =	vadd.f32 v63, v6  }
0xdb: {  	p0 =	sne.s32 s22, $0x5  }
.Ltmp1:
0xdc: {  	v5 =	vadd.f32 v5, v6;
	(pc) =	sbr.rel @p0 .LBB2_3-.Ltmp1, $3  }
0xdd: {  	_ = 	snop  }
0xde: {  	v5 =	vadd.f32 v7, v5;
	_ =	sdelay $0x1  }
0xdf: {  	[tilespmem:s23+$0xA180] =	vst v5  }
0xe0: {  	s21 =	sadd.s32 s10, s20  }
0xe1: {  	[hbm4b:s21+s2] =	stream.linear.scatter [tilespmem:s13], [sflag:$0x1], $0x50, $0x38;
	[tilespmem:$0x1A300] =	vst v63  }
0xe2: {  	s18 =	sadd.s32 $0x1, s18;
	_ =	swait.ge [sflag:s15], $0x50  }
0xe3: {  	p0 =	sne.s32 s18, $0x19;
	[sflag:s15] =	ssyncset.done $0x0  }
.Ltmp2:
0xe4: {  	s31 =	sadd.s32 s11, s20;
	[sflag:s15] =	ssyncadd.s32 $0xFFFFFFB0;
	(pc) =	sbr.rel @p0 .LBB2_2-.Ltmp2, $4  }
0xe5: {  	[hbm4b:s31+s2] =	stream.linear.scatter [tilespmem:s1], [sflag:$0x1], $0x50, $0x38;
	[tilespmem:$0x1A300] =	vst v63  }
0xe6: {  	_ =	swait.ge [sflag:s15], $0x50  }
0xe7: {  	[sflag:s15] =	ssyncset.done $0x0  }
0xe8: {  	[sflag:s15] =	ssyncadd.s32 $0xFFFFFFB0  }
0xe9: {  	s20 =	rddreg [dreg:$0x7]  }
0xea: {  	s18 =	rddreg [dreg:$0x6];
	s20 =	sadd.s32 $0x1, s20  }
0xeb: {  	p0 =	sne.s32 s20, s18  }
.Ltmp3:
0xec: {  	_ = 	snop;
	(pc) =	sbr.rel @p0 .LBB2_1-.Ltmp3, $1  }
0xed: {  	_ =	sdelay $0x3  }
0xee: {  	_ =	sfence.sel $0x180000  }
0xef: {  	[bflag:$0x0] =	sbarrier.arrive $0xFFFF  }
0xf0: {  	_ =	strace $0x90000050  }
0xf1: {  	s0 =	stileid.u32;
	[bflag:$0x2] =	sbarrier.arrive $0xFFFF  }
0xf2: {  	p0 =	sne.s32 s0, $0x0;
	s0 =	rddreg [dreg:$0x2]  }
0xf3: {  	s0 =	sadd.s32 @!p0 $0x100000, s0  }
0xf4: {  	[sflag:s0] =	ssyncadd.tile.s32 @!p0 $0x1;
	_ =	shalt  }
.Lfunc_end2:
_tile_overlayer_lowered:
.L_overlay_start_2:
0xf5: {  	(tag) =	ssettag $0x2  }
0xf6: {  	s0 =	rddreg [dreg:$0x0];
	s2 =	stileid.u32  }
0xf7: {  	s1 =	rddreg [dreg:$0x1];
	p0 =	sne.s32 s2, $0x0  }
0xf8: {  	s3 =	rddreg [dreg:$0x2];
	[bflag:$0x3] =	sbarrier.arrive $0xFFFF;
	s2 =	simm.s32 @!p0 $0x1C01  }
0xf9: {  	[timem:s3], [sflag:s2] =	dma.local @!p0 [hbm:s0], s1  }
0xfa: {  	s0 =	simm.s32 @!p0 $0x1  }
0xfb: {  	_ =	swait.ge @!p0 [sflag:s0], s1  }
0xfc: {  	s1 =	ssub.s32 @!p0 $0x0, s1;
	[sflag:s0] =	ssyncset.done @!p0 $0x0  }
0xfd: {  	[sflag:s0] =	ssyncadd.s32 @!p0 s1  }
0xfe: {  	[bflag:$0x3] =	sbarrier.arrive $0xFFFF  }
0xff: {  	_ =	shalt  }

// kernel: kernel.8.cloned.1.call-start
scs
__scs_entry_jumppad:
0x0: {  	(pc) =	sbr.rel $0x88, $3  }
0x1: {  	(tag) =	ssettag $0x0;
	lr =	simm.s32 $0x1  }
0x2: {  	[smem:$0x3F8F] =	sst lr;
	_ =	strace $0xD0000000  }
0x3: {  	_ = 	snop  }
0x4: {  	_ = 	snop  }
0x5: {  	_ = 	snop  }
0x6: {  	_ = 	snop  }
0x7: {  	_ = 	snop  }
__scs_overlays_trampoline_lowered:
0x8: {  	[smem:$0x3F9E] =	sst s0  }
0x9: {  	[smem:$0x3F9F] =	sst s1  }
0xa: {  	[smem:$0x3FA0] =	sst s2  }
0xb: {  	[smem:$0x3FA1] =	sst s3  }
0xc: {  	[smem:$0x3FA2] =	sst s4  }
0xd: {  	[smem:$0x3FA3] =	sst s5  }
0xe: {  	[smem:$0x3FA4] =	sst s6  }
0xf: {  	[smem:$0x3FA5] =	sst s7  }
0x10: {  	[smem:$0x3FA6] =	sst s8  }
0x11: {  	[smem:$0x3FA7] =	sst s9;
	s0 =	simm.s32 @!p0 $0x0  }
0x12: {  	s1 =	sld [smem:$0x3F8D];
	s0 =	simm.s32 @p0 $0x1  }
0x13: {  	[smem:$0x3FA8] =	sst s0;
	s0 =	simm.s32 @!p1 $0x0  }
0x14: {  	s2 =	sld [smem:$0x3F8C];
	s0 =	simm.s32 @p1 $0x1  }
0x15: {  	[smem:$0x3FA9] =	sst s0;
	s0 =	simm.s32 @!p2 $0x0  }
0x16: {  	s3 =	sld [smem:$0x3FDB];
	s0 =	simm.s32 @p2 $0x1  }
0x17: {  	s4 =	simm.s32 $0x1BF5;
	[smem:$0x3FAB] =	sst s0  }
0x18: {  	s0 =	sld [smem:$0x3F8E];
	_ =	swait.ge [sflag:s4], $0x0  }
0x19: {  	s7 =	sld [smem:$0x3F8F]  }
0x1a: {  	s8 =	sadd.s32 $0xFFFFE003, lr  }
0x1b: {  	s9 =	sadd.s32 $0xFFFFFEF7, lr;
	s5 =	simm.s32 $0xFFFFFFFF;
	p2 =	slt.u32 s8, $0xFFFFF086  }
0x1c: {  	p1 =	slt.u32 s9, $0xF7A;
	s5 =	simm.s32 @!p2 $0x0  }
0x1d: {  	s5 =	simm.s32 @p1 $0x1;
	p0 =	seq.s32 s7, s2  }
0x1e: {  	s7 =	smul.u32 @!p0 $0xF7A, s2;
	p2 =	seq.s32 @!p0 s5, $0x0  }
0x1f: {  	s9 =	smul.u32 $0xF7A, s1;
	s8 =	simm.s32 @!p0 $0x1BF5;
	p2 =	por !p2, p0  }
0x20: {  	[sflag:s8] =	ssyncset.s32 @!p0 $0xFFFFF086;
	s6 =	sadd.s32 @!p0 s3, s7;
	s7 =	simm.s32 @!p0 $0x108  }
0x21: {  	s3 =	sadd.s32 s3, s9;
	s6 =	sadd.s32 @!p0 $0x88, s6;
	s7 =	simm.s32 @p2 $0x1082  }
0x22: {  	[simem:s7], [sflag:s8] =	dma.local @!p0 [hbm:s6], $0xF7A  }
0x23: {  	s9 =	sor.u32 $0xD0000000, s2;
	s6 =	simm.s32 $0x108;
	_ =	swait.ge @!p0 [sflag:s8], $0x0  }
0x24: {  	s3 =	sadd.s32 $0x88, s3;
	s6 =	simm.s32 @!p1 $0x1082;
	[sflag:s4] =	ssyncset.s32 $0xFFFFF086  }
0x25: {  	[simem:s6], [sflag:s4] =	dma.local [hbm:s3], $0xF7A  }
0x26: {  	[smem:$0x3F8F] =	sst s1;
	(tag) =	ssettag s2;
	_ =	strace s9  }
0x27: {  	s1 =	sld [smem:$0x3F9F]  }
0x28: {  	s2 =	sld [smem:$0x3FA0]  }
0x29: {  	s4 =	sld [smem:$0x3FA2]  }
0x2a: {  	p0 =	seq.s32 s5, $0x0;
	s5 =	sld [smem:$0x3FA3]  }
0x2b: {  	s6 =	sld [smem:$0x3FA4]  }
0x2c: {  	s7 =	sld [smem:$0x3FA5]  }
0x2d: {  	s3 =	simm.s32 $0x108;
	s8 =	sld [smem:$0x3FA6]  }
0x2e: {  	s3 =	simm.s32 @!p0 $0x1082;
	s9 =	sld [smem:$0x3FA7]  }
0x2f: {  	lr =	sadd.s32 s0, s3;
	s0 =	sld [smem:$0x3F9E]  }
0x30: {  	s3 =	sld [smem:$0x3FA1]  }
0x31: {  	[smem:$0x3FAA] =	sst s10  }
0x32: {  	s10 =	sld [smem:$0x3FA8];
	_ =	sdelay $0x3  }
0x33: {  	p0 =	seq.s32 s10, $0x1;
	s10 =	sld [smem:$0x3FAA];
	_ =	sdelay $0x3  }
0x34: {  	[smem:$0x3FAA] =	sst s10  }
0x35: {  	s10 =	sld [smem:$0x3FA9];
	_ =	sdelay $0x3  }
0x36: {  	p1 =	seq.s32 s10, $0x1;
	s10 =	sld [smem:$0x3FAA];
	_ =	sdelay $0x3  }
0x37: {  	[smem:$0x3FAA] =	sst s10  }
0x38: {  	s10 =	sld [smem:$0x3FAB]  }
0x39: {  	_ = 	snop;
	(pc) =	sbr.ind lr, $3  }
0x3a: {  	_ = 	snop  }
0x3b: {  	_ = 	snop  }
0x3c: {  	p2 =	seq.s32 s10, $0x1;
	s10 =	sld [smem:$0x3FAA]  }
0x3d: {  	_ =	shalt  }
0x3e: {  	_ =	shalt  }
0x3f: {  	_ =	shalt  }
0x40: {  	_ =	shalt  }
0x41: {  	_ =	shalt  }
0x42: {  	_ =	shalt  }
0x43: {  	_ =	shalt  }
0x44: {  	_ =	shalt  }
0x45: {  	_ =	shalt  }
0x46: {  	_ =	shalt  }
0x47: {  	_ =	shalt  }
0x48: {  	_ =	shalt  }
0x49: {  	_ =	shalt  }
0x4a: {  	_ =	shalt  }
0x4b: {  	_ =	shalt  }
0x4c: {  	_ =	shalt  }
0x4d: {  	_ =	shalt  }
0x4e: {  	_ =	shalt  }
0x4f: {  	_ =	shalt  }
0x50: {  	_ =	shalt  }
0x51: {  	_ =	shalt  }
0x52: {  	_ =	shalt  }
0x53: {  	_ =	shalt  }
0x54: {  	_ =	shalt  }
0x55: {  	_ =	shalt  }
0x56: {  	_ =	shalt  }
0x57: {  	_ =	shalt  }
0x58: {  	_ =	shalt  }
0x59: {  	_ =	shalt  }
0x5a: {  	_ =	shalt  }
0x5b: {  	_ =	shalt  }
0x5c: {  	_ =	shalt  }
0x5d: {  	_ =	shalt  }
0x5e: {  	_ =	shalt  }
0x5f: {  	_ =	shalt  }
0x60: {  	_ =	shalt  }
0x61: {  	_ =	shalt  }
0x62: {  	_ =	shalt  }
0x63: {  	_ =	shalt  }
0x64: {  	_ =	shalt  }
0x65: {  	_ =	shalt  }
0x66: {  	_ =	shalt  }
0x67: {  	_ =	shalt  }
0x68: {  	_ =	shalt  }
0x69: {  	_ =	shalt  }
0x6a: {  	_ =	shalt  }
0x6b: {  	_ =	shalt  }
0x6c: {  	_ =	shalt  }
0x6d: {  	_ =	shalt  }
0x6e: {  	_ =	shalt  }
0x6f: {  	_ =	shalt  }
0x70: {  	_ =	shalt  }
0x71: {  	_ =	shalt  }
0x72: {  	_ =	shalt  }
0x73: {  	_ =	shalt  }
0x74: {  	_ =	shalt  }
0x75: {  	_ =	shalt  }
0x76: {  	_ =	shalt  }
0x77: {  	_ =	shalt  }
0x78: {  	_ =	shalt  }
0x79: {  	_ =	shalt  }
0x7a: {  	_ =	shalt  }
0x7b: {  	_ =	shalt  }
0x7c: {  	_ =	shalt  }
0x7d: {  	_ =	shalt  }
0x7e: {  	_ =	shalt  }
0x7f: {  	_ =	shalt  }
0x80: {  	_ =	shalt  }
0x81: {  	_ =	shalt  }
0x82: {  	_ =	shalt  }
0x83: {  	_ =	shalt  }
0x84: {  	_ =	shalt  }
0x85: {  	_ =	shalt  }
0x86: {  	_ =	shalt  }
0x87: {  	_ =	shalt  }
.Lfunc_end0:
.L_simem_size_0:
called_computation_lowered:
.L_overlay_start_0:
0x88: {  	s2 =	sld [smem:$0x3FD9]  }
0x89: {  	s3 =	sld [smem:$0x3FFE];
	_ =	sdelay $0x1  }
0x8a: {  	s1 =	srdreg.scid  }
0x8b: {  	s0 =	sand.u32 $0x1, s1  }
0x8c: {  	s17 =	sshll.u32 s0, $0xA;
	s2 =	sadd.s32 s3, s2  }
0x8d: {  	s2 =	sadd.s32 s2, s17  }
0x8e: {  	[smem:$0x3FB6] =	sst s2  }
0x8f: {  	_ = 	snop  }
0x90: {  	s2 =	sld [smem:$0x3FC9]  }
0x91: {  	s18 =	sld [smem:$0x3FC7];
	(tm) =	ssettm $0x1  }
0x92: {  	s4 =	sld [smem:$0x3FFB];
	_ =	sdelay $0x3  }
0x93: {  	_ =	strace s4  }
0x94: {  	s4 =	sld [smem:$0x3FFC];
	_ =	sdelay $0x3  }
0x95: {  	_ =	strace s4  }
0x96: {  	s4 =	sld [smem:$0x3FFD];
	_ =	sdelay $0x3  }
0x97: {  	_ =	strace s4  }
0x98: {  	_ =	strace $0x8FFFFFFF  }
0x99: {  	s19 =	sld [smem:$0x3FDB];
	_ =	sdelay $0x1  }
0x9a: {  	s5 =	simm.s32 $_scs_section_size  }
0x9b: {  	s6 =	simm.s32 $_size__tile_overlayer_lowered;
	s7 =	simm.s32 $_tile_overlayer_lowered  }
0x9c: {  	s22 =	simm.s32 $0x1BFF;
	s21 =	sshll.u32 s7, $0x1;
	s4 =	sadd.s32 s5, s19  }
0x9d: {  	s8 =	simm.s32 $0x0;
	s20 =	sshll.u32 s6, $0x1;
	s6 =	sadd.s32 s21, s4  }
0x9e: {  	[timem:s8], [sflag:s22] =	dma.local [hbm:s6], s20  }
0x9f: {  	_ =	swait.ge [sflag:s22], s20  }
0xa0: {  	s5 =	ssub.s32 $0x0, s20;
	[sflag:s22] =	ssyncset.done $0x0  }
0xa1: {  	[sflag:s22] =	ssyncadd.s32 s5;
	_ =	sdelay $0x1  }
0xa2: {  	s23 =	simm.s32 $0x1B8B  }
0xa3: {  	_ =	swait.ge [sflag:s23], $0x1  }
0xa4: {  	[sflag:s23] =	ssyncset.done $0x0  }
0xa5: {  	s25 =	simm.s32 $0x1B8E;
	s24 =	sld [smem:$0x3FFE];
	[sflag:s23] =	ssyncadd.s32 $0xFFFFFFFF  }
0xa6: {  	s26 =	simm.s32 $execute0_lowered;
	[smem:$0x3FD2] =	sst s25  }
0xa7: {  	s6 =	sshll.u32 s26, $0x1;
	_ =	strace $0x80000046;
	[dreg:$0x1] =	wrdreg $0xFFFFFFFF  }
0xa8: {  	s28 =	simm.s32 $_size_execute0_lowered;
	s4 =	sadd.s32 s4, s6;
	[dreg:$0x0] =	wrdreg $0x0  }
0xa9: {  	s6 =	sshll.u32 s28, $0x1;
	[dreg:$0x2] =	wrdreg s4  }
0xaa: {  	[dreg:$0x3] =	wrdreg s6  }
0xab: {  	[dreg:$0x4] =	wrdreg $0xC0  }
0xac: {  	_ =	task [dreg:s8], $0x5FFFF  }
0xad: {  	[dreg:$0x1] =	wrdreg $0xFFFFFFFF  }
0xae: {  	[dreg:$0x0] =	wrdreg $0x60  }
0xaf: {  	[dreg:$0x2] =	wrdreg s2  }
0xb0: {  	[dreg:$0x3] =	wrdreg s24  }
0xb1: {  	[dreg:$0x4] =	wrdreg s18  }
0xb2: {  	[dreg:$0x5] =	wrdreg $0x51800  }
0xb3: {  	[dreg:$0x6] =	wrdreg $0x9  }
0xb4: {  	_ =	task.clear_ibuf [dreg:s8], $0x7FFFF;
	_ =	strace $0x90000046  }
0xb5: {  	s29 =	simm.s32 $0x9;
	_ =	strace $0x80000048  }
0xb6: {  	_ =	swait.ge [sflag:s29], $0x1  }
0xb7: {  	[sflag:s29] =	ssyncadd.s32 $0xFFFFFFFF  }
0xb8: {  	_ =	strace $0x90000048  }
0xb9: {  	_ =	sfence  }
0xba: {  	s30 =	sld [smem:$0x0];
	_ =	sdelay $0x2  }
0xbb: {  	s31 =	sshll.u32 s1, $0xD;
	s1 =	sshrl.u32 s1, $0x2  }
0xbc: {  	s3 =	sand.u32 $0x4000, s31;
	s1 =	sadd.s32 s1, s30  }
0xbd: {  	s0 =	sor.u32 s3, s0;
	s1 =	sshll.u32 s1, $0x11  }
0xbe: {  	s0 =	sor.u32 s1, s0  }
0xbf: {  	s0 =	sadd.s32 $0x8F2B, s0  }
0xc0: {  	[sflag:s0] =	ssyncadd.remote.s32 $0x1  }
0xc1: {  	_ =	sfence.sel $0xFFFF  }
0xc2: {  	[dreg:$0x0] =	wrdreg $0xFFFFFFFF;
	(pc) =	sbr.abs _section_cstart, $3  }
0xc3: {  	[dreg:$0x1] =	wrdreg $0xFFFFFFFF  }
0xc4: {  	_ =	task.clear_ibuf [dreg:s8], $0x2FFFF;
	_ =	strace $0x9FFFFFFF  }
0xc5: {  	(tm) =	ssettm $0x7FFFFFFF  }
tec
execute0_lowered:
.L_overlay_start_1:
0x0: {  	(tag) =	ssettag $0x1  }
0x1: {  	s1 =	rddreg [dreg:$0x0]  }
0x2: {  	s8 =	rddreg [dreg:$0x1]  }
0x3: {  	s2 =	rddreg [dreg:$0x2]  }
0x4: {  	s3 =	rddreg [dreg:$0x3]  }
0x5: {  	s0 =	rddreg [dreg:$0x4];
	s5 =	simm.s32 $0x0;
	s6 =	srdreg.scid  }
0x6: {  	s4 =	stileid.u32;
	s15 =	simm.s32 $0x1;
	s16 =	simm.s32 $0x80  }
0x7: {  	s17 =	simm.s32 $0x100;
	s18 =	simm.s32 $0x2980;
	s19 =	simm.s32 $0x400  }
0x8: {  	s20 =	simm.s32 $0x0;
	[smem:$0x7FF] =	sst s5;
	s9 =	sand.u32 $0x1, s6  }
0x9: {  	s26 =	sshll.u32 s4, $0x1;
	s11 =	smul.u32 $0x14000, s4;
	s7 =	sshrl.u32 s4, $0x2  }
0xa: {  	s6 =	sadd.s32 $0xEA00, s8;
	_ =	strace $0x80000047;
	s10 =	smul.u32 $0x140000, s9  }
0xb: {  	s12 =	sor.u32 s9, s26;
	s13 =	smul.u32 $0x14000, s7;
	s9 =	ssub.s32 $0x2, s9  }
0xc: {  	s7 =	sadd.s32 $0x4C00, s8;
	s14 =	sshll.u32 s12, $0x7;
	s31 =	sshrl.u32 s9, $0x1  }
0xd: {  	s10 =	sadd.s32 s11, s10;
	s28 =	sand.u32 $0x380, s14;
	s14 =	simm.s32 $0x180  }
0xe: {  	s10 =	sshrl.u32 s10, $0x3;
	s11 =	sor.u32 s13, s28;
	s13 =	simm.s32 $0x50  }
0xf: {  	s30 =	sshrl.u32 s11, $0x3;
	s11 =	ssub.s32 s9, s31;
	s9 =	smul.u32 $0x2710, s12  }
0x10: {  	s29 =	sadd.s32 s10, s8;
	s10 =	sadd.s32 s30, s8;
	s8 =	smul.u32 $0x280, s4  }
0x11: {  	v0 =	vimm.f32 $0.0e+00;
	v1 =	vlaneseq.u32;
	s11 =	smax.u32 s11, $0x1;
	s12 =	sadd.s32 $0x22800, s29;
	s10 =	sadd.s32 $0x18800, s10  }
.LBB2_1:
0x12: {  	s21 =	simm.s32 $0x0;
	s22 =	simm.s32 $0x200  }
.LBB2_2:
0x13: {  	p0 =	sne.s32 s22, $0x9E00;
	[tilespmem:s21+$0x1F0] =	vst v0  }
0x14: {  	[tilespmem:s21+$0x180] =	vst v0  }
0x15: {  	[tilespmem:s21+$0x190] =	vst v0  }
.Ltmp0:
0x16: {  	[tilespmem:s21+$0x1A0] =	vst v0;
	(pc) =	sbr.rel @p0 .LBB2_2-.Ltmp0, $4  }
0x17: {  	[tilespmem:s21+$0x1B0] =	vst v0  }
0x18: {  	[tilespmem:s21+$0x1C0] =	vst v0  }
0x19: {  	[tilespmem:s21+$0x1D0] =	vst v0  }
0x1a: {  	[tilespmem:s21+$0x1E0] =	vst v0;
	s21 =	sshra.s32 s22, $0x2;
	s22 =	sadd.s32 $0x200, s22  }
0x1b: {  	[tilespmem:s21+$0x1F0] =	vst v0  }
0x1c: {  	[tilespmem:s21+$0x180] =	vst v0  }
0x1d: {  	[tilespmem:s21+$0x190] =	vst v0  }
0x1e: {  	[tilespmem:s21+$0x1A0] =	vst v0  }
0x1f: {  	[tilespmem:s21+$0x1B0] =	vst v0  }
0x20: {  	[tilespmem:s21+$0x1C0] =	vst v0  }
0x21: {  	[tilespmem:s21+$0x1D0] =	vst v0  }
0x22: {  	[tilespmem:s21+$0x1E0] =	vst v0;
	s21 =	simm.s32 $0x40;
	s22 =	simm.s32 $0x0  }
.LBB2_4:
0x23: {  	p0 =	sne.s32 s21, $0x9FC0;
	[tilespmem:s22+$0x2980] =	vst v0;
	s22 =	smov.u32 s21;
	s21 =	sadd.s32 $0x40, s21  }
.Ltmp1:
0x24: {  	(pc) =	sbr.rel @p0 .LBB2_4-.Ltmp1, $2  }
0x25: {  	_ =	sdelay $0x2  }
0x26: {  	s22 =	sshra.s32 s22, $0x2  }
0x27: {  	s21 =	sadd.s32 $0x0, s8  }
0x28: {  	[tilespmem:s22+$0x2980] =	vst v0;
	v2 =	vor.u32 s21, v1;
	s31 =	sadd.s32 $0x40, s21  }
0x29: {  	s23 =	sadd.s32 $0x30, s21;
	[tilespmem:$0x0] =	vst v2;
	v2 =	vor.u32 s31, v1  }
0x2a: {  	s24 =	sadd.s32 $0x20, s21;
	v3 =	vor.u32 s23, v1;
	[tilespmem:$0x40] =	vst v2  }
0x2b: {  	s22 =	sadd.s32 $0x10, s21;
	s21 =	simm.s32 $0x50;
	v2 =	vor.u32 s24, v1;
	[tilespmem:$0x30] =	vst v3  }
.LBB2_6:
0x2c: {  	p0 =	sne.s32 s21, $0x230;
	v3 =	vor.u32 s22, v1;
	[tilespmem:$0x20] =	vst v2  }
0x2d: {  	[tilespmem:$0x10] =	vst v3;
	[spmem:s3] =	stream.indirect.scatter [tilespmem:s14], [sflag:$0x1], $0x80, s5, s13, $0xb8  }
0x2e: {  	_ =	swait.ge [sflag:s15], $0x2800  }
.Ltmp2:
0x2f: {  	s22 =	sadd.s32 s21, s8;
	[sflag:s15] =	ssyncset.done $0x0;
	(pc) =	sbr.rel @p0 .LBB2_6-.Ltmp2, $4  }
0x30: {  	v2 =	vor.u32 s22, v1;
	s23 =	sadd.s32 $0x40, s22;
	[sflag:s15] =	ssyncadd.s32 $0xFFFFD800  }
0x31: {  	s24 =	sadd.s32 $0x30, s22;
	[tilespmem:$0x0] =	vst v2;
	v2 =	vor.u32 s23, v1  }
0x32: {  	v3 =	vor.u32 s24, v1;
	s23 =	sadd.s32 $0x20, s22;
	[tilespmem:$0x40] =	vst v2  }
0x33: {  	s21 =	sadd.s32 $0x50, s21;
	s22 =	sadd.s32 $0x10, s22;
	v2 =	vor.u32 s23, v1;
	[tilespmem:$0x30] =	vst v3  }
0x34: {  	v3 =	vor.u32 s22, v1;
	[tilespmem:$0x20] =	vst v2  }
0x35: {  	[tilespmem:$0x10] =	vst v3  }
0x36: {  	[spmem:s3] =	stream.indirect.scatter [tilespmem:s14], [sflag:$0x1], $0x80, s5, s13, $0xb8;
	[tilespmem:$0x19180] =	vst v63  }
0x37: {  	_ =	swait.ge [sflag:s15], $0x2800  }
0x38: {  	[sflag:s15] =	ssyncset.done $0x0  }
0x39: {  	[sflag:s15] =	ssyncadd.s32 $0xFFFFD800  }
0x3a: {  	s21 =	simm.s32 $0x0;
	s22 =	simm.s32 $0x0;
	[bflag:$0x0] =	sbarrier.arrive $0xFFFF  }
.LBB2_8:
0x3b: {  	s23 =	smul.u32 $0x50, s22;
	_ =	sdelay $0x1  }
0x3c: {  	s23 =	sadd.s32 s9, s23  }
0x3d: {  	s23 =	sshrl.u32 s23, $0x3  }
0x3e: {  	s24 =	sadd.s32 s6, s23  }
0x3f: {  	[tilespmem:s21], [sflag:$0x1] =	stream.linear.gather [hbm4b:s24+s21], $0x50, $0x38;
	[tilespmem:$0x19180] =	vst v63  }
0x40: {  	_ =	swait.ge [sflag:s15], $0x50  }
0x41: {  	[sflag:s15] =	ssyncset.done $0x0  }
0x42: {  	s31 =	sadd.s32 s7, s23;
	[sflag:s15] =	ssyncadd.s32 $0xFFFFFFB0  }
0x43: {  	[tilespmem:s16], [sflag:$0x1] =	stream.linear.gather [hbm4b:s31+s21], $0x50, $0x38;
	[tilespmem:$0x19180] =	vst v63  }
0x44: {  	_ =	swait.ge [sflag:s15], $0x50  }
0x45: {  	[sflag:s15] =	ssyncset.done $0x0  }
0x46: {  	s23 =	sadd.s32 s2, s23;
	[sflag:s15] =	ssyncadd.s32 $0xFFFFFFB0  }
0x47: {  	[tilespmem:s17], [sflag:$0x1] =	stream.linear.gather [hbm4b:s23+s21], $0x50, $0x38;
	[tilespmem:$0x19180] =	vst v63  }
0x48: {  	_ =	swait.ge [sflag:s15], $0x50  }
0x49: {  	[sflag:s15] =	ssyncset.done $0x0  }
0x4a: {  	[sflag:s15] =	ssyncadd.s32 $0xFFFFFFB0  }
0x4b: {  	[tilespmem:s14], [sflag:$0x1] =	stream.indirect.gather [hbm4b:s1+s13], $0x80, s21, s13, $0xb8;
	[tilespmem:$0x19180] =	vst v63  }
0x4c: {  	_ =	swait.ge [sflag:s15], $0x2800  }
0x4d: {  	v2 =	vmov s21;
	[sflag:s15] =	ssyncset.done $0x0  }
0x4e: {  	s23 =	simm.s32 $0x1C0;
	[sflag:s15] =	ssyncadd.s32 $0xFFFFD800  }
0x4f: {  	v5 =	vld [tilespmem:s23+$0x10]  }
0x50: {  	v4 =	vld [tilespmem:s23+$0xFFFFFFE0]  }
0x51: {  	v6 =	vld [tilespmem:s23+$0xFFFFFFF0]  }
0x52: {  	v3 =	vld.idx.msk [tilespmem:v2+s17+$0x0], $0xffff  }
0x53: {  	s25 =	simm.s32 $0x1C0;
	s24 =	simm.s32 $0x1;
	v7 =	vld [tilespmem:s23+$0x0]  }
.LBB2_9:
0x54: {  	p0 =	sne.s32 s24, $0x4F  }
0x55: {  	v8 =	vld [tilespmem:s23+$0xFFFFFFD0];
	s25 =	sadd.s32 $0x80, s25;
	s26 =	smov.u32 s24;
	s24 =	sadd.s32 $0x1, s24  }
0x56: {  	v9 =	vld [tilespmem:s23+$0xFFFFFFC0];
	_ =	sdelay $0x1  }
0x57: {  	v10 =	vld [tilespmem:s23+$0x20]  }
0x58: {  	v5 =	vmul.f32 v5, v3;
	v7 =	vmul.f32 v7, v3;
	v11 =	vld [tilespmem:s23+$0x30]  }
0x59: {  	v4 =	vmul.f32 v4, v3;
	v6 =	vmul.f32 v6, v3  }
0x5a: {  	v12 =	vmov s26;
	v8 =	vmul.f32 v8, v3;
	v9 =	vmul.f32 v9, v3;
	[tilespmem:s23+$0x0] =	vst v7  }
0x5b: {  	[tilespmem:s23+$0x10] =	vst v5  }
0x5c: {  	[tilespmem:s23+$0xFFFFFFF0] =	vst v6;
	v5 =	vmul.f32 v10, v3  }
0x5d: {  	[tilespmem:s23+$0xFFFFFFE0] =	vst v4;
	v4 =	vmul.f32 v11, v3  }
0x5e: {  	[tilespmem:s23+$0x20] =	vst v5  }
0x5f: {  	[tilespmem:s23+$0x30] =	vst v4  }
0x60: {  	[tilespmem:s23+$0xFFFFFFC0] =	vst v9  }
0x61: {  	[tilespmem:s23+$0xFFFFFFD0] =	vst v8;
	s23 =	smov.u32 s25  }
0x62: {  	v4 =	vld.idx.msk [tilespmem:v2+s16+$0x0], $0xffff;
	v2 =	vmov v12;
	_ =	sdelay $0x5  }
0x63: {  	v3 =	vand.u32 $0x7FFFFFFF, v3;
	_ =	sdelay $0x1  }
0x64: {  	[tilespmem:v4+s18+$0x0] =	vst.idx.add.f32.msk $0x1, v3  }
.Ltmp3:
0x65: {  	v5 =	vld [tilespmem:s25+$0x10];
	(pc) =	sbr.rel @p0 .LBB2_9-.Ltmp3, $4  }
0x66: {  	v4 =	vld [tilespmem:s25+$0xFFFFFFE0]  }
0x67: {  	v6 =	vld [tilespmem:s25+$0xFFFFFFF0]  }
0x68: {  	v3 =	vld.idx.msk [tilespmem:v12+s17+$0x0], $0xffff  }
0x69: {  	v7 =	vld [tilespmem:s25+$0x0]  }
0x6a: {  	_ =	sdelay $0x1  }
0x6b: {  	v9 =	vld [tilespmem:s23+$0x20]  }
0x6c: {  	v10 =	vld [tilespmem:s23+$0x30];
	v5 =	vmul.f32 v5, v3  }
0x6d: {  	v11 =	vld [tilespmem:s23+$0xFFFFFFC0];
	v6 =	vmul.f32 v6, v3  }
0x6e: {  	v8 =	vld [tilespmem:s23+$0xFFFFFFD0];
	v4 =	vmul.f32 v4, v3;
	[tilespmem:s23+$0x10] =	vst v5  }
0x6f: {  	v7 =	vmul.f32 v7, v3;
	[tilespmem:s23+$0xFFFFFFF0] =	vst v6  }
0x70: {  	v60 =	vmul.f32 v9, v3;
	[tilespmem:s23+$0xFFFFFFE0] =	vst v4  }
0x71: {  	v61 =	vmul.f32 v10, v3;
	[tilespmem:s23+$0x0] =	vst v7  }
0x72: {  	v62 =	vmul.f32 v11, v3;
	[tilespmem:s23+$0x20] =	vst v60  }
0x73: {  	v63 =	vmul.f32 v8, v3;
	[tilespmem:s23+$0x30] =	vst v61  }
0x74: {  	[tilespmem:s23+$0xFFFFFFC0] =	vst v62  }
0x75: {  	[tilespmem:s23+$0xFFFFFFD0] =	vst v63  }
0x76: {  	v2 =	vld.idx.msk [tilespmem:v2+s16+$0x0], $0xffff;
	_ =	sdelay $0x5  }
0x77: {  	s22 =	sadd.s32 $0x1, s22  }
0x78: {  	p0 =	sne.s32 s22, $0x7D;
	v3 =	vand.u32 $0x7FFFFFFF, v3  }
.Ltmp4:
0x79: {  	[tilespmem:v2+s18+$0x0] =	vst.idx.add.f32.msk $0x1, v3;
	(pc) =	sbr.rel @p0 .LBB2_8-.Ltmp4, $4  }
0x7a: {  	[spmem:s3] =	stream.indirect.scatter.add.f32 [tilespmem:s14], [sflag:$0x1], $0x80, s16, s13, $0xb8;
	[tilespmem:$0x19180] =	vst v63  }
0x7b: {  	_ =	swait.ge [sflag:s15], $0x2800  }
0x7c: {  	[sflag:s15] =	ssyncset.done $0x0  }
0x7d: {  	[sflag:s15] =	ssyncadd.s32 $0xFFFFD800  }
0x7e: {  	[hbm4b:s10+s16] =	stream.strided.scatter [tilespmem:s18], [sflag:$0x1], $0x2800, s19, s16, $0x38;
	[tilespmem:$0x19180] =	vst v63  }
0x7f: {  	_ =	swait.ge [sflag:s15], $0x2800  }
0x80: {  	[sflag:s15] =	ssyncset.done $0x0  }
0x81: {  	s21 =	sadd.s32 $0x0, s8;
	[sflag:s15] =	ssyncadd.s32 $0xFFFFD800  }
0x82: {  	v2 =	vor.u32 s21, v1;
	s23 =	sadd.s32 $0x40, s21;
	[bflag:$0x0] =	sbarrier.arrive $0xFFFF  }
0x83: {  	s22 =	sadd.s32 $0x10, s21;
	v3 =	vor.u32 s23, v1;
	[tilespmem:$0x0] =	vst v2  }
0x84: {  	s31 =	sadd.s32 $0x30, s21;
	v2 =	vor.u32 s22, v1;
	[tilespmem:$0x40] =	vst v3  }
0x85: {  	s21 =	sadd.s32 $0x20, s21;
	[tilespmem:$0x10] =	vst v2;
	v2 =	vor.u32 s31, v1  }
0x86: {  	[tilespmem:$0x30] =	vst v2;
	v2 =	vor.u32 s21, v1  }
0x87: {  	[tilespmem:$0x20] =	vst v2  }
0x88: {  	[tilespmem:s14], [sflag:$0x1] =	stream.indirect.gather [spmem:s3], $0x80, s5, s13, $0xb8;
	[tilespmem:$0x19180] =	vst v63  }
0x89: {  	_ =	swait.ge [sflag:s15], $0x2800  }
0x8a: {  	s23 =	smov.u32 s12;
	[sflag:s15] =	ssyncset.done $0x0  }
0x8b: {  	s22 =	sadd.s32 $0x500, s12;
	s21 =	simm.s32 $0x50;
	[sflag:s15] =	ssyncadd.s32 $0xFFFFD800  }
.LBB2_12:
0x8c: {  	[hbm4b:s23+s5] =	stream.linear.scatter [tilespmem:s14], [sflag:$0x1], $0x2800, $0x38;
	[tilespmem:$0x19180] =	vst v63  }
0x8d: {  	s24 =	smov.u32 s21;
	s23 =	smov.u32 s22  }
0x8e: {  	p0 =	sne.s32 s21, $0x230;
	s21 =	sadd.s32 $0x50, s21;
	_ =	swait.ge [sflag:s15], $0x2800  }
0x8f: {  	s24 =	sadd.s32 s24, s8;
	[sflag:s15] =	ssyncset.done $0x0  }
0x90: {  	v2 =	vor.u32 s24, v1;
	s25 =	sadd.s32 $0x10, s24;
	s26 =	sadd.s32 $0x20, s24;
	[sflag:s15] =	ssyncadd.s32 $0xFFFFD800  }
0x91: {  	v3 =	vor.u32 s26, v1;
	[tilespmem:$0x0] =	vst v2;
	v2 =	vor.u32 s25, v1;
	s25 =	sadd.s32 $0x30, s24;
	s24 =	sadd.s32 $0x40, s24  }
0x92: {  	[tilespmem:$0x10] =	vst v2;
	v2 =	vor.u32 s25, v1;
	v4 =	vor.u32 s24, v1  }
0x93: {  	[tilespmem:$0x30] =	vst v2  }
0x94: {  	[tilespmem:$0x40] =	vst v4  }
.Ltmp5:
0x95: {  	[tilespmem:$0x20] =	vst v3;
	(pc) =	sbr.rel @p0 .LBB2_12-.Ltmp5, $4  }
0x96: {  	[tilespmem:s14], [sflag:$0x1] =	stream.indirect.gather [spmem:s3], $0x80, s5, s13, $0xb8;
	[tilespmem:$0x19180] =	vst v63  }
0x97: {  	_ =	swait.ge [sflag:s15], $0x2800  }
0x98: {  	[sflag:s15] =	ssyncset.done $0x0  }
0x99: {  	s22 =	sadd.s32 $0x500, s22;
	[sflag:s15] =	ssyncadd.s32 $0xFFFFD800  }
0x9a: {  	s20 =	sadd.s32 $0x1, s20  }
0x9b: {  	p0 =	sne.s32 s20, s11  }
.Ltmp6:
0x9c: {  	_ = 	snop;
	(pc) =	sbr.rel @p0 .LBB2_1-.Ltmp6, $4  }
0x9d: {  	[hbm4b:s23+s5] =	stream.linear.scatter [tilespmem:s14], [sflag:$0x1], $0x2800, $0x38;
	[tilespmem:$0x19180] =	vst v63  }
0x9e: {  	_ =	swait.ge [sflag:s15], $0x2800  }
0x9f: {  	[sflag:s15] =	ssyncset.done $0x0  }
0xa0: {  	[sflag:s15] =	ssyncadd.s32 $0xFFFFD800  }
0xa1: {  	_ =	sfence.sel $0x180000  }
0xa2: {  	[bflag:$0x0] =	sbarrier.arrive $0xFFFF  }
0xa3: {  	p0 =	sne.s32 s4, $0x0;
	_ =	strace $0x90000047  }
0xa4: {  	s0 =	sadd.s32 @!p0 $0x100000, s0;
	[bflag:$0x2] =	sbarrier.arrive $0xFFFF  }
0xa5: {  	[sflag:s0] =	ssyncadd.tile.s32 @!p0 $0x1;
	_ =	shalt  }
.Lfunc_end2:
_tile_overlayer_lowered:
.L_overlay_start_2:
0xa6: {  	(tag) =	ssettag $0x2  }
0xa7: {  	s0 =	rddreg [dreg:$0x0];
	s2 =	stileid.u32  }
0xa8: {  	s1 =	rddreg [dreg:$0x1];
	p0 =	sne.s32 s2, $0x0  }
0xa9: {  	s3 =	rddreg [dreg:$0x2];
	[bflag:$0x3] =	sbarrier.arrive $0xFFFF;
	s2 =	simm.s32 @!p0 $0x1C01  }
0xaa: {  	[timem:s3], [sflag:s2] =	dma.local @!p0 [hbm:s0], s1  }
0xab: {  	s0 =	simm.s32 @!p0 $0x1  }
0xac: {  	_ =	swait.ge @!p0 [sflag:s0], s1  }
0xad: {  	s1 =	ssub.s32 @!p0 $0x0, s1;
	[sflag:s0] =	ssyncset.done @!p0 $0x0  }
0xae: {  	[sflag:s0] =	ssyncadd.s32 @!p0 s1  }
0xaf: {  	[bflag:$0x3] =	sbarrier.arrive $0xFFFF  }
0xb0: {  	_ =	shalt  }

</sc_bundles>
